<compile_context>
chip_gen: v7x
topology: tpu7x:2x2x1
jax: 0.10.2.dev20260603
libtpu: 0.0.44.dev20260713+nightly
codegen_flags: <defaults>
</compile_context>

<pallas_src>
import jax
import jax.numpy as jnp
from jax import lax
from jax.experimental import pallas as pl
from jax.experimental.pallas import tpu as pltpu
from jax.experimental.pallas import tpu_sc as plsc

_NC = 2
_NS = 16
_CHUNK = 80
_CW = 128
_CR = 80


def _node_pad(n_nodes):
    return -(-n_nodes // (_NS * _CR)) * (_NS * _CR)


def _make_edge_agg(n_nodes, n_edges, feat):
    nw = _NC * _NS
    epw = n_edges // nw
    nchunks = epw // _CHUNK
    npad = _node_pad(n_nodes)
    rps = npad // _NS
    niw = rps // _CR

    mesh = plsc.VectorSubcoreMesh(core_axis_name="c", subcore_axis_name="s")

    npairs = nchunks // 2

    def body(h_hbm, src3_hbm, dst3_hbm, zf_hbm, agg_hbm,
             sidx, didx, rows0, rows1, agg_sh, sem0, sem1):
        stage = rows0
        cid = lax.axis_index("c")
        sid = lax.axis_index("s")
        wid = sid * _NC + cid
        rb = sid * rps

        pltpu.sync_copy(src3_hbm.at[wid], sidx)
        pltpu.sync_copy(dst3_hbm.at[wid], didx)

        pltpu.sync_copy(zf_hbm, stage)
        for j in range(niw):
            pltpu.sync_copy(stage, agg_sh.at[pl.ds(rb + j * _CR, _CR)])
        plsc.subcore_barrier()

        def sl(ref, c):
            return ref.at[pl.ds(c * _CHUNK, _CHUNK)]

        pltpu.async_copy(h_hbm.at[sl(sidx, 0)], rows0, sem0)

        @pl.loop(0, npairs)
        def pair(p):
            c0 = 2 * p
            c1 = c0 + 1
            c2 = jnp.minimum(c0 + 2, nchunks - 1)
            pltpu.async_copy(h_hbm.at[sl(sidx, c1)], rows1, sem1)
            pltpu.make_async_copy(h_hbm.at[sl(sidx, c0)], rows0,
                                  sem0).wait()
            pltpu.sync_copy(rows0, agg_sh.at[sl(didx, c0)], add=True)
            pltpu.async_copy(h_hbm.at[sl(sidx, c2)], rows0, sem0)
            pltpu.make_async_copy(h_hbm.at[sl(sidx, c1)], rows1,
                                  sem1).wait()
            pltpu.sync_copy(rows1, agg_sh.at[sl(didx, c1)], add=True)

        pltpu.make_async_copy(h_hbm.at[sl(sidx, 0)], rows0, sem0).wait()
        if nchunks % 2 == 1:
            pltpu.sync_copy(rows0, agg_sh.at[sl(didx, nchunks - 1)],
                            add=True)

        plsc.subcore_barrier()
        for j in range(niw):
            ro = rb + j * _CR
            pltpu.sync_copy(agg_sh.at[pl.ds(ro, _CR)], stage)
            pltpu.sync_copy(stage, agg_hbm.at[pl.ds(cid * npad + ro, _CR)])

    return pl.kernel(
        body,
        out_type=jax.ShapeDtypeStruct((_NC * npad, feat), jnp.float32),
        mesh=mesh,
        scratch_types=[
            pltpu.VMEM((epw,), jnp.int32),
            pltpu.VMEM((epw,), jnp.int32),
            pltpu.VMEM((_CHUNK, feat), jnp.float32),
            pltpu.VMEM((_CHUNK, feat), jnp.float32),
            pltpu.VMEM_SHARED((npad, feat), jnp.float32),
            pltpu.SemaphoreType.DMA,
            pltpu.SemaphoreType.DMA,
        ])


def _make_edge_cnt(n_nodes, n_edges):
    nw = _NC * _NS
    epw = n_edges // nw
    nchunks = epw // _CHUNK
    npad = _node_pad(n_nodes)
    rps = npad // _NS
    niw = rps // _CR

    mesh = plsc.VectorSubcoreMesh(core_axis_name="c", subcore_axis_name="s")

    ck = _CHUNK
    ncc = epw // ck

    def body(dst3_hbm, zc_hbm, ones_hbm, cnt_hbm,
             didx, ones_v, cstage, cnt_sh):
        cid = lax.axis_index("c")
        sid = lax.axis_index("s")
        wid = sid * _NC + cid
        rb = sid * rps

        pltpu.sync_copy(dst3_hbm.at[wid], didx)
        pltpu.sync_copy(zc_hbm, cstage)
        pltpu.sync_copy(ones_hbm, ones_v)
        for j in range(niw):
            pltpu.sync_copy(cstage, cnt_sh.at[pl.ds(rb + j * _CR, _CR)])
        plsc.subcore_barrier()

        @pl.loop(0, ncc)
        def group(g):
            pltpu.sync_copy(ones_v, cnt_sh.at[didx.at[pl.ds(g * ck, ck)]],
                            add=True)

        plsc.subcore_barrier()
        for j in range(niw):
            ro = rb + j * _CR
            pltpu.sync_copy(cnt_sh.at[pl.ds(ro, _CR)], cstage)
            pltpu.sync_copy(cstage, cnt_hbm.at[pl.ds(cid * npad + ro, _CR)])

    return pl.kernel(
        body,
        out_type=jax.ShapeDtypeStruct((_NC * npad, _CW), jnp.float32),
        mesh=mesh,
        scratch_types=[
            pltpu.VMEM((epw,), jnp.int32),
            pltpu.VMEM((_CHUNK, _CW), jnp.float32),
            pltpu.VMEM((_CR, _CW), jnp.float32),
            pltpu.VMEM_SHARED((npad, _CW), jnp.float32),
        ])


def _embed_tc(x2, emb):
    n = x2.shape[0]
    t, e = emb.shape
    blk = 1000

    def body(x_ref, emb_ref, o_ref):
        x = x_ref[...]
        oh = (x == lax.broadcasted_iota(jnp.int32, (blk, t), 1)).astype(
            jnp.float32)
        o_ref[...] = jnp.dot(oh, emb_ref[...],
                             preferred_element_type=jnp.float32,
                     precision=lax.Precision.HIGHEST)

    return pl.pallas_call(
        body,
        grid=(n // blk,),
        in_specs=[pl.BlockSpec((blk, 1), lambda i: (i, 0)),
                  pl.BlockSpec((t, e), lambda i: (0, 0))],
        out_specs=pl.BlockSpec((blk, e), lambda i: (i, 0)),
        out_shape=jax.ShapeDtypeStruct((n, e), jnp.float32),
    )(x2, emb)


def _conv_tc(agg, cnt, h, wl_t, wr_t, b2d):
    n, f = h.shape
    npad = agg.shape[0] // _NC
    blk = 1000

    def body(a_ref, c_ref, h_ref, wl_ref, wr_ref, b_ref, o_ref):
        asum = a_ref[0] + a_ref[1]
        csum = c_ref[0][:, :1] + c_ref[1][:, :1]
        mean = asum / jnp.maximum(csum, 1.0)
        o = jnp.dot(mean, wl_ref[...], preferred_element_type=jnp.float32,
                     precision=lax.Precision.HIGHEST)
        o += jnp.dot(h_ref[...], wr_ref[...],
                     preferred_element_type=jnp.float32,
                     precision=lax.Precision.HIGHEST)
        o_ref[...] = jnp.maximum(o + b_ref[...], 0.0)

    agg3 = agg.reshape(_NC, npad, f)
    cnt3 = cnt.reshape(_NC, npad, _CW)
    return pl.pallas_call(
        body,
        grid=(n // blk,),
        in_specs=[pl.BlockSpec((_NC, blk, f), lambda i: (0, i, 0)),
                  pl.BlockSpec((_NC, blk, _CW), lambda i: (0, i, 0)),
                  pl.BlockSpec((blk, f), lambda i: (i, 0)),
                  pl.BlockSpec((f, f), lambda i: (0, 0)),
                  pl.BlockSpec((f, f), lambda i: (0, 0)),
                  pl.BlockSpec((1, f), lambda i: (0, 0))],
        out_specs=pl.BlockSpec((blk, f), lambda i: (i, 0)),
        out_shape=jax.ShapeDtypeStruct((n, f), jnp.float32),
    )(agg3, cnt3, h, wl_t, wr_t, b2d)


def _conv_pool_tc(agg, cnt, h, wl_t, wr_t, b2d, batch2, num_graphs):
    n, f = h.shape
    npad = agg.shape[0] // _NC
    blk = 1000

    def body(a_ref, c_ref, h_ref, wl_ref, wr_ref, b_ref, bt_ref,
             gs_ref, gc_ref):
        i = pl.program_id(0)
        asum = a_ref[0] + a_ref[1]
        csum = c_ref[0][:, :1] + c_ref[1][:, :1]
        mean = asum / jnp.maximum(csum, 1.0)
        o = jnp.dot(mean, wl_ref[...], preferred_element_type=jnp.float32,
                     precision=lax.Precision.HIGHEST)
        o += jnp.dot(h_ref[...], wr_ref[...],
                     preferred_element_type=jnp.float32,
                     precision=lax.Precision.HIGHEST)
        h2 = jnp.maximum(o + b_ref[...], 0.0)
        bt = bt_ref[...]
        oh = (bt == lax.broadcasted_iota(jnp.int32, (blk, num_graphs),
                                         1)).astype(jnp.float32)
        ps = lax.dot_general(oh, h2, (((0,), (0,)), ((), ())),
                             preferred_element_type=jnp.float32,
                     precision=lax.Precision.HIGHEST)
        pc = jnp.broadcast_to(jnp.sum(oh, axis=0)[:, None], (num_graphs, f))

        @pl.when(i == 0)
        def _():
            gs_ref[...] = ps
            gc_ref[...] = pc

        @pl.when(i != 0)
        def _():
            gs_ref[...] += ps
            gc_ref[...] += pc

    agg3 = agg.reshape(_NC, npad, f)
    cnt3 = cnt.reshape(_NC, npad, _CW)
    return pl.pallas_call(
        body,
        grid=(n // blk,),
        in_specs=[pl.BlockSpec((_NC, blk, f), lambda i: (0, i, 0)),
                  pl.BlockSpec((_NC, blk, _CW), lambda i: (0, i, 0)),
                  pl.BlockSpec((blk, f), lambda i: (i, 0)),
                  pl.BlockSpec((f, f), lambda i: (0, 0)),
                  pl.BlockSpec((f, f), lambda i: (0, 0)),
                  pl.BlockSpec((1, f), lambda i: (0, 0)),
                  pl.BlockSpec((blk, 1), lambda i: (i, 0))],
        out_specs=[pl.BlockSpec((num_graphs, f), lambda i: (0, 0)),
                   pl.BlockSpec((num_graphs, f), lambda i: (0, 0))],
        out_shape=[jax.ShapeDtypeStruct((num_graphs, f), jnp.float32),
                   jax.ShapeDtypeStruct((num_graphs, f), jnp.float32)],
    )(agg3, cnt3, h, wl_t, wr_t, b2d, batch2)


def _mlp_tc(gs, gc, sol, w1g_t, w1s_t, b1_2d, w2_t, b2_2d, w3_t, b3_2d):
    ng, f = gs.shape
    o = w3_t.shape[1]

    def body(gs_ref, gc_ref, sol_ref, w1g, w1s, b1r, w2, b2r, w3, b3r,
             o_ref):
        g = gs_ref[...] / jnp.maximum(gc_ref[...], 1.0)
        z = jnp.dot(g, w1g[...], preferred_element_type=jnp.float32,
                     precision=lax.Precision.HIGHEST)
        z += jnp.dot(sol_ref[...], w1s[...],
                     preferred_element_type=jnp.float32,
                     precision=lax.Precision.HIGHEST)
        z = jnp.maximum(z + b1r[...], 0.0)
        z = jnp.maximum(
            jnp.dot(z, w2[...], preferred_element_type=jnp.float32,
                     precision=lax.Precision.HIGHEST)
            + b2r[...], 0.0)
        o_ref[...] = (jnp.dot(z, w3[...], preferred_element_type=jnp.float32,
                     precision=lax.Precision.HIGHEST)
                      + b3r[...])

    return pl.pallas_call(
        body,
        out_shape=jax.ShapeDtypeStruct((ng, o), jnp.float32),
    )(gs, gc, sol, w1g_t, w1s_t, b1_2d, w2_t, b2_2d, w3_t, b3_2d)


def kernel(x, edge_index, batch, solution_feature, emb, W1l, W1r, b1,
           W2l, W2r, b2, Wm1, bm1, Wm2, bm2, Wm3, bm3):
    n = x.shape[0]
    n_edges = edge_index.shape[1]
    feat = emb.shape[1]
    num_graphs = solution_feature.shape[0]

    x2 = x.astype(jnp.int32).reshape(n, 1)
    nw = _NC * _NS
    src3 = edge_index[0].astype(jnp.int32).reshape(nw, n_edges // nw)
    dst3 = edge_index[1].astype(jnp.int32).reshape(nw, n_edges // nw)
    batch2 = batch.astype(jnp.int32).reshape(n, 1)

    zf = jnp.zeros((_CR, feat), jnp.float32)
    zc = jnp.zeros((_CR, _CW), jnp.float32)
    ones = jnp.ones((_CHUNK, _CW), jnp.float32)

    edge_agg = _make_edge_agg(n, n_edges, feat)
    cnt = _make_edge_cnt(n, n_edges)(dst3, zc, ones)

    h0 = _embed_tc(x2, emb)
    agg1 = edge_agg(h0, src3, dst3, zf)
    h1 = _conv_tc(agg1, cnt, h0, W1l.T, W1r.T, b1.reshape(1, -1))
    agg2 = edge_agg(h1, src3, dst3, zf)
    gs, gc = _conv_pool_tc(agg2, cnt, h1, W2l.T, W2r.T, b2.reshape(1, -1),
                           batch2, num_graphs)
    out = _mlp_tc(gs, gc, solution_feature,
                  Wm1.T[:feat], Wm1.T[feat:], bm1.reshape(1, -1),
                  Wm2.T, bm2.reshape(1, -1),
                  Wm3.T, bm3.reshape(1, -1))
    return out

# --- scband reference (transcript-rebuilt; emitter-appended) ---
"""Pipeline reference for scband-gnn-ppa-predictor-46136538693907 (READ-ONLY COPY).

The authoritative reference and input builder live on the scoring server;
editing this copy changes nothing except your own understanding.
"""

import jax, jax.numpy as jnp
import numpy as np

N_NODES = 10000
N_EDGES = 320000
NUM_TYPES = 64
EMB = 128
HID = 128
SOL = 16
NUM_GRAPHS = 64


def setup_inputs(seed: int = 0) -> dict:
    key = jax.random.key(seed)
    ks = jax.random.split(key, 20)
    x = jax.random.randint(ks[0], (N_NODES, 1), 0, NUM_TYPES, dtype=jnp.int64)
    edge_index = jax.random.randint(ks[1], (2, N_EDGES), 0, N_NODES, dtype=jnp.int64)
    batch = jnp.sort(jax.random.randint(ks[2], (N_NODES,), 0, NUM_GRAPHS, dtype=jnp.int64))
    solution_feature = jax.random.normal(ks[3], (NUM_GRAPHS, SOL), dtype=jnp.float32)
    emb = jax.random.normal(ks[4], (NUM_TYPES, EMB), dtype=jnp.float32) * 0.1
    W1l = jax.random.normal(ks[5], (HID, EMB), dtype=jnp.float32) * (1.0 / np.sqrt(EMB))
    W1r = jax.random.normal(ks[6], (HID, EMB), dtype=jnp.float32) * (1.0 / np.sqrt(EMB))
    b1 = jnp.zeros((HID,), dtype=jnp.float32)
    W2l = jax.random.normal(ks[7], (HID, HID), dtype=jnp.float32) * (1.0 / np.sqrt(HID))
    W2r = jax.random.normal(ks[8], (HID, HID), dtype=jnp.float32) * (1.0 / np.sqrt(HID))
    b2 = jnp.zeros((HID,), dtype=jnp.float32)
    Wm1 = jax.random.normal(ks[9], (HID, HID + SOL), dtype=jnp.float32) * (1.0 / np.sqrt(HID + SOL))
    bm1 = jnp.zeros((HID,), dtype=jnp.float32)
    Wm2 = jax.random.normal(ks[10], (HID // 2, HID), dtype=jnp.float32) * (1.0 / np.sqrt(HID))
    bm2 = jnp.zeros((HID // 2,), dtype=jnp.float32)
    Wm3 = jax.random.normal(ks[11], (2, HID // 2), dtype=jnp.float32) * (1.0 / np.sqrt(HID // 2))
    bm3 = jnp.zeros((2,), dtype=jnp.float32)
    return {"x": x, "edge_index": edge_index, "batch": batch, "solution_feature": solution_feature,
            "emb": emb, "W1l": W1l, "W1r": W1r, "b1": b1, "W2l": W2l, "W2r": W2r, "b2": b2,
            "Wm1": Wm1, "bm1": bm1, "Wm2": Wm2, "bm2": bm2, "Wm3": Wm3, "bm3": bm3}


def _sage_conv(h, edge_index, Wl, Wr, b):
    # PyG SAGEConv, mean aggregation, flow source_to_target
    src = edge_index[0]
    dst = edge_index[1]
    msgs = jnp.take(h, src, axis=0)
    agg = jax.ops.segment_sum(msgs, dst, num_segments=h.shape[0])
    cnt = jax.ops.segment_sum(jnp.ones((edge_index.shape[1],), dtype=h.dtype), dst, num_segments=h.shape[0])
    mean = agg / jnp.clip(cnt, 1.0, None)[:, None]
    return mean @ Wl.T + b + h @ Wr.T


def reference(x, edge_index, batch, solution_feature, emb, W1l, W1r, b1, W2l, W2r, b2, Wm1, bm1, Wm2, bm2, Wm3, bm3):
    h = jnp.take(emb, jnp.squeeze(x, axis=-1), axis=0)
    h = jax.nn.relu(_sage_conv(h, edge_index, W1l, W1r, b1))
    h = jax.nn.relu(_sage_conv(h, edge_index, W2l, W2r, b2))
    num_graphs = solution_feature.shape[0]
    gsum = jax.ops.segment_sum(h, batch, num_segments=num_graphs)
    gcnt = jax.ops.segment_sum(jnp.ones((h.shape[0],), dtype=h.dtype), batch, num_segments=num_graphs)
    g = gsum / jnp.clip(gcnt, 1.0, None)[:, None]
    z = jnp.concatenate([g, solution_feature.reshape(num_graphs, -1)], axis=1)
    z = jax.nn.relu(z @ Wm1.T + bm1)
    z = jax.nn.relu(z @ Wm2.T + bm2)  # dropout is identity at inference
    out = z @ Wm3.T + bm3
    return out

if __name__ == "__main__":
    import jax
    _d = setup_inputs()
    print(jax.jit(kernel)(*tuple(_d.values())))

</pallas_src>

<mosaic_0001>
#map = affine_map<(d0, d1) -> (0, 0)>
module attributes {stable_mosaic.version = 14 : i64} {
  func.func @body(%arg0: i32, %arg1: i32, %arg2: memref<10000x128xf32, #tpu.memory_space<hbm>>, %arg3: memref<32x10000xi32, #tpu.memory_space<hbm>>, %arg4: memref<32x10000xi32, #tpu.memory_space<hbm>>, %arg5: memref<80x128xf32, #tpu.memory_space<hbm>>, %arg6: memref<20480x128xf32, #tpu.memory_space<hbm>>, %arg7: memref<10000xi32, #tpu.memory_space<vmem>>, %arg8: memref<10000xi32, #tpu.memory_space<vmem>>, %arg9: memref<80x128xf32, #tpu.memory_space<vmem>>, %arg10: memref<80x128xf32, #tpu.memory_space<vmem>>, %arg11: memref<10240x128xf32, #tpu.memory_space<vmem_shared>>, %arg12: memref<!tpu.dma_semaphore, #tpu.memory_space<semaphore_mem>>, %arg13: memref<!tpu.dma_semaphore, #tpu.memory_space<semaphore_mem>>) attributes {dimension_semantics = [#tpu.dimension_semantics<core_parallel>, #tpu.dimension_semantics<subcore_parallel>], iteration_bounds = array<i64: 2, 16>, scalar_prefetch = 0 : i64, scratch_operands = 7 : i64, tpu.core_type = #tpu.core_type<sc_vector_subcore>, window_params = [{transform_indices = #map}, {transform_indices = #map}, {transform_indices = #map}, {transform_indices = #map}, {transform_indices = #map}]} {
    %mul3A = arith.constant 2 : i32
    %mul3A_0 = arith.muli %arg1, %mul3A : i32
    %add3A = arith.addi %mul3A_0, %arg0 : i32
    %mul3A_1 = arith.constant 640 : i32
    %mul3A_2 = arith.muli %arg1, %mul3A_1 : i32
    "tpu.region"() ({
      %run_scoped3A = tpu.sem_alloc : memref<!tpu.dma_semaphore, #tpu.memory_space<semaphore_mem>>
      %dma_start3A_72 = arith.constant 0 : i32
      %dma_start3A_73 = tpu.memref_slice %arg3[%add3A, %dma_start3A_72] : memref<32x10000xi32, #tpu.memory_space<hbm>> -> memref<1x10000xi32, #tpu.memory_space<hbm>>
      %dma_start3A_74 = tpu.memref_squeeze %dma_start3A_73 : memref<1x10000xi32, #tpu.memory_space<hbm>> -> memref<10000xi32, #tpu.memory_space<hbm>>
      %dma_start3A_75 = arith.constant 0 : i32
      %dma_start3A_76 = tpu.memref_slice %arg3[%add3A, %dma_start3A_75] : memref<32x10000xi32, #tpu.memory_space<hbm>> -> memref<1x10000xi32, #tpu.memory_space<hbm>>
      %dma_start3A_77 = tpu.memref_squeeze %dma_start3A_76 : memref<1x10000xi32, #tpu.memory_space<hbm>> -> memref<10000xi32, #tpu.memory_space<hbm>>
      tpu.enqueue_dma source(%dma_start3A_77 : memref<10000xi32, #tpu.memory_space<hbm>>) target(%arg7 : memref<10000xi32, #tpu.memory_space<vmem>>) target_semaphore(%run_scoped3A : memref<!tpu.dma_semaphore, #tpu.memory_space<semaphore_mem>>)
      %dma_wait3A_78 = arith.constant 0 : i32
      %dma_wait3A_79 = tpu.memref_slice %arg3[%add3A, %dma_wait3A_78] : memref<32x10000xi32, #tpu.memory_space<hbm>> -> memref<1x10000xi32, #tpu.memory_space<hbm>>
      %dma_wait3A_80 = tpu.memref_squeeze %dma_wait3A_79 : memref<1x10000xi32, #tpu.memory_space<hbm>> -> memref<10000xi32, #tpu.memory_space<hbm>>
      %dma_wait3A_81 = arith.constant 0 : i32
      %dma_wait3A_82 = tpu.memref_slice %arg3[%add3A, %dma_wait3A_81] : memref<32x10000xi32, #tpu.memory_space<hbm>> -> memref<1x10000xi32, #tpu.memory_space<hbm>>
      %dma_wait3A_83 = tpu.memref_squeeze %dma_wait3A_82 : memref<1x10000xi32, #tpu.memory_space<hbm>> -> memref<10000xi32, #tpu.memory_space<hbm>>
      tpu.wait_dma2 semaphore(%run_scoped3A : memref<!tpu.dma_semaphore, #tpu.memory_space<semaphore_mem>>) src(%dma_wait3A_83 : memref<10000xi32, #tpu.memory_space<hbm>>) dst(%arg7 : memref<10000xi32, #tpu.memory_space<vmem>>)
      tpu.yield
    }) : () -> ()
    "tpu.region"() ({
      %run_scoped3A = tpu.sem_alloc : memref<!tpu.dma_semaphore, #tpu.memory_space<semaphore_mem>>
      %dma_start3A_72 = arith.constant 0 : i32
      %dma_start3A_73 = tpu.memref_slice %arg4[%add3A, %dma_start3A_72] : memref<32x10000xi32, #tpu.memory_space<hbm>> -> memref<1x10000xi32, #tpu.memory_space<hbm>>
      %dma_start3A_74 = tpu.memref_squeeze %dma_start3A_73 : memref<1x10000xi32, #tpu.memory_space<hbm>> -> memref<10000xi32, #tpu.memory_space<hbm>>
      %dma_start3A_75 = arith.constant 0 : i32
      %dma_start3A_76 = tpu.memref_slice %arg4[%add3A, %dma_start3A_75] : memref<32x10000xi32, #tpu.memory_space<hbm>> -> memref<1x10000xi32, #tpu.memory_space<hbm>>
      %dma_start3A_77 = tpu.memref_squeeze %dma_start3A_76 : memref<1x10000xi32, #tpu.memory_space<hbm>> -> memref<10000xi32, #tpu.memory_space<hbm>>
      tpu.enqueue_dma source(%dma_start3A_77 : memref<10000xi32, #tpu.memory_space<hbm>>) target(%arg8 : memref<10000xi32, #tpu.memory_space<vmem>>) target_semaphore(%run_scoped3A : memref<!tpu.dma_semaphore, #tpu.memory_space<semaphore_mem>>)
      %dma_wait3A_78 = arith.constant 0 : i32
      %dma_wait3A_79 = tpu.memref_slice %arg4[%add3A, %dma_wait3A_78] : memref<32x10000xi32, #tpu.memory_space<hbm>> -> memref<1x10000xi32, #tpu.memory_space<hbm>>
      %dma_wait3A_80 = tpu.memref_squeeze %dma_wait3A_79 : memref<1x10000xi32, #tpu.memory_space<hbm>> -> memref<10000xi32, #tpu.memory_space<hbm>>
      %dma_wait3A_81 = arith.constant 0 : i32
      %dma_wait3A_82 = tpu.memref_slice %arg4[%add3A, %dma_wait3A_81] : memref<32x10000xi32, #tpu.memory_space<hbm>> -> memref<1x10000xi32, #tpu.memory_space<hbm>>
      %dma_wait3A_83 = tpu.memref_squeeze %dma_wait3A_82 : memref<1x10000xi32, #tpu.memory_space<hbm>> -> memref<10000xi32, #tpu.memory_space<hbm>>
      tpu.wait_dma2 semaphore(%run_scoped3A : memref<!tpu.dma_semaphore, #tpu.memory_space<semaphore_mem>>) src(%dma_wait3A_83 : memref<10000xi32, #tpu.memory_space<hbm>>) dst(%arg8 : memref<10000xi32, #tpu.memory_space<vmem>>)
      tpu.yield
    }) : () -> ()
    "tpu.region"() ({
      %run_scoped3A = tpu.sem_alloc : memref<!tpu.dma_semaphore, #tpu.memory_space<semaphore_mem>>
      tpu.enqueue_dma source(%arg5 : memref<80x128xf32, #tpu.memory_space<hbm>>) target(%arg9 : memref<80x128xf32, #tpu.memory_space<vmem>>) target_semaphore(%run_scoped3A : memref<!tpu.dma_semaphore, #tpu.memory_space<semaphore_mem>>)
      tpu.wait_dma2 semaphore(%run_scoped3A : memref<!tpu.dma_semaphore, #tpu.memory_space<semaphore_mem>>) src(%arg5 : memref<80x128xf32, #tpu.memory_space<hbm>>) dst(%arg9 : memref<80x128xf32, #tpu.memory_space<vmem>>)
      tpu.yield
    }) : () -> ()
    %add3A_3 = arith.constant 0 : i32
    %add3A_4 = arith.addi %mul3A_2, %add3A_3 : i32
    "tpu.region"() ({
      %run_scoped3A = tpu.sem_alloc : memref<!tpu.dma_semaphore, #tpu.memory_space<semaphore_mem>>
      %dma_start3A_72 = arith.constant 0 : i32
      %dma_start3A_73 = tpu.memref_slice %arg11[%add3A_4, %dma_start3A_72] : memref<10240x128xf32, #tpu.memory_space<vmem_shared>> -> memref<80x128xf32, #tpu.memory_space<vmem_shared>>
      %dma_start3A_74 = arith.constant 0 : i32
      %dma_start3A_75 = tpu.memref_slice %arg11[%add3A_4, %dma_start3A_74] : memref<10240x128xf32, #tpu.memory_space<vmem_shared>> -> memref<80x128xf32, #tpu.memory_space<vmem_shared>>
      tpu.enqueue_dma source(%arg9 : memref<80x128xf32, #tpu.memory_space<vmem>>) target(%dma_start3A_75 : memref<80x128xf32, #tpu.memory_space<vmem_shared>>) target_semaphore(%run_scoped3A : memref<!tpu.dma_semaphore, #tpu.memory_space<semaphore_mem>>)
      %dma_wait3A_76 = arith.constant 0 : i32
      %dma_wait3A_77 = tpu.memref_slice %arg11[%add3A_4, %dma_wait3A_76] : memref<10240x128xf32, #tpu.memory_space<vmem_shared>> -> memref<80x128xf32, #tpu.memory_space<vmem_shared>>
      %dma_wait3A_78 = arith.constant 0 : i32
      %dma_wait3A_79 = tpu.memref_slice %arg11[%add3A_4, %dma_wait3A_78] : memref<10240x128xf32, #tpu.memory_space<vmem_shared>> -> memref<80x128xf32, #tpu.memory_space<vmem_shared>>
      tpu.wait_dma2 semaphore(%run_scoped3A : memref<!tpu.dma_semaphore, #tpu.memory_space<semaphore_mem>>) src(%arg9 : memref<80x128xf32, #tpu.memory_space<vmem>>) dst(%dma_wait3A_79 : memref<80x128xf32, #tpu.memory_space<vmem_shared>>)
      tpu.yield
    }) : () -> ()
    %add3A_5 = arith.constant 80 : i32
    %add3A_6 = arith.addi %mul3A_2, %add3A_5 : i32
    "tpu.region"() ({
      %run_scoped3A = tpu.sem_alloc : memref<!tpu.dma_semaphore, #tpu.memory_space<semaphore_mem>>
      %dma_start3A_72 = arith.constant 0 : i32
      %dma_start3A_73 = tpu.memref_slice %arg11[%add3A_6, %dma_start3A_72] : memref<10240x128xf32, #tpu.memory_space<vmem_shared>> -> memref<80x128xf32, #tpu.memory_space<vmem_shared>>
      %dma_start3A_74 = arith.constant 0 : i32
      %dma_start3A_75 = tpu.memref_slice %arg11[%add3A_6, %dma_start3A_74] : memref<10240x128xf32, #tpu.memory_space<vmem_shared>> -> memref<80x128xf32, #tpu.memory_space<vmem_shared>>
      tpu.enqueue_dma source(%arg9 : memref<80x128xf32, #tpu.memory_space<vmem>>) target(%dma_start3A_75 : memref<80x128xf32, #tpu.memory_space<vmem_shared>>) target_semaphore(%run_scoped3A : memref<!tpu.dma_semaphore, #tpu.memory_space<semaphore_mem>>)
      %dma_wait3A_76 = arith.constant 0 : i32
      %dma_wait3A_77 = tpu.memref_slice %arg11[%add3A_6, %dma_wait3A_76] : memref<10240x128xf32, #tpu.memory_space<vmem_shared>> -> memref<80x128xf32, #tpu.memory_space<vmem_shared>>
      %dma_wait3A_78 = arith.constant 0 : i32
      %dma_wait3A_79 = tpu.memref_slice %arg11[%add3A_6, %dma_wait3A_78] : memref<10240x128xf32, #tpu.memory_space<vmem_shared>> -> memref<80x128xf32, #tpu.memory_space<vmem_shared>>
      tpu.wait_dma2 semaphore(%run_scoped3A : memref<!tpu.dma_semaphore, #tpu.memory_space<semaphore_mem>>) src(%arg9 : memref<80x128xf32, #tpu.memory_space<vmem>>) dst(%dma_wait3A_79 : memref<80x128xf32, #tpu.memory_space<vmem_shared>>)
      tpu.yield
    }) : () -> ()
    %add3A_7 = arith.constant 160 : i32
    %add3A_8 = arith.addi %mul3A_2, %add3A_7 : i32
    "tpu.region"() ({
      %run_scoped3A = tpu.sem_alloc : memref<!tpu.dma_semaphore, #tpu.memory_space<semaphore_mem>>
      %dma_start3A_72 = arith.constant 0 : i32
      %dma_start3A_73 = tpu.memref_slice %arg11[%add3A_8, %dma_start3A_72] : memref<10240x128xf32, #tpu.memory_space<vmem_shared>> -> memref<80x128xf32, #tpu.memory_space<vmem_shared>>
      %dma_start3A_74 = arith.constant 0 : i32
      %dma_start3A_75 = tpu.memref_slice %arg11[%add3A_8, %dma_start3A_74] : memref<10240x128xf32, #tpu.memory_space<vmem_shared>> -> memref<80x128xf32, #tpu.memory_space<vmem_shared>>
      tpu.enqueue_dma source(%arg9 : memref<80x128xf32, #tpu.memory_space<vmem>>) target(%dma_start3A_75 : memref<80x128xf32, #tpu.memory_space<vmem_shared>>) target_semaphore(%run_scoped3A : memref<!tpu.dma_semaphore, #tpu.memory_space<semaphore_mem>>)
      %dma_wait3A_76 = arith.constant 0 : i32
      %dma_wait3A_77 = tpu.memref_slice %arg11[%add3A_8, %dma_wait3A_76] : memref<10240x128xf32, #tpu.memory_space<vmem_shared>> -> memref<80x128xf32, #tpu.memory_space<vmem_shared>>
      %dma_wait3A_78 = arith.constant 0 : i32
      %dma_wait3A_79 = tpu.memref_slice %arg11[%add3A_8, %dma_wait3A_78] : memref<10240x128xf32, #tpu.memory_space<vmem_shared>> -> memref<80x128xf32, #tpu.memory_space<vmem_shared>>
      tpu.wait_dma2 semaphore(%run_scoped3A : memref<!tpu.dma_semaphore, #tpu.memory_space<semaphore_mem>>) src(%arg9 : memref<80x128xf32, #tpu.memory_space<vmem>>) dst(%dma_wait3A_79 : memref<80x128xf32, #tpu.memory_space<vmem_shared>>)
      tpu.yield
    }) : () -> ()
    %add3A_9 = arith.constant 240 : i32
    %add3A_10 = arith.addi %mul3A_2, %add3A_9 : i32
    "tpu.region"() ({
      %run_scoped3A = tpu.sem_alloc : memref<!tpu.dma_semaphore, #tpu.memory_space<semaphore_mem>>
      %dma_start3A_72 = arith.constant 0 : i32
      %dma_start3A_73 = tpu.memref_slice %arg11[%add3A_10, %dma_start3A_72] : memref<10240x128xf32, #tpu.memory_space<vmem_shared>> -> memref<80x128xf32, #tpu.memory_space<vmem_shared>>
      %dma_start3A_74 = arith.constant 0 : i32
      %dma_start3A_75 = tpu.memref_slice %arg11[%add3A_10, %dma_start3A_74] : memref<10240x128xf32, #tpu.memory_space<vmem_shared>> -> memref<80x128xf32, #tpu.memory_space<vmem_shared>>
      tpu.enqueue_dma source(%arg9 : memref<80x128xf32, #tpu.memory_space<vmem>>) target(%dma_start3A_75 : memref<80x128xf32, #tpu.memory_space<vmem_shared>>) target_semaphore(%run_scoped3A : memref<!tpu.dma_semaphore, #tpu.memory_space<semaphore_mem>>)
      %dma_wait3A_76 = arith.constant 0 : i32
      %dma_wait3A_77 = tpu.memref_slice %arg11[%add3A_10, %dma_wait3A_76] : memref<10240x128xf32, #tpu.memory_space<vmem_shared>> -> memref<80x128xf32, #tpu.memory_space<vmem_shared>>
      %dma_wait3A_78 = arith.constant 0 : i32
      %dma_wait3A_79 = tpu.memref_slice %arg11[%add3A_10, %dma_wait3A_78] : memref<10240x128xf32, #tpu.memory_space<vmem_shared>> -> memref<80x128xf32, #tpu.memory_space<vmem_shared>>
      tpu.wait_dma2 semaphore(%run_scoped3A : memref<!tpu.dma_semaphore, #tpu.memory_space<semaphore_mem>>) src(%arg9 : memref<80x128xf32, #tpu.memory_space<vmem>>) dst(%dma_wait3A_79 : memref<80x128xf32, #tpu.memory_space<vmem_shared>>)
      tpu.yield
    }) : () -> ()
    %add3A_11 = arith.constant 320 : i32
    %add3A_12 = arith.addi %mul3A_2, %add3A_11 : i32
    "tpu.region"() ({
      %run_scoped3A = tpu.sem_alloc : memref<!tpu.dma_semaphore, #tpu.memory_space<semaphore_mem>>
      %dma_start3A_72 = arith.constant 0 : i32
      %dma_start3A_73 = tpu.memref_slice %arg11[%add3A_12, %dma_start3A_72] : memref<10240x128xf32, #tpu.memory_space<vmem_shared>> -> memref<80x128xf32, #tpu.memory_space<vmem_shared>>
      %dma_start3A_74 = arith.constant 0 : i32
      %dma_start3A_75 = tpu.memref_slice %arg11[%add3A_12, %dma_start3A_74] : memref<10240x128xf32, #tpu.memory_space<vmem_shared>> -> memref<80x128xf32, #tpu.memory_space<vmem_shared>>
      tpu.enqueue_dma source(%arg9 : memref<80x128xf32, #tpu.memory_space<vmem>>) target(%dma_start3A_75 : memref<80x128xf32, #tpu.memory_space<vmem_shared>>) target_semaphore(%run_scoped3A : memref<!tpu.dma_semaphore, #tpu.memory_space<semaphore_mem>>)
      %dma_wait3A_76 = arith.constant 0 : i32
      %dma_wait3A_77 = tpu.memref_slice %arg11[%add3A_12, %dma_wait3A_76] : memref<10240x128xf32, #tpu.memory_space<vmem_shared>> -> memref<80x128xf32, #tpu.memory_space<vmem_shared>>
      %dma_wait3A_78 = arith.constant 0 : i32
      %dma_wait3A_79 = tpu.memref_slice %arg11[%add3A_12, %dma_wait3A_78] : memref<10240x128xf32, #tpu.memory_space<vmem_shared>> -> memref<80x128xf32, #tpu.memory_space<vmem_shared>>
      tpu.wait_dma2 semaphore(%run_scoped3A : memref<!tpu.dma_semaphore, #tpu.memory_space<semaphore_mem>>) src(%arg9 : memref<80x128xf32, #tpu.memory_space<vmem>>) dst(%dma_wait3A_79 : memref<80x128xf32, #tpu.memory_space<vmem_shared>>)
      tpu.yield
    }) : () -> ()
    %add3A_13 = arith.constant 400 : i32
    %add3A_14 = arith.addi %mul3A_2, %add3A_13 : i32
    "tpu.region"() ({
      %run_scoped3A = tpu.sem_alloc : memref<!tpu.dma_semaphore, #tpu.memory_space<semaphore_mem>>
      %dma_start3A_72 = arith.constant 0 : i32
      %dma_start3A_73 = tpu.memref_slice %arg11[%add3A_14, %dma_start3A_72] : memref<10240x128xf32, #tpu.memory_space<vmem_shared>> -> memref<80x128xf32, #tpu.memory_space<vmem_shared>>
      %dma_start3A_74 = arith.constant 0 : i32
      %dma_start3A_75 = tpu.memref_slice %arg11[%add3A_14, %dma_start3A_74] : memref<10240x128xf32, #tpu.memory_space<vmem_shared>> -> memref<80x128xf32, #tpu.memory_space<vmem_shared>>
      tpu.enqueue_dma source(%arg9 : memref<80x128xf32, #tpu.memory_space<vmem>>) target(%dma_start3A_75 : memref<80x128xf32, #tpu.memory_space<vmem_shared>>) target_semaphore(%run_scoped3A : memref<!tpu.dma_semaphore, #tpu.memory_space<semaphore_mem>>)
      %dma_wait3A_76 = arith.constant 0 : i32
      %dma_wait3A_77 = tpu.memref_slice %arg11[%add3A_14, %dma_wait3A_76] : memref<10240x128xf32, #tpu.memory_space<vmem_shared>> -> memref<80x128xf32, #tpu.memory_space<vmem_shared>>
      %dma_wait3A_78 = arith.constant 0 : i32
      %dma_wait3A_79 = tpu.memref_slice %arg11[%add3A_14, %dma_wait3A_78] : memref<10240x128xf32, #tpu.memory_space<vmem_shared>> -> memref<80x128xf32, #tpu.memory_space<vmem_shared>>
      tpu.wait_dma2 semaphore(%run_scoped3A : memref<!tpu.dma_semaphore, #tpu.memory_space<semaphore_mem>>) src(%arg9 : memref<80x128xf32, #tpu.memory_space<vmem>>) dst(%dma_wait3A_79 : memref<80x128xf32, #tpu.memory_space<vmem_shared>>)
      tpu.yield
    }) : () -> ()
    %add3A_15 = arith.constant 480 : i32
    %add3A_16 = arith.addi %mul3A_2, %add3A_15 : i32
    "tpu.region"() ({
      %run_scoped3A = tpu.sem_alloc : memref<!tpu.dma_semaphore, #tpu.memory_space<semaphore_mem>>
      %dma_start3A_72 = arith.constant 0 : i32
      %dma_start3A_73 = tpu.memref_slice %arg11[%add3A_16, %dma_start3A_72] : memref<10240x128xf32, #tpu.memory_space<vmem_shared>> -> memref<80x128xf32, #tpu.memory_space<vmem_shared>>
      %dma_start3A_74 = arith.constant 0 : i32
      %dma_start3A_75 = tpu.memref_slice %arg11[%add3A_16, %dma_start3A_74] : memref<10240x128xf32, #tpu.memory_space<vmem_shared>> -> memref<80x128xf32, #tpu.memory_space<vmem_shared>>
      tpu.enqueue_dma source(%arg9 : memref<80x128xf32, #tpu.memory_space<vmem>>) target(%dma_start3A_75 : memref<80x128xf32, #tpu.memory_space<vmem_shared>>) target_semaphore(%run_scoped3A : memref<!tpu.dma_semaphore, #tpu.memory_space<semaphore_mem>>)
      %dma_wait3A_76 = arith.constant 0 : i32
      %dma_wait3A_77 = tpu.memref_slice %arg11[%add3A_16, %dma_wait3A_76] : memref<10240x128xf32, #tpu.memory_space<vmem_shared>> -> memref<80x128xf32, #tpu.memory_space<vmem_shared>>
      %dma_wait3A_78 = arith.constant 0 : i32
      %dma_wait3A_79 = tpu.memref_slice %arg11[%add3A_16, %dma_wait3A_78] : memref<10240x128xf32, #tpu.memory_space<vmem_shared>> -> memref<80x128xf32, #tpu.memory_space<vmem_shared>>
      tpu.wait_dma2 semaphore(%run_scoped3A : memref<!tpu.dma_semaphore, #tpu.memory_space<semaphore_mem>>) src(%arg9 : memref<80x128xf32, #tpu.memory_space<vmem>>) dst(%dma_wait3A_79 : memref<80x128xf32, #tpu.memory_space<vmem_shared>>)
      tpu.yield
    }) : () -> ()
    %add3A_17 = arith.constant 560 : i32
    %add3A_18 = arith.addi %mul3A_2, %add3A_17 : i32
    "tpu.region"() ({
      %run_scoped3A = tpu.sem_alloc : memref<!tpu.dma_semaphore, #tpu.memory_space<semaphore_mem>>
      %dma_start3A_72 = arith.constant 0 : i32
      %dma_start3A_73 = tpu.memref_slice %arg11[%add3A_18, %dma_start3A_72] : memref<10240x128xf32, #tpu.memory_space<vmem_shared>> -> memref<80x128xf32, #tpu.memory_space<vmem_shared>>
      %dma_start3A_74 = arith.constant 0 : i32
      %dma_start3A_75 = tpu.memref_slice %arg11[%add3A_18, %dma_start3A_74] : memref<10240x128xf32, #tpu.memory_space<vmem_shared>> -> memref<80x128xf32, #tpu.memory_space<vmem_shared>>
      tpu.enqueue_dma source(%arg9 : memref<80x128xf32, #tpu.memory_space<vmem>>) target(%dma_start3A_75 : memref<80x128xf32, #tpu.memory_space<vmem_shared>>) target_semaphore(%run_scoped3A : memref<!tpu.dma_semaphore, #tpu.memory_space<semaphore_mem>>)
      %dma_wait3A_76 = arith.constant 0 : i32
      %dma_wait3A_77 = tpu.memref_slice %arg11[%add3A_18, %dma_wait3A_76] : memref<10240x128xf32, #tpu.memory_space<vmem_shared>> -> memref<80x128xf32, #tpu.memory_space<vmem_shared>>
      %dma_wait3A_78 = arith.constant 0 : i32
      %dma_wait3A_79 = tpu.memref_slice %arg11[%add3A_18, %dma_wait3A_78] : memref<10240x128xf32, #tpu.memory_space<vmem_shared>> -> memref<80x128xf32, #tpu.memory_space<vmem_shared>>
      tpu.wait_dma2 semaphore(%run_scoped3A : memref<!tpu.dma_semaphore, #tpu.memory_space<semaphore_mem>>) src(%arg9 : memref<80x128xf32, #tpu.memory_space<vmem>>) dst(%dma_wait3A_79 : memref<80x128xf32, #tpu.memory_space<vmem_shared>>)
      tpu.yield
    }) : () -> ()
    %barrier3A = arith.constant 0 : index
    tpu.barrier barrier_id(%barrier3A)
    %dma_start3A = arith.constant 0 : i32
    %dma_start3A_19 = tpu.memref_slice %arg7[%dma_start3A] : memref<10000xi32, #tpu.memory_space<vmem>> -> memref<80xi32, #tpu.memory_space<vmem>>
    %dma_start3A_20 = arith.constant 0 : i32
    %dma_start3A_21 = arith.constant 0 : i32
    %dma_start3A_22 = tpu.memref_slice %arg2[%dma_start3A_20, %dma_start3A_21] : memref<10000x128xf32, #tpu.memory_space<hbm>> -> memref<10000x128xf32, #tpu.memory_space<hbm>>
    tpu.enqueue_indirect_dma source(%dma_start3A_22 : memref<10000x128xf32, #tpu.memory_space<hbm>>) target(%arg9 : memref<80x128xf32, #tpu.memory_space<vmem>>) offsets(%dma_start3A_19 : memref<80xi32, #tpu.memory_space<vmem>>) semaphore(%arg12 : memref<!tpu.dma_semaphore, #tpu.memory_space<semaphore_mem>>)
    %scan3A = arith.constant 0 : i32
    %scan3A_23 = arith.constant 62 : i32
    %scan3A_24 = arith.addi %scan3A, %scan3A_23 : i32
    %scan3A_25 = arith.constant 1 : i32
    scf.for %scan3A_72 = %scan3A to %scan3A_24 step %scan3A_25  : i32 {
      %mul3A_73 = arith.constant 1 : i32
      %mul3A_74 = arith.muli %scan3A_72, %mul3A_73 : i32
      %add3A_75 = arith.constant 0 : i32
      %add3A_76 = arith.addi %add3A_75, %mul3A_74 : i32
      %mul3A_77 = arith.constant 2 : i32
      %mul3A_78 = arith.muli %mul3A_77, %add3A_76 : i32
      %add3A_79 = arith.constant 1 : i32
      %add3A_80 = arith.addi %mul3A_78, %add3A_79 : i32
      %add3A_81 = arith.constant 2 : i32
      %add3A_82 = arith.addi %mul3A_78, %add3A_81 : i32
      %min3A = arith.constant 124 : i32
      %min3A_83 = arith.minsi %add3A_82, %min3A : i32
      %mul3A_84 = arith.constant 80 : i32
      %mul3A_85 = arith.muli %add3A_80, %mul3A_84 : i32
      %dma_start3A_86 = tpu.memref_slice %arg7[%mul3A_85] : memref<10000xi32, #tpu.memory_space<vmem>> -> memref<80xi32, #tpu.memory_space<vmem>>
      %dma_start3A_87 = arith.constant 0 : i32
      %dma_start3A_88 = arith.constant 0 : i32
      %dma_start3A_89 = tpu.memref_slice %arg2[%dma_start3A_87, %dma_start3A_88] : memref<10000x128xf32, #tpu.memory_space<hbm>> -> memref<10000x128xf32, #tpu.memory_space<hbm>>
      tpu.enqueue_indirect_dma source(%dma_start3A_89 : memref<10000x128xf32, #tpu.memory_space<hbm>>) target(%arg10 : memref<80x128xf32, #tpu.memory_space<vmem>>) offsets(%dma_start3A_86 : memref<80xi32, #tpu.memory_space<vmem>>) semaphore(%arg13 : memref<!tpu.dma_semaphore, #tpu.memory_space<semaphore_mem>>)
      %mul3A_90 = arith.constant 80 : i32
      %mul3A_91 = arith.muli %mul3A_78, %mul3A_90 : i32
      %dma_wait3A_92 = tpu.memref_slice %arg7[%mul3A_91] : memref<10000xi32, #tpu.memory_space<vmem>> -> memref<80xi32, #tpu.memory_space<vmem>>
      %dma_wait3A_93 = arith.constant 0 : i32
      %dma_wait3A_94 = arith.constant 0 : i32
      %dma_wait3A_95 = tpu.memref_slice %arg2[%dma_wait3A_93, %dma_wait3A_94] : memref<10000x128xf32, #tpu.memory_space<hbm>> -> memref<10000x128xf32, #tpu.memory_space<hbm>>
      tpu.wait_indirect_dma semaphore(%arg12 : memref<!tpu.dma_semaphore, #tpu.memory_space<semaphore_mem>>) src(%dma_wait3A_95 : memref<10000x128xf32, #tpu.memory_space<hbm>>) dst(%arg9 : memref<80x128xf32, #tpu.memory_space<vmem>>)
      %mul3A_96 = arith.constant 80 : i32
      %mul3A_97 = arith.muli %mul3A_78, %mul3A_96 : i32
      "tpu.region"() ({
        %run_scoped3A = tpu.sem_alloc : memref<!tpu.dma_semaphore, #tpu.memory_space<semaphore_mem>>
        %dma_start3A_112 = tpu.memref_slice %arg8[%mul3A_97] : memref<10000xi32, #tpu.memory_space<vmem>> -> memref<80xi32, #tpu.memory_space<vmem>>
        %dma_start3A_113 = arith.constant 0 : i32
        %dma_start3A_114 = arith.constant 0 : i32
        %dma_start3A_115 = tpu.memref_slice %arg11[%dma_start3A_113, %dma_start3A_114] : memref<10240x128xf32, #tpu.memory_space<vmem_shared>> -> memref<10240x128xf32, #tpu.memory_space<vmem_shared>>
        tpu.enqueue_indirect_dma source(%arg9 : memref<80x128xf32, #tpu.memory_space<vmem>>) target(%dma_start3A_115 : memref<10240x128xf32, #tpu.memory_space<vmem_shared>>) offsets(%dma_start3A_112 : memref<80xi32, #tpu.memory_space<vmem>>) semaphore(%run_scoped3A : memref<!tpu.dma_semaphore, #tpu.memory_space<semaphore_mem>>) {add = true}
        %dma_wait3A_116 = tpu.memref_slice %arg8[%mul3A_97] : memref<10000xi32, #tpu.memory_space<vmem>> -> memref<80xi32, #tpu.memory_space<vmem>>
        %dma_wait3A_117 = arith.constant 0 : i32
        %dma_wait3A_118 = arith.constant 0 : i32
        %dma_wait3A_119 = tpu.memref_slice %arg11[%dma_wait3A_117, %dma_wait3A_118] : memref<10240x128xf32, #tpu.memory_space<vmem_shared>> -> memref<10240x128xf32, #tpu.memory_space<vmem_shared>>
        tpu.wait_indirect_dma semaphore(%run_scoped3A : memref<!tpu.dma_semaphore, #tpu.memory_space<semaphore_mem>>) src(%arg9 : memref<80x128xf32, #tpu.memory_space<vmem>>) dst(%dma_wait3A_119 : memref<10240x128xf32, #tpu.memory_space<vmem_shared>>)
        tpu.yield
      }) : () -> ()
      %mul3A_98 = arith.constant 80 : i32
      %mul3A_99 = arith.muli %min3A_83, %mul3A_98 : i32
      %dma_start3A_100 = tpu.memref_slice %arg7[%mul3A_99] : memref<10000xi32, #tpu.memory_space<vmem>> -> memref<80xi32, #tpu.memory_space<vmem>>
      %dma_start3A_101 = arith.constant 0 : i32
      %dma_start3A_102 = arith.constant 0 : i32
      %dma_start3A_103 = tpu.memref_slice %arg2[%dma_start3A_101, %dma_start3A_102] : memref<10000x128xf32, #tpu.memory_space<hbm>> -> memref<10000x128xf32, #tpu.memory_space<hbm>>
      tpu.enqueue_indirect_dma source(%dma_start3A_103 : memref<10000x128xf32, #tpu.memory_space<hbm>>) target(%arg9 : memref<80x128xf32, #tpu.memory_space<vmem>>) offsets(%dma_start3A_100 : memref<80xi32, #tpu.memory_space<vmem>>) semaphore(%arg12 : memref<!tpu.dma_semaphore, #tpu.memory_space<semaphore_mem>>)
      %mul3A_104 = arith.constant 80 : i32
      %mul3A_105 = arith.muli %add3A_80, %mul3A_104 : i32
      %dma_wait3A_106 = tpu.memref_slice %arg7[%mul3A_105] : memref<10000xi32, #tpu.memory_space<vmem>> -> memref<80xi32, #tpu.memory_space<vmem>>
      %dma_wait3A_107 = arith.constant 0 : i32
      %dma_wait3A_108 = arith.constant 0 : i32
      %dma_wait3A_109 = tpu.memref_slice %arg2[%dma_wait3A_107, %dma_wait3A_108] : memref<10000x128xf32, #tpu.memory_space<hbm>> -> memref<10000x128xf32, #tpu.memory_space<hbm>>
      tpu.wait_indirect_dma semaphore(%arg13 : memref<!tpu.dma_semaphore, #tpu.memory_space<semaphore_mem>>) src(%dma_wait3A_109 : memref<10000x128xf32, #tpu.memory_space<hbm>>) dst(%arg10 : memref<80x128xf32, #tpu.memory_space<vmem>>)
      %mul3A_110 = arith.constant 80 : i32
      %mul3A_111 = arith.muli %add3A_80, %mul3A_110 : i32
      "tpu.region"() ({
        %run_scoped3A = tpu.sem_alloc : memref<!tpu.dma_semaphore, #tpu.memory_space<semaphore_mem>>
        %dma_start3A_112 = tpu.memref_slice %arg8[%mul3A_111] : memref<10000xi32, #tpu.memory_space<vmem>> -> memref<80xi32, #tpu.memory_space<vmem>>
        %dma_start3A_113 = arith.constant 0 : i32
        %dma_start3A_114 = arith.constant 0 : i32
        %dma_start3A_115 = tpu.memref_slice %arg11[%dma_start3A_113, %dma_start3A_114] : memref<10240x128xf32, #tpu.memory_space<vmem_shared>> -> memref<10240x128xf32, #tpu.memory_space<vmem_shared>>
        tpu.enqueue_indirect_dma source(%arg10 : memref<80x128xf32, #tpu.memory_space<vmem>>) target(%dma_start3A_115 : memref<10240x128xf32, #tpu.memory_space<vmem_shared>>) offsets(%dma_start3A_112 : memref<80xi32, #tpu.memory_space<vmem>>) semaphore(%run_scoped3A : memref<!tpu.dma_semaphore, #tpu.memory_space<semaphore_mem>>) {add = true}
        %dma_wait3A_116 = tpu.memref_slice %arg8[%mul3A_111] : memref<10000xi32, #tpu.memory_space<vmem>> -> memref<80xi32, #tpu.memory_space<vmem>>
        %dma_wait3A_117 = arith.constant 0 : i32
        %dma_wait3A_118 = arith.constant 0 : i32
        %dma_wait3A_119 = tpu.memref_slice %arg11[%dma_wait3A_117, %dma_wait3A_118] : memref<10240x128xf32, #tpu.memory_space<vmem_shared>> -> memref<10240x128xf32, #tpu.memory_space<vmem_shared>>
        tpu.wait_indirect_dma semaphore(%run_scoped3A : memref<!tpu.dma_semaphore, #tpu.memory_space<semaphore_mem>>) src(%arg10 : memref<80x128xf32, #tpu.memory_space<vmem>>) dst(%dma_wait3A_119 : memref<10240x128xf32, #tpu.memory_space<vmem_shared>>)
        tpu.yield
      }) : () -> ()
    }
    %scan3A_26 = arith.constant 62 : i32
    %dma_wait3A = arith.constant 0 : i32
    %dma_wait3A_27 = tpu.memref_slice %arg7[%dma_wait3A] : memref<10000xi32, #tpu.memory_space<vmem>> -> memref<80xi32, #tpu.memory_space<vmem>>
    %dma_wait3A_28 = arith.constant 0 : i32
    %dma_wait3A_29 = arith.constant 0 : i32
    %dma_wait3A_30 = tpu.memref_slice %arg2[%dma_wait3A_28, %dma_wait3A_29] : memref<10000x128xf32, #tpu.memory_space<hbm>> -> memref<10000x128xf32, #tpu.memory_space<hbm>>
    tpu.wait_indirect_dma semaphore(%arg12 : memref<!tpu.dma_semaphore, #tpu.memory_space<semaphore_mem>>) src(%dma_wait3A_30 : memref<10000x128xf32, #tpu.memory_space<hbm>>) dst(%arg9 : memref<80x128xf32, #tpu.memory_space<vmem>>)
    "tpu.region"() ({
      %run_scoped3A = tpu.sem_alloc : memref<!tpu.dma_semaphore, #tpu.memory_space<semaphore_mem>>
      %dma_start3A_72 = arith.constant 9920 : i32
      %dma_start3A_73 = tpu.memref_slice %arg8[%dma_start3A_72] : memref<10000xi32, #tpu.memory_space<vmem>> -> memref<80xi32, #tpu.memory_space<vmem>>
      %dma_start3A_74 = arith.constant 0 : i32
      %dma_start3A_75 = arith.constant 0 : i32
      %dma_start3A_76 = tpu.memref_slice %arg11[%dma_start3A_74, %dma_start3A_75] : memref<10240x128xf32, #tpu.memory_space<vmem_shared>> -> memref<10240x128xf32, #tpu.memory_space<vmem_shared>>
      tpu.enqueue_indirect_dma source(%arg9 : memref<80x128xf32, #tpu.memory_space<vmem>>) target(%dma_start3A_76 : memref<10240x128xf32, #tpu.memory_space<vmem_shared>>) offsets(%dma_start3A_73 : memref<80xi32, #tpu.memory_space<vmem>>) semaphore(%run_scoped3A : memref<!tpu.dma_semaphore, #tpu.memory_space<semaphore_mem>>) {add = true}
      %dma_wait3A_77 = arith.constant 9920 : i32
      %dma_wait3A_78 = tpu.memref_slice %arg8[%dma_wait3A_77] : memref<10000xi32, #tpu.memory_space<vmem>> -> memref<80xi32, #tpu.memory_space<vmem>>
      %dma_wait3A_79 = arith.constant 0 : i32
      %dma_wait3A_80 = arith.constant 0 : i32
      %dma_wait3A_81 = tpu.memref_slice %arg11[%dma_wait3A_79, %dma_wait3A_80] : memref<10240x128xf32, #tpu.memory_space<vmem_shared>> -> memref<10240x128xf32, #tpu.memory_space<vmem_shared>>
      tpu.wait_indirect_dma semaphore(%run_scoped3A : memref<!tpu.dma_semaphore, #tpu.memory_space<semaphore_mem>>) src(%arg9 : memref<80x128xf32, #tpu.memory_space<vmem>>) dst(%dma_wait3A_81 : memref<10240x128xf32, #tpu.memory_space<vmem_shared>>)
      tpu.yield
    }) : () -> ()
    %barrier3A_31 = arith.constant 0 : index
    tpu.barrier barrier_id(%barrier3A_31)
    %add3A_32 = arith.constant 0 : i32
    %add3A_33 = arith.addi %mul3A_2, %add3A_32 : i32
    "tpu.region"() ({
      %run_scoped3A = tpu.sem_alloc : memref<!tpu.dma_semaphore, #tpu.memory_space<semaphore_mem>>
      %dma_start3A_72 = arith.constant 0 : i32
      %dma_start3A_73 = tpu.memref_slice %arg11[%add3A_33, %dma_start3A_72] : memref<10240x128xf32, #tpu.memory_space<vmem_shared>> -> memref<80x128xf32, #tpu.memory_space<vmem_shared>>
      %dma_start3A_74 = arith.constant 0 : i32
      %dma_start3A_75 = tpu.memref_slice %arg11[%add3A_33, %dma_start3A_74] : memref<10240x128xf32, #tpu.memory_space<vmem_shared>> -> memref<80x128xf32, #tpu.memory_space<vmem_shared>>
      tpu.enqueue_dma source(%dma_start3A_75 : memref<80x128xf32, #tpu.memory_space<vmem_shared>>) target(%arg9 : memref<80x128xf32, #tpu.memory_space<vmem>>) target_semaphore(%run_scoped3A : memref<!tpu.dma_semaphore, #tpu.memory_space<semaphore_mem>>)
      %dma_wait3A_76 = arith.constant 0 : i32
      %dma_wait3A_77 = tpu.memref_slice %arg11[%add3A_33, %dma_wait3A_76] : memref<10240x128xf32, #tpu.memory_space<vmem_shared>> -> memref<80x128xf32, #tpu.memory_space<vmem_shared>>
      %dma_wait3A_78 = arith.constant 0 : i32
      %dma_wait3A_79 = tpu.memref_slice %arg11[%add3A_33, %dma_wait3A_78] : memref<10240x128xf32, #tpu.memory_space<vmem_shared>> -> memref<80x128xf32, #tpu.memory_space<vmem_shared>>
      tpu.wait_dma2 semaphore(%run_scoped3A : memref<!tpu.dma_semaphore, #tpu.memory_space<semaphore_mem>>) src(%dma_wait3A_79 : memref<80x128xf32, #tpu.memory_space<vmem_shared>>) dst(%arg9 : memref<80x128xf32, #tpu.memory_space<vmem>>)
      tpu.yield
    }) : () -> ()
    %mul3A_34 = arith.constant 10240 : i32
    %mul3A_35 = arith.muli %arg0, %mul3A_34 : i32
    %add3A_36 = arith.addi %mul3A_35, %add3A_33 : i32
    "tpu.region"() ({
      %run_scoped3A = tpu.sem_alloc : memref<!tpu.dma_semaphore, #tpu.memory_space<semaphore_mem>>
      %dma_start3A_72 = arith.constant 0 : i32
      %dma_start3A_73 = tpu.memref_slice %arg6[%add3A_36, %dma_start3A_72] : memref<20480x128xf32, #tpu.memory_space<hbm>> -> memref<80x128xf32, #tpu.memory_space<hbm>>
      %dma_start3A_74 = arith.constant 0 : i32
      %dma_start3A_75 = tpu.memref_slice %arg6[%add3A_36, %dma_start3A_74] : memref<20480x128xf32, #tpu.memory_space<hbm>> -> memref<80x128xf32, #tpu.memory_space<hbm>>
      tpu.enqueue_dma source(%arg9 : memref<80x128xf32, #tpu.memory_space<vmem>>) target(%dma_start3A_75 : memref<80x128xf32, #tpu.memory_space<hbm>>) target_semaphore(%run_scoped3A : memref<!tpu.dma_semaphore, #tpu.memory_space<semaphore_mem>>)
      %dma_wait3A_76 = arith.constant 0 : i32
      %dma_wait3A_77 = tpu.memref_slice %arg6[%add3A_36, %dma_wait3A_76] : memref<20480x128xf32, #tpu.memory_space<hbm>> -> memref<80x128xf32, #tpu.memory_space<hbm>>
      %dma_wait3A_78 = arith.constant 0 : i32
      %dma_wait3A_79 = tpu.memref_slice %arg6[%add3A_36, %dma_wait3A_78] : memref<20480x128xf32, #tpu.memory_space<hbm>> -> memref<80x128xf32, #tpu.memory_space<hbm>>
      tpu.wait_dma2 semaphore(%run_scoped3A : memref<!tpu.dma_semaphore, #tpu.memory_space<semaphore_mem>>) src(%arg9 : memref<80x128xf32, #tpu.memory_space<vmem>>) dst(%dma_wait3A_79 : memref<80x128xf32, #tpu.memory_space<hbm>>)
      tpu.yield
    }) : () -> ()
    %add3A_37 = arith.constant 80 : i32
    %add3A_38 = arith.addi %mul3A_2, %add3A_37 : i32
    "tpu.region"() ({
      %run_scoped3A = tpu.sem_alloc : memref<!tpu.dma_semaphore, #tpu.memory_space<semaphore_mem>>
      %dma_start3A_72 = arith.constant 0 : i32
      %dma_start3A_73 = tpu.memref_slice %arg11[%add3A_38, %dma_start3A_72] : memref<10240x128xf32, #tpu.memory_space<vmem_shared>> -> memref<80x128xf32, #tpu.memory_space<vmem_shared>>
      %dma_start3A_74 = arith.constant 0 : i32
      %dma_start3A_75 = tpu.memref_slice %arg11[%add3A_38, %dma_start3A_74] : memref<10240x128xf32, #tpu.memory_space<vmem_shared>> -> memref<80x128xf32, #tpu.memory_space<vmem_shared>>
      tpu.enqueue_dma source(%dma_start3A_75 : memref<80x128xf32, #tpu.memory_space<vmem_shared>>) target(%arg9 : memref<80x128xf32, #tpu.memory_space<vmem>>) target_semaphore(%run_scoped3A : memref<!tpu.dma_semaphore, #tpu.memory_space<semaphore_mem>>)
      %dma_wait3A_76 = arith.constant 0 : i32
      %dma_wait3A_77 = tpu.memref_slice %arg11[%add3A_38, %dma_wait3A_76] : memref<10240x128xf32, #tpu.memory_space<vmem_shared>> -> memref<80x128xf32, #tpu.memory_space<vmem_shared>>
      %dma_wait3A_78 = arith.constant 0 : i32
      %dma_wait3A_79 = tpu.memref_slice %arg11[%add3A_38, %dma_wait3A_78] : memref<10240x128xf32, #tpu.memory_space<vmem_shared>> -> memref<80x128xf32, #tpu.memory_space<vmem_shared>>
      tpu.wait_dma2 semaphore(%run_scoped3A : memref<!tpu.dma_semaphore, #tpu.memory_space<semaphore_mem>>) src(%dma_wait3A_79 : memref<80x128xf32, #tpu.memory_space<vmem_shared>>) dst(%arg9 : memref<80x128xf32, #tpu.memory_space<vmem>>)
      tpu.yield
    }) : () -> ()
    %mul3A_39 = arith.constant 10240 : i32
    %mul3A_40 = arith.muli %arg0, %mul3A_39 : i32
    %add3A_41 = arith.addi %mul3A_40, %add3A_38 : i32
    "tpu.region"() ({
      %run_scoped3A = tpu.sem_alloc : memref<!tpu.dma_semaphore, #tpu.memory_space<semaphore_mem>>
      %dma_start3A_72 = arith.constant 0 : i32
      %dma_start3A_73 = tpu.memref_slice %arg6[%add3A_41, %dma_start3A_72] : memref<20480x128xf32, #tpu.memory_space<hbm>> -> memref<80x128xf32, #tpu.memory_space<hbm>>
      %dma_start3A_74 = arith.constant 0 : i32
      %dma_start3A_75 = tpu.memref_slice %arg6[%add3A_41, %dma_start3A_74] : memref<20480x128xf32, #tpu.memory_space<hbm>> -> memref<80x128xf32, #tpu.memory_space<hbm>>
      tpu.enqueue_dma source(%arg9 : memref<80x128xf32, #tpu.memory_space<vmem>>) target(%dma_start3A_75 : memref<80x128xf32, #tpu.memory_space<hbm>>) target_semaphore(%run_scoped3A : memref<!tpu.dma_semaphore, #tpu.memory_space<semaphore_mem>>)
      %dma_wait3A_76 = arith.constant 0 : i32
      %dma_wait3A_77 = tpu.memref_slice %arg6[%add3A_41, %dma_wait3A_76] : memref<20480x128xf32, #tpu.memory_space<hbm>> -> memref<80x128xf32, #tpu.memory_space<hbm>>
      %dma_wait3A_78 = arith.constant 0 : i32
      %dma_wait3A_79 = tpu.memref_slice %arg6[%add3A_41, %dma_wait3A_78] : memref<20480x128xf32, #tpu.memory_space<hbm>> -> memref<80x128xf32, #tpu.memory_space<hbm>>
      tpu.wait_dma2 semaphore(%run_scoped3A : memref<!tpu.dma_semaphore, #tpu.memory_space<semaphore_mem>>) src(%arg9 : memref<80x128xf32, #tpu.memory_space<vmem>>) dst(%dma_wait3A_79 : memref<80x128xf32, #tpu.memory_space<hbm>>)
      tpu.yield
    }) : () -> ()
    %add3A_42 = arith.constant 160 : i32
    %add3A_43 = arith.addi %mul3A_2, %add3A_42 : i32
    "tpu.region"() ({
      %run_scoped3A = tpu.sem_alloc : memref<!tpu.dma_semaphore, #tpu.memory_space<semaphore_mem>>
      %dma_start3A_72 = arith.constant 0 : i32
      %dma_start3A_73 = tpu.memref_slice %arg11[%add3A_43, %dma_start3A_72] : memref<10240x128xf32, #tpu.memory_space<vmem_shared>> -> memref<80x128xf32, #tpu.memory_space<vmem_shared>>
      %dma_start3A_74 = arith.constant 0 : i32
      %dma_start3A_75 = tpu.memref_slice %arg11[%add3A_43, %dma_start3A_74] : memref<10240x128xf32, #tpu.memory_space<vmem_shared>> -> memref<80x128xf32, #tpu.memory_space<vmem_shared>>
      tpu.enqueue_dma source(%dma_start3A_75 : memref<80x128xf32, #tpu.memory_space<vmem_shared>>) target(%arg9 : memref<80x128xf32, #tpu.memory_space<vmem>>) target_semaphore(%run_scoped3A : memref<!tpu.dma_semaphore, #tpu.memory_space<semaphore_mem>>)
      %dma_wait3A_76 = arith.constant 0 : i32
      %dma_wait3A_77 = tpu.memref_slice %arg11[%add3A_43, %dma_wait3A_76] : memref<10240x128xf32, #tpu.memory_space<vmem_shared>> -> memref<80x128xf32, #tpu.memory_space<vmem_shared>>
      %dma_wait3A_78 = arith.constant 0 : i32
      %dma_wait3A_79 = tpu.memref_slice %arg11[%add3A_43, %dma_wait3A_78] : memref<10240x128xf32, #tpu.memory_space<vmem_shared>> -> memref<80x128xf32, #tpu.memory_space<vmem_shared>>
      tpu.wait_dma2 semaphore(%run_scoped3A : memref<!tpu.dma_semaphore, #tpu.memory_space<semaphore_mem>>) src(%dma_wait3A_79 : memref<80x128xf32, #tpu.memory_space<vmem_shared>>) dst(%arg9 : memref<80x128xf32, #tpu.memory_space<vmem>>)
      tpu.yield
    }) : () -> ()
    %mul3A_44 = arith.constant 10240 : i32
    %mul3A_45 = arith.muli %arg0, %mul3A_44 : i32
    %add3A_46 = arith.addi %mul3A_45, %add3A_43 : i32
    "tpu.region"() ({
      %run_scoped3A = tpu.sem_alloc : memref<!tpu.dma_semaphore, #tpu.memory_space<semaphore_mem>>
      %dma_start3A_72 = arith.constant 0 : i32
      %dma_start3A_73 = tpu.memref_slice %arg6[%add3A_46, %dma_start3A_72] : memref<20480x128xf32, #tpu.memory_space<hbm>> -> memref<80x128xf32, #tpu.memory_space<hbm>>
      %dma_start3A_74 = arith.constant 0 : i32
      %dma_start3A_75 = tpu.memref_slice %arg6[%add3A_46, %dma_start3A_74] : memref<20480x128xf32, #tpu.memory_space<hbm>> -> memref<80x128xf32, #tpu.memory_space<hbm>>
      tpu.enqueue_dma source(%arg9 : memref<80x128xf32, #tpu.memory_space<vmem>>) target(%dma_start3A_75 : memref<80x128xf32, #tpu.memory_space<hbm>>) target_semaphore(%run_scoped3A : memref<!tpu.dma_semaphore, #tpu.memory_space<semaphore_mem>>)
      %dma_wait3A_76 = arith.constant 0 : i32
      %dma_wait3A_77 = tpu.memref_slice %arg6[%add3A_46, %dma_wait3A_76] : memref<20480x128xf32, #tpu.memory_space<hbm>> -> memref<80x128xf32, #tpu.memory_space<hbm>>
      %dma_wait3A_78 = arith.constant 0 : i32
      %dma_wait3A_79 = tpu.memref_slice %arg6[%add3A_46, %dma_wait3A_78] : memref<20480x128xf32, #tpu.memory_space<hbm>> -> memref<80x128xf32, #tpu.memory_space<hbm>>
      tpu.wait_dma2 semaphore(%run_scoped3A : memref<!tpu.dma_semaphore, #tpu.memory_space<semaphore_mem>>) src(%arg9 : memref<80x128xf32, #tpu.memory_space<vmem>>) dst(%dma_wait3A_79 : memref<80x128xf32, #tpu.memory_space<hbm>>)
      tpu.yield
    }) : () -> ()
    %add3A_47 = arith.constant 240 : i32
    %add3A_48 = arith.addi %mul3A_2, %add3A_47 : i32
    "tpu.region"() ({
      %run_scoped3A = tpu.sem_alloc : memref<!tpu.dma_semaphore, #tpu.memory_space<semaphore_mem>>
      %dma_start3A_72 = arith.constant 0 : i32
      %dma_start3A_73 = tpu.memref_slice %arg11[%add3A_48, %dma_start3A_72] : memref<10240x128xf32, #tpu.memory_space<vmem_shared>> -> memref<80x128xf32, #tpu.memory_space<vmem_shared>>
      %dma_start3A_74 = arith.constant 0 : i32
      %dma_start3A_75 = tpu.memref_slice %arg11[%add3A_48, %dma_start3A_74] : memref<10240x128xf32, #tpu.memory_space<vmem_shared>> -> memref<80x128xf32, #tpu.memory_space<vmem_shared>>
      tpu.enqueue_dma source(%dma_start3A_75 : memref<80x128xf32, #tpu.memory_space<vmem_shared>>) target(%arg9 : memref<80x128xf32, #tpu.memory_space<vmem>>) target_semaphore(%run_scoped3A : memref<!tpu.dma_semaphore, #tpu.memory_space<semaphore_mem>>)
      %dma_wait3A_76 = arith.constant 0 : i32
      %dma_wait3A_77 = tpu.memref_slice %arg11[%add3A_48, %dma_wait3A_76] : memref<10240x128xf32, #tpu.memory_space<vmem_shared>> -> memref<80x128xf32, #tpu.memory_space<vmem_shared>>
      %dma_wait3A_78 = arith.constant 0 : i32
      %dma_wait3A_79 = tpu.memref_slice %arg11[%add3A_48, %dma_wait3A_78] : memref<10240x128xf32, #tpu.memory_space<vmem_shared>> -> memref<80x128xf32, #tpu.memory_space<vmem_shared>>
      tpu.wait_dma2 semaphore(%run_scoped3A : memref<!tpu.dma_semaphore, #tpu.memory_space<semaphore_mem>>) src(%dma_wait3A_79 : memref<80x128xf32, #tpu.memory_space<vmem_shared>>) dst(%arg9 : memref<80x128xf32, #tpu.memory_space<vmem>>)
      tpu.yield
    }) : () -> ()
    %mul3A_49 = arith.constant 10240 : i32
    %mul3A_50 = arith.muli %arg0, %mul3A_49 : i32
    %add3A_51 = arith.addi %mul3A_50, %add3A_48 : i32
    "tpu.region"() ({
      %run_scoped3A = tpu.sem_alloc : memref<!tpu.dma_semaphore, #tpu.memory_space<semaphore_mem>>
      %dma_start3A_72 = arith.constant 0 : i32
      %dma_start3A_73 = tpu.memref_slice %arg6[%add3A_51, %dma_start3A_72] : memref<20480x128xf32, #tpu.memory_space<hbm>> -> memref<80x128xf32, #tpu.memory_space<hbm>>
      %dma_start3A_74 = arith.constant 0 : i32
      %dma_start3A_75 = tpu.memref_slice %arg6[%add3A_51, %dma_start3A_74] : memref<20480x128xf32, #tpu.memory_space<hbm>> -> memref<80x128xf32, #tpu.memory_space<hbm>>
      tpu.enqueue_dma source(%arg9 : memref<80x128xf32, #tpu.memory_space<vmem>>) target(%dma_start3A_75 : memref<80x128xf32, #tpu.memory_space<hbm>>) target_semaphore(%run_scoped3A : memref<!tpu.dma_semaphore, #tpu.memory_space<semaphore_mem>>)
      %dma_wait3A_76 = arith.constant 0 : i32
      %dma_wait3A_77 = tpu.memref_slice %arg6[%add3A_51, %dma_wait3A_76] : memref<20480x128xf32, #tpu.memory_space<hbm>> -> memref<80x128xf32, #tpu.memory_space<hbm>>
      %dma_wait3A_78 = arith.constant 0 : i32
      %dma_wait3A_79 = tpu.memref_slice %arg6[%add3A_51, %dma_wait3A_78] : memref<20480x128xf32, #tpu.memory_space<hbm>> -> memref<80x128xf32, #tpu.memory_space<hbm>>
      tpu.wait_dma2 semaphore(%run_scoped3A : memref<!tpu.dma_semaphore, #tpu.memory_space<semaphore_mem>>) src(%arg9 : memref<80x128xf32, #tpu.memory_space<vmem>>) dst(%dma_wait3A_79 : memref<80x128xf32, #tpu.memory_space<hbm>>)
      tpu.yield
    }) : () -> ()
    %add3A_52 = arith.constant 320 : i32
    %add3A_53 = arith.addi %mul3A_2, %add3A_52 : i32
    "tpu.region"() ({
      %run_scoped3A = tpu.sem_alloc : memref<!tpu.dma_semaphore, #tpu.memory_space<semaphore_mem>>
      %dma_start3A_72 = arith.constant 0 : i32
      %dma_start3A_73 = tpu.memref_slice %arg11[%add3A_53, %dma_start3A_72] : memref<10240x128xf32, #tpu.memory_space<vmem_shared>> -> memref<80x128xf32, #tpu.memory_space<vmem_shared>>
      %dma_start3A_74 = arith.constant 0 : i32
      %dma_start3A_75 = tpu.memref_slice %arg11[%add3A_53, %dma_start3A_74] : memref<10240x128xf32, #tpu.memory_space<vmem_shared>> -> memref<80x128xf32, #tpu.memory_space<vmem_shared>>
      tpu.enqueue_dma source(%dma_start3A_75 : memref<80x128xf32, #tpu.memory_space<vmem_shared>>) target(%arg9 : memref<80x128xf32, #tpu.memory_space<vmem>>) target_semaphore(%run_scoped3A : memref<!tpu.dma_semaphore, #tpu.memory_space<semaphore_mem>>)
      %dma_wait3A_76 = arith.constant 0 : i32
      %dma_wait3A_77 = tpu.memref_slice %arg11[%add3A_53, %dma_wait3A_76] : memref<10240x128xf32, #tpu.memory_space<vmem_shared>> -> memref<80x128xf32, #tpu.memory_space<vmem_shared>>
      %dma_wait3A_78 = arith.constant 0 : i32
      %dma_wait3A_79 = tpu.memref_slice %arg11[%add3A_53, %dma_wait3A_78] : memref<10240x128xf32, #tpu.memory_space<vmem_shared>> -> memref<80x128xf32, #tpu.memory_space<vmem_shared>>
      tpu.wait_dma2 semaphore(%run_scoped3A : memref<!tpu.dma_semaphore, #tpu.memory_space<semaphore_mem>>) src(%dma_wait3A_79 : memref<80x128xf32, #tpu.memory_space<vmem_shared>>) dst(%arg9 : memref<80x128xf32, #tpu.memory_space<vmem>>)
      tpu.yield
    }) : () -> ()
    %mul3A_54 = arith.constant 10240 : i32
    %mul3A_55 = arith.muli %arg0, %mul3A_54 : i32
    %add3A_56 = arith.addi %mul3A_55, %add3A_53 : i32
    "tpu.region"() ({
      %run_scoped3A = tpu.sem_alloc : memref<!tpu.dma_semaphore, #tpu.memory_space<semaphore_mem>>
      %dma_start3A_72 = arith.constant 0 : i32
      %dma_start3A_73 = tpu.memref_slice %arg6[%add3A_56, %dma_start3A_72] : memref<20480x128xf32, #tpu.memory_space<hbm>> -> memref<80x128xf32, #tpu.memory_space<hbm>>
      %dma_start3A_74 = arith.constant 0 : i32
      %dma_start3A_75 = tpu.memref_slice %arg6[%add3A_56, %dma_start3A_74] : memref<20480x128xf32, #tpu.memory_space<hbm>> -> memref<80x128xf32, #tpu.memory_space<hbm>>
      tpu.enqueue_dma source(%arg9 : memref<80x128xf32, #tpu.memory_space<vmem>>) target(%dma_start3A_75 : memref<80x128xf32, #tpu.memory_space<hbm>>) target_semaphore(%run_scoped3A : memref<!tpu.dma_semaphore, #tpu.memory_space<semaphore_mem>>)
      %dma_wait3A_76 = arith.constant 0 : i32
      %dma_wait3A_77 = tpu.memref_slice %arg6[%add3A_56, %dma_wait3A_76] : memref<20480x128xf32, #tpu.memory_space<hbm>> -> memref<80x128xf32, #tpu.memory_space<hbm>>
      %dma_wait3A_78 = arith.constant 0 : i32
      %dma_wait3A_79 = tpu.memref_slice %arg6[%add3A_56, %dma_wait3A_78] : memref<20480x128xf32, #tpu.memory_space<hbm>> -> memref<80x128xf32, #tpu.memory_space<hbm>>
      tpu.wait_dma2 semaphore(%run_scoped3A : memref<!tpu.dma_semaphore, #tpu.memory_space<semaphore_mem>>) src(%arg9 : memref<80x128xf32, #tpu.memory_space<vmem>>) dst(%dma_wait3A_79 : memref<80x128xf32, #tpu.memory_space<hbm>>)
      tpu.yield
    }) : () -> ()
    %add3A_57 = arith.constant 400 : i32
    %add3A_58 = arith.addi %mul3A_2, %add3A_57 : i32
    "tpu.region"() ({
      %run_scoped3A = tpu.sem_alloc : memref<!tpu.dma_semaphore, #tpu.memory_space<semaphore_mem>>
      %dma_start3A_72 = arith.constant 0 : i32
      %dma_start3A_73 = tpu.memref_slice %arg11[%add3A_58, %dma_start3A_72] : memref<10240x128xf32, #tpu.memory_space<vmem_shared>> -> memref<80x128xf32, #tpu.memory_space<vmem_shared>>
      %dma_start3A_74 = arith.constant 0 : i32
      %dma_start3A_75 = tpu.memref_slice %arg11[%add3A_58, %dma_start3A_74] : memref<10240x128xf32, #tpu.memory_space<vmem_shared>> -> memref<80x128xf32, #tpu.memory_space<vmem_shared>>
      tpu.enqueue_dma source(%dma_start3A_75 : memref<80x128xf32, #tpu.memory_space<vmem_shared>>) target(%arg9 : memref<80x128xf32, #tpu.memory_space<vmem>>) target_semaphore(%run_scoped3A : memref<!tpu.dma_semaphore, #tpu.memory_space<semaphore_mem>>)
      %dma_wait3A_76 = arith.constant 0 : i32
      %dma_wait3A_77 = tpu.memref_slice %arg11[%add3A_58, %dma_wait3A_76] : memref<10240x128xf32, #tpu.memory_space<vmem_shared>> -> memref<80x128xf32, #tpu.memory_space<vmem_shared>>
      %dma_wait3A_78 = arith.constant 0 : i32
      %dma_wait3A_79 = tpu.memref_slice %arg11[%add3A_58, %dma_wait3A_78] : memref<10240x128xf32, #tpu.memory_space<vmem_shared>> -> memref<80x128xf32, #tpu.memory_space<vmem_shared>>
      tpu.wait_dma2 semaphore(%run_scoped3A : memref<!tpu.dma_semaphore, #tpu.memory_space<semaphore_mem>>) src(%dma_wait3A_79 : memref<80x128xf32, #tpu.memory_space<vmem_shared>>) dst(%arg9 : memref<80x128xf32, #tpu.memory_space<vmem>>)
      tpu.yield
    }) : () -> ()
    %mul3A_59 = arith.constant 10240 : i32
    %mul3A_60 = arith.muli %arg0, %mul3A_59 : i32
    %add3A_61 = arith.addi %mul3A_60, %add3A_58 : i32
    "tpu.region"() ({
      %run_scoped3A = tpu.sem_alloc : memref<!tpu.dma_semaphore, #tpu.memory_space<semaphore_mem>>
      %dma_start3A_72 = arith.constant 0 : i32
      %dma_start3A_73 = tpu.memref_slice %arg6[%add3A_61, %dma_start3A_72] : memref<20480x128xf32, #tpu.memory_space<hbm>> -> memref<80x128xf32, #tpu.memory_space<hbm>>
      %dma_start3A_74 = arith.constant 0 : i32
      %dma_start3A_75 = tpu.memref_slice %arg6[%add3A_61, %dma_start3A_74] : memref<20480x128xf32, #tpu.memory_space<hbm>> -> memref<80x128xf32, #tpu.memory_space<hbm>>
      tpu.enqueue_dma source(%arg9 : memref<80x128xf32, #tpu.memory_space<vmem>>) target(%dma_start3A_75 : memref<80x128xf32, #tpu.memory_space<hbm>>) target_semaphore(%run_scoped3A : memref<!tpu.dma_semaphore, #tpu.memory_space<semaphore_mem>>)
      %dma_wait3A_76 = arith.constant 0 : i32
      %dma_wait3A_77 = tpu.memref_slice %arg6[%add3A_61, %dma_wait3A_76] : memref<20480x128xf32, #tpu.memory_space<hbm>> -> memref<80x128xf32, #tpu.memory_space<hbm>>
      %dma_wait3A_78 = arith.constant 0 : i32
      %dma_wait3A_79 = tpu.memref_slice %arg6[%add3A_61, %dma_wait3A_78] : memref<20480x128xf32, #tpu.memory_space<hbm>> -> memref<80x128xf32, #tpu.memory_space<hbm>>
      tpu.wait_dma2 semaphore(%run_scoped3A : memref<!tpu.dma_semaphore, #tpu.memory_space<semaphore_mem>>) src(%arg9 : memref<80x128xf32, #tpu.memory_space<vmem>>) dst(%dma_wait3A_79 : memref<80x128xf32, #tpu.memory_space<hbm>>)
      tpu.yield
    }) : () -> ()
    %add3A_62 = arith.constant 480 : i32
    %add3A_63 = arith.addi %mul3A_2, %add3A_62 : i32
    "tpu.region"() ({
      %run_scoped3A = tpu.sem_alloc : memref<!tpu.dma_semaphore, #tpu.memory_space<semaphore_mem>>
      %dma_start3A_72 = arith.constant 0 : i32
      %dma_start3A_73 = tpu.memref_slice %arg11[%add3A_63, %dma_start3A_72] : memref<10240x128xf32, #tpu.memory_space<vmem_shared>> -> memref<80x128xf32, #tpu.memory_space<vmem_shared>>
      %dma_start3A_74 = arith.constant 0 : i32
      %dma_start3A_75 = tpu.memref_slice %arg11[%add3A_63, %dma_start3A_74] : memref<10240x128xf32, #tpu.memory_space<vmem_shared>> -> memref<80x128xf32, #tpu.memory_space<vmem_shared>>
      tpu.enqueue_dma source(%dma_start3A_75 : memref<80x128xf32, #tpu.memory_space<vmem_shared>>) target(%arg9 : memref<80x128xf32, #tpu.memory_space<vmem>>) target_semaphore(%run_scoped3A : memref<!tpu.dma_semaphore, #tpu.memory_space<semaphore_mem>>)
      %dma_wait3A_76 = arith.constant 0 : i32
      %dma_wait3A_77 = tpu.memref_slice %arg11[%add3A_63, %dma_wait3A_76] : memref<10240x128xf32, #tpu.memory_space<vmem_shared>> -> memref<80x128xf32, #tpu.memory_space<vmem_shared>>
      %dma_wait3A_78 = arith.constant 0 : i32
      %dma_wait3A_79 = tpu.memref_slice %arg11[%add3A_63, %dma_wait3A_78] : memref<10240x128xf32, #tpu.memory_space<vmem_shared>> -> memref<80x128xf32, #tpu.memory_space<vmem_shared>>
      tpu.wait_dma2 semaphore(%run_scoped3A : memref<!tpu.dma_semaphore, #tpu.memory_space<semaphore_mem>>) src(%dma_wait3A_79 : memref<80x128xf32, #tpu.memory_space<vmem_shared>>) dst(%arg9 : memref<80x128xf32, #tpu.memory_space<vmem>>)
      tpu.yield
    }) : () -> ()
    %mul3A_64 = arith.constant 10240 : i32
    %mul3A_65 = arith.muli %arg0, %mul3A_64 : i32
    %add3A_66 = arith.addi %mul3A_65, %add3A_63 : i32
    "tpu.region"() ({
      %run_scoped3A = tpu.sem_alloc : memref<!tpu.dma_semaphore, #tpu.memory_space<semaphore_mem>>
      %dma_start3A_72 = arith.constant 0 : i32
      %dma_start3A_73 = tpu.memref_slice %arg6[%add3A_66, %dma_start3A_72] : memref<20480x128xf32, #tpu.memory_space<hbm>> -> memref<80x128xf32, #tpu.memory_space<hbm>>
      %dma_start3A_74 = arith.constant 0 : i32
      %dma_start3A_75 = tpu.memref_slice %arg6[%add3A_66, %dma_start3A_74] : memref<20480x128xf32, #tpu.memory_space<hbm>> -> memref<80x128xf32, #tpu.memory_space<hbm>>
      tpu.enqueue_dma source(%arg9 : memref<80x128xf32, #tpu.memory_space<vmem>>) target(%dma_start3A_75 : memref<80x128xf32, #tpu.memory_space<hbm>>) target_semaphore(%run_scoped3A : memref<!tpu.dma_semaphore, #tpu.memory_space<semaphore_mem>>)
      %dma_wait3A_76 = arith.constant 0 : i32
      %dma_wait3A_77 = tpu.memref_slice %arg6[%add3A_66, %dma_wait3A_76] : memref<20480x128xf32, #tpu.memory_space<hbm>> -> memref<80x128xf32, #tpu.memory_space<hbm>>
      %dma_wait3A_78 = arith.constant 0 : i32
      %dma_wait3A_79 = tpu.memref_slice %arg6[%add3A_66, %dma_wait3A_78] : memref<20480x128xf32, #tpu.memory_space<hbm>> -> memref<80x128xf32, #tpu.memory_space<hbm>>
      tpu.wait_dma2 semaphore(%run_scoped3A : memref<!tpu.dma_semaphore, #tpu.memory_space<semaphore_mem>>) src(%arg9 : memref<80x128xf32, #tpu.memory_space<vmem>>) dst(%dma_wait3A_79 : memref<80x128xf32, #tpu.memory_space<hbm>>)
      tpu.yield
    }) : () -> ()
    %add3A_67 = arith.constant 560 : i32
    %add3A_68 = arith.addi %mul3A_2, %add3A_67 : i32
    "tpu.region"() ({
      %run_scoped3A = tpu.sem_alloc : memref<!tpu.dma_semaphore, #tpu.memory_space<semaphore_mem>>
      %dma_start3A_72 = arith.constant 0 : i32
      %dma_start3A_73 = tpu.memref_slice %arg11[%add3A_68, %dma_start3A_72] : memref<10240x128xf32, #tpu.memory_space<vmem_shared>> -> memref<80x128xf32, #tpu.memory_space<vmem_shared>>
      %dma_start3A_74 = arith.constant 0 : i32
      %dma_start3A_75 = tpu.memref_slice %arg11[%add3A_68, %dma_start3A_74] : memref<10240x128xf32, #tpu.memory_space<vmem_shared>> -> memref<80x128xf32, #tpu.memory_space<vmem_shared>>
      tpu.enqueue_dma source(%dma_start3A_75 : memref<80x128xf32, #tpu.memory_space<vmem_shared>>) target(%arg9 : memref<80x128xf32, #tpu.memory_space<vmem>>) target_semaphore(%run_scoped3A : memref<!tpu.dma_semaphore, #tpu.memory_space<semaphore_mem>>)
      %dma_wait3A_76 = arith.constant 0 : i32
      %dma_wait3A_77 = tpu.memref_slice %arg11[%add3A_68, %dma_wait3A_76] : memref<10240x128xf32, #tpu.memory_space<vmem_shared>> -> memref<80x128xf32, #tpu.memory_space<vmem_shared>>
      %dma_wait3A_78 = arith.constant 0 : i32
      %dma_wait3A_79 = tpu.memref_slice %arg11[%add3A_68, %dma_wait3A_78] : memref<10240x128xf32, #tpu.memory_space<vmem_shared>> -> memref<80x128xf32, #tpu.memory_space<vmem_shared>>
      tpu.wait_dma2 semaphore(%run_scoped3A : memref<!tpu.dma_semaphore, #tpu.memory_space<semaphore_mem>>) src(%dma_wait3A_79 : memref<80x128xf32, #tpu.memory_space<vmem_shared>>) dst(%arg9 : memref<80x128xf32, #tpu.memory_space<vmem>>)
      tpu.yield
    }) : () -> ()
    %mul3A_69 = arith.constant 10240 : i32
    %mul3A_70 = arith.muli %arg0, %mul3A_69 : i32
    %add3A_71 = arith.addi %mul3A_70, %add3A_68 : i32
    "tpu.region"() ({
      %run_scoped3A = tpu.sem_alloc : memref<!tpu.dma_semaphore, #tpu.memory_space<semaphore_mem>>
      %dma_start3A_72 = arith.constant 0 : i32
      %dma_start3A_73 = tpu.memref_slice %arg6[%add3A_71, %dma_start3A_72] : memref<20480x128xf32, #tpu.memory_space<hbm>> -> memref<80x128xf32, #tpu.memory_space<hbm>>
      %dma_start3A_74 = arith.constant 0 : i32
      %dma_start3A_75 = tpu.memref_slice %arg6[%add3A_71, %dma_start3A_74] : memref<20480x128xf32, #tpu.memory_space<hbm>> -> memref<80x128xf32, #tpu.memory_space<hbm>>
      tpu.enqueue_dma source(%arg9 : memref<80x128xf32, #tpu.memory_space<vmem>>) target(%dma_start3A_75 : memref<80x128xf32, #tpu.memory_space<hbm>>) target_semaphore(%run_scoped3A : memref<!tpu.dma_semaphore, #tpu.memory_space<semaphore_mem>>)
      %dma_wait3A_76 = arith.constant 0 : i32
      %dma_wait3A_77 = tpu.memref_slice %arg6[%add3A_71, %dma_wait3A_76] : memref<20480x128xf32, #tpu.memory_space<hbm>> -> memref<80x128xf32, #tpu.memory_space<hbm>>
      %dma_wait3A_78 = arith.constant 0 : i32
      %dma_wait3A_79 = tpu.memref_slice %arg6[%add3A_71, %dma_wait3A_78] : memref<20480x128xf32, #tpu.memory_space<hbm>> -> memref<80x128xf32, #tpu.memory_space<hbm>>
      tpu.wait_dma2 semaphore(%run_scoped3A : memref<!tpu.dma_semaphore, #tpu.memory_space<semaphore_mem>>) src(%arg9 : memref<80x128xf32, #tpu.memory_space<vmem>>) dst(%dma_wait3A_79 : memref<80x128xf32, #tpu.memory_space<hbm>>)
      tpu.yield
    }) : () -> ()
    return
  }
}

#map = affine_map<(d0, d1) -> (0, 0)>
module attributes {stable_mosaic.version = 14 : i64} {
  func.func @body(%arg0: i32, %arg1: i32, %arg2: memref<10000x128xf32, #tpu.memory_space<hbm>>, %arg3: memref<32x10000xi32, #tpu.memory_space<hbm>>, %arg4: memref<32x10000xi32, #tpu.memory_space<hbm>>, %arg5: memref<80x128xf32, #tpu.memory_space<hbm>>, %arg6: memref<20480x128xf32, #tpu.memory_space<hbm>>, %arg7: memref<10000xi32, #tpu.memory_space<vmem>>, %arg8: memref<10000xi32, #tpu.memory_space<vmem>>, %arg9: memref<80x128xf32, #tpu.memory_space<vmem>>, %arg10: memref<80x128xf32, #tpu.memory_space<vmem>>, %arg11: memref<10240x128xf32, #tpu.memory_space<vmem_shared>>, %arg12: memref<!tpu.dma_semaphore, #tpu.memory_space<semaphore_mem>>, %arg13: memref<!tpu.dma_semaphore, #tpu.memory_space<semaphore_mem>>) attributes {dimension_semantics = [#tpu.dimension_semantics<core_parallel>, #tpu.dimension_semantics<subcore_parallel>], iteration_bounds = array<i64: 2, 16>, scalar_prefetch = 0 : i64, scratch_operands = 7 : i64, tpu.core_type = #tpu.core_type<sc_vector_subcore>, window_params = [{transform_indices = #map}, {transform_indices = #map}, {transform_indices = #map}, {transform_indices = #map}, {transform_indices = #map}]} {
    %mul3A = arith.constant 2 : i32
    %mul3A_0 = arith.muli %arg1, %mul3A : i32
    %add3A = arith.addi %mul3A_0, %arg0 : i32
    %mul3A_1 = arith.constant 640 : i32
    %mul3A_2 = arith.muli %arg1, %mul3A_1 : i32
    "tpu.region"() ({
      %run_scoped3A = tpu.sem_alloc : memref<!tpu.dma_semaphore, #tpu.memory_space<semaphore_mem>>
      %dma_start3A_72 = arith.constant 0 : i32
      %dma_start3A_73 = tpu.memref_slice %arg3[%add3A, %dma_start3A_72] : memref<32x10000xi32, #tpu.memory_space<hbm>> -> memref<1x10000xi32, #tpu.memory_space<hbm>>
      %dma_start3A_74 = tpu.memref_squeeze %dma_start3A_73 : memref<1x10000xi32, #tpu.memory_space<hbm>> -> memref<10000xi32, #tpu.memory_space<hbm>>
      %dma_start3A_75 = arith.constant 0 : i32
      %dma_start3A_76 = tpu.memref_slice %arg3[%add3A, %dma_start3A_75] : memref<32x10000xi32, #tpu.memory_space<hbm>> -> memref<1x10000xi32, #tpu.memory_space<hbm>>
      %dma_start3A_77 = tpu.memref_squeeze %dma_start3A_76 : memref<1x10000xi32, #tpu.memory_space<hbm>> -> memref<10000xi32, #tpu.memory_space<hbm>>
      tpu.enqueue_dma source(%dma_start3A_77 : memref<10000xi32, #tpu.memory_space<hbm>>) target(%arg7 : memref<10000xi32, #tpu.memory_space<vmem>>) target_semaphore(%run_scoped3A : memref<!tpu.dma_semaphore, #tpu.memory_space<semaphore_mem>>)
      %dma_wait3A_78 = arith.constant 0 : i32
      %dma_wait3A_79 = tpu.memref_slice %arg3[%add3A, %dma_wait3A_78] : memref<32x10000xi32, #tpu.memory_space<hbm>> -> memref<1x10000xi32, #tpu.memory_space<hbm>>
      %dma_wait3A_80 = tpu.memref_squeeze %dma_wait3A_79 : memref<1x10000xi32, #tpu.memory_space<hbm>> -> memref<10000xi32, #tpu.memory_space<hbm>>
      %dma_wait3A_81 = arith.constant 0 : i32
      %dma_wait3A_82 = tpu.memref_slice %arg3[%add3A, %dma_wait3A_81] : memref<32x10000xi32, #tpu.memory_space<hbm>> -> memref<1x10000xi32, #tpu.memory_space<hbm>>
      %dma_wait3A_83 = tpu.memref_squeeze %dma_wait3A_82 : memref<1x10000xi32, #tpu.memory_space<hbm>> -> memref<10000xi32, #tpu.memory_space<hbm>>
      tpu.wait_dma2 semaphore(%run_scoped3A : memref<!tpu.dma_semaphore, #tpu.memory_space<semaphore_mem>>) src(%dma_wait3A_83 : memref<10000xi32, #tpu.memory_space<hbm>>) dst(%arg7 : memref<10000xi32, #tpu.memory_space<vmem>>)
      tpu.yield
    }) : () -> ()
    "tpu.region"() ({
      %run_scoped3A = tpu.sem_alloc : memref<!tpu.dma_semaphore, #tpu.memory_space<semaphore_mem>>
      %dma_start3A_72 = arith.constant 0 : i32
      %dma_start3A_73 = tpu.memref_slice %arg4[%add3A, %dma_start3A_72] : memref<32x10000xi32, #tpu.memory_space<hbm>> -> memref<1x10000xi32, #tpu.memory_space<hbm>>
      %dma_start3A_74 = tpu.memref_squeeze %dma_start3A_73 : memref<1x10000xi32, #tpu.memory_space<hbm>> -> memref<10000xi32, #tpu.memory_space<hbm>>
      %dma_start3A_75 = arith.constant 0 : i32
      %dma_start3A_76 = tpu.memref_slice %arg4[%add3A, %dma_start3A_75] : memref<32x10000xi32, #tpu.memory_space<hbm>> -> memref<1x10000xi32, #tpu.memory_space<hbm>>
      %dma_start3A_77 = tpu.memref_squeeze %dma_start3A_76 : memref<1x10000xi32, #tpu.memory_space<hbm>> -> memref<10000xi32, #tpu.memory_space<hbm>>
      tpu.enqueue_dma source(%dma_start3A_77 : memref<10000xi32, #tpu.memory_space<hbm>>) target(%arg8 : memref<10000xi32, #tpu.memory_space<vmem>>) target_semaphore(%run_scoped3A : memref<!tpu.dma_semaphore, #tpu.memory_space<semaphore_mem>>)
      %dma_wait3A_78 = arith.constant 0 : i32
      %dma_wait3A_79 = tpu.memref_slice %arg4[%add3A, %dma_wait3A_78] : memref<32x10000xi32, #tpu.memory_space<hbm>> -> memref<1x10000xi32, #tpu.memory_space<hbm>>
      %dma_wait3A_80 = tpu.memref_squeeze %dma_wait3A_79 : memref<1x10000xi32, #tpu.memory_space<hbm>> -> memref<10000xi32, #tpu.memory_space<hbm>>
      %dma_wait3A_81 = arith.constant 0 : i32
      %dma_wait3A_82 = tpu.memref_slice %arg4[%add3A, %dma_wait3A_81] : memref<32x10000xi32, #tpu.memory_space<hbm>> -> memref<1x10000xi32, #tpu.memory_space<hbm>>
      %dma_wait3A_83 = tpu.memref_squeeze %dma_wait3A_82 : memref<1x10000xi32, #tpu.memory_space<hbm>> -> memref<10000xi32, #tpu.memory_space<hbm>>
      tpu.wait_dma2 semaphore(%run_scoped3A : memref<!tpu.dma_semaphore, #tpu.memory_space<semaphore_mem>>) src(%dma_wait3A_83 : memref<10000xi32, #tpu.memory_space<hbm>>) dst(%arg8 : memref<10000xi32, #tpu.memory_space<vmem>>)
      tpu.yield
    }) : () -> ()
    "tpu.region"() ({
      %run_scoped3A = tpu.sem_alloc : memref<!tpu.dma_semaphore, #tpu.memory_space<semaphore_mem>>
      tpu.enqueue_dma source(%arg5 : memref<80x128xf32, #tpu.memory_space<hbm>>) target(%arg9 : memref<80x128xf32, #tpu.memory_space<vmem>>) target_semaphore(%run_scoped3A : memref<!tpu.dma_semaphore, #tpu.memory_space<semaphore_mem>>)
      tpu.wait_dma2 semaphore(%run_scoped3A : memref<!tpu.dma_semaphore, #tpu.memory_space<semaphore_mem>>) src(%arg5 : memref<80x128xf32, #tpu.memory_space<hbm>>) dst(%arg9 : memref<80x128xf32, #tpu.memory_space<vmem>>)
      tpu.yield
    }) : () -> ()
    %add3A_3 = arith.constant 0 : i32
    %add3A_4 = arith.addi %mul3A_2, %add3A_3 : i32
    "tpu.region"() ({
      %run_scoped3A = tpu.sem_alloc : memref<!tpu.dma_semaphore, #tpu.memory_space<semaphore_mem>>
      %dma_start3A_72 = arith.constant 0 : i32
      %dma_start3A_73 = tpu.memref_slice %arg11[%add3A_4, %dma_start3A_72] : memref<10240x128xf32, #tpu.memory_space<vmem_shared>> -> memref<80x128xf32, #tpu.memory_space<vmem_shared>>
      %dma_start3A_74 = arith.constant 0 : i32
      %dma_start3A_75 = tpu.memref_slice %arg11[%add3A_4, %dma_start3A_74] : memref<10240x128xf32, #tpu.memory_space<vmem_shared>> -> memref<80x128xf32, #tpu.memory_space<vmem_shared>>
      tpu.enqueue_dma source(%arg9 : memref<80x128xf32, #tpu.memory_space<vmem>>) target(%dma_start3A_75 : memref<80x128xf32, #tpu.memory_space<vmem_shared>>) target_semaphore(%run_scoped3A : memref<!tpu.dma_semaphore, #tpu.memory_space<semaphore_mem>>)
      %dma_wait3A_76 = arith.constant 0 : i32
      %dma_wait3A_77 = tpu.memref_slice %arg11[%add3A_4, %dma_wait3A_76] : memref<10240x128xf32, #tpu.memory_space<vmem_shared>> -> memref<80x128xf32, #tpu.memory_space<vmem_shared>>
      %dma_wait3A_78 = arith.constant 0 : i32
      %dma_wait3A_79 = tpu.memref_slice %arg11[%add3A_4, %dma_wait3A_78] : memref<10240x128xf32, #tpu.memory_space<vmem_shared>> -> memref<80x128xf32, #tpu.memory_space<vmem_shared>>
      tpu.wait_dma2 semaphore(%run_scoped3A : memref<!tpu.dma_semaphore, #tpu.memory_space<semaphore_mem>>) src(%arg9 : memref<80x128xf32, #tpu.memory_space<vmem>>) dst(%dma_wait3A_79 : memref<80x128xf32, #tpu.memory_space<vmem_shared>>)
      tpu.yield
    }) : () -> ()
    %add3A_5 = arith.constant 80 : i32
    %add3A_6 = arith.addi %mul3A_2, %add3A_5 : i32
    "tpu.region"() ({
      %run_scoped3A = tpu.sem_alloc : memref<!tpu.dma_semaphore, #tpu.memory_space<semaphore_mem>>
      %dma_start3A_72 = arith.constant 0 : i32
      %dma_start3A_73 = tpu.memref_slice %arg11[%add3A_6, %dma_start3A_72] : memref<10240x128xf32, #tpu.memory_space<vmem_shared>> -> memref<80x128xf32, #tpu.memory_space<vmem_shared>>
      %dma_start3A_74 = arith.constant 0 : i32
      %dma_start3A_75 = tpu.memref_slice %arg11[%add3A_6, %dma_start3A_74] : memref<10240x128xf32, #tpu.memory_space<vmem_shared>> -> memref<80x128xf32, #tpu.memory_space<vmem_shared>>
      tpu.enqueue_dma source(%arg9 : memref<80x128xf32, #tpu.memory_space<vmem>>) target(%dma_start3A_75 : memref<80x128xf32, #tpu.memory_space<vmem_shared>>) target_semaphore(%run_scoped3A : memref<!tpu.dma_semaphore, #tpu.memory_space<semaphore_mem>>)
      %dma_wait3A_76 = arith.constant 0 : i32
      %dma_wait3A_77 = tpu.memref_slice %arg11[%add3A_6, %dma_wait3A_76] : memref<10240x128xf32, #tpu.memory_space<vmem_shared>> -> memref<80x128xf32, #tpu.memory_space<vmem_shared>>
      %dma_wait3A_78 = arith.constant 0 : i32
      %dma_wait3A_79 = tpu.memref_slice %arg11[%add3A_6, %dma_wait3A_78] : memref<10240x128xf32, #tpu.memory_space<vmem_shared>> -> memref<80x128xf32, #tpu.memory_space<vmem_shared>>
      tpu.wait_dma2 semaphore(%run_scoped3A : memref<!tpu.dma_semaphore, #tpu.memory_space<semaphore_mem>>) src(%arg9 : memref<80x128xf32, #tpu.memory_space<vmem>>) dst(%dma_wait3A_79 : memref<80x128xf32, #tpu.memory_space<vmem_shared>>)
      tpu.yield
    }) : () -> ()
    %add3A_7 = arith.constant 160 : i32
    %add3A_8 = arith.addi %mul3A_2, %add3A_7 : i32
    "tpu.region"() ({
      %run_scoped3A = tpu.sem_alloc : memref<!tpu.dma_semaphore, #tpu.memory_space<semaphore_mem>>
      %dma_start3A_72 = arith.constant 0 : i32
      %dma_start3A_73 = tpu.memref_slice %arg11[%add3A_8, %dma_start3A_72] : memref<10240x128xf32, #tpu.memory_space<vmem_shared>> -> memref<80x128xf32, #tpu.memory_space<vmem_shared>>
      %dma_start3A_74 = arith.constant 0 : i32
      %dma_start3A_75 = tpu.memref_slice %arg11[%add3A_8, %dma_start3A_74] : memref<10240x128xf32, #tpu.memory_space<vmem_shared>> -> memref<80x128xf32, #tpu.memory_space<vmem_shared>>
      tpu.enqueue_dma source(%arg9 : memref<80x128xf32, #tpu.memory_space<vmem>>) target(%dma_start3A_75 : memref<80x128xf32, #tpu.memory_space<vmem_shared>>) target_semaphore(%run_scoped3A : memref<!tpu.dma_semaphore, #tpu.memory_space<semaphore_mem>>)
      %dma_wait3A_76 = arith.constant 0 : i32
      %dma_wait3A_77 = tpu.memref_slice %arg11[%add3A_8, %dma_wait3A_76] : memref<10240x128xf32, #tpu.memory_space<vmem_shared>> -> memref<80x128xf32, #tpu.memory_space<vmem_shared>>
      %dma_wait3A_78 = arith.constant 0 : i32
      %dma_wait3A_79 = tpu.memref_slice %arg11[%add3A_8, %dma_wait3A_78] : memref<10240x128xf32, #tpu.memory_space<vmem_shared>> -> memref<80x128xf32, #tpu.memory_space<vmem_shared>>
      tpu.wait_dma2 semaphore(%run_scoped3A : memref<!tpu.dma_semaphore, #tpu.memory_space<semaphore_mem>>) src(%arg9 : memref<80x128xf32, #tpu.memory_space<vmem>>) dst(%dma_wait3A_79 : memref<80x128xf32, #tpu.memory_space<vmem_shared>>)
      tpu.yield
    }) : () -> ()
    %add3A_9 = arith.constant 240 : i32
    %add3A_10 = arith.addi %mul3A_2, %add3A_9 : i32
    "tpu.region"() ({
      %run_scoped3A = tpu.sem_alloc : memref<!tpu.dma_semaphore, #tpu.memory_space<semaphore_mem>>
      %dma_start3A_72 = arith.constant 0 : i32
      %dma_start3A_73 = tpu.memref_slice %arg11[%add3A_10, %dma_start3A_72] : memref<10240x128xf32, #tpu.memory_space<vmem_shared>> -> memref<80x128xf32, #tpu.memory_space<vmem_shared>>
      %dma_start3A_74 = arith.constant 0 : i32
      %dma_start3A_75 = tpu.memref_slice %arg11[%add3A_10, %dma_start3A_74] : memref<10240x128xf32, #tpu.memory_space<vmem_shared>> -> memref<80x128xf32, #tpu.memory_space<vmem_shared>>
      tpu.enqueue_dma source(%arg9 : memref<80x128xf32, #tpu.memory_space<vmem>>) target(%dma_start3A_75 : memref<80x128xf32, #tpu.memory_space<vmem_shared>>) target_semaphore(%run_scoped3A : memref<!tpu.dma_semaphore, #tpu.memory_space<semaphore_mem>>)
      %dma_wait3A_76 = arith.constant 0 : i32
      %dma_wait3A_77 = tpu.memref_slice %arg11[%add3A_10, %dma_wait3A_76] : memref<10240x128xf32, #tpu.memory_space<vmem_shared>> -> memref<80x128xf32, #tpu.memory_space<vmem_shared>>
      %dma_wait3A_78 = arith.constant 0 : i32
      %dma_wait3A_79 = tpu.memref_slice %arg11[%add3A_10, %dma_wait3A_78] : memref<10240x128xf32, #tpu.memory_space<vmem_shared>> -> memref<80x128xf32, #tpu.memory_space<vmem_shared>>
      tpu.wait_dma2 semaphore(%run_scoped3A : memref<!tpu.dma_semaphore, #tpu.memory_space<semaphore_mem>>) src(%arg9 : memref<80x128xf32, #tpu.memory_space<vmem>>) dst(%dma_wait3A_79 : memref<80x128xf32, #tpu.memory_space<vmem_shared>>)
      tpu.yield
    }) : () -> ()
    %add3A_11 = arith.constant 320 : i32
    %add3A_12 = arith.addi %mul3A_2, %add3A_11 : i32
    "tpu.region"() ({
      %run_scoped3A = tpu.sem_alloc : memref<!tpu.dma_semaphore, #tpu.memory_space<semaphore_mem>>
      %dma_start3A_72 = arith.constant 0 : i32
      %dma_start3A_73 = tpu.memref_slice %arg11[%add3A_12, %dma_start3A_72] : memref<10240x128xf32, #tpu.memory_space<vmem_shared>> -> memref<80x128xf32, #tpu.memory_space<vmem_shared>>
      %dma_start3A_74 = arith.constant 0 : i32
      %dma_start3A_75 = tpu.memref_slice %arg11[%add3A_12, %dma_start3A_74] : memref<10240x128xf32, #tpu.memory_space<vmem_shared>> -> memref<80x128xf32, #tpu.memory_space<vmem_shared>>
      tpu.enqueue_dma source(%arg9 : memref<80x128xf32, #tpu.memory_space<vmem>>) target(%dma_start3A_75 : memref<80x128xf32, #tpu.memory_space<vmem_shared>>) target_semaphore(%run_scoped3A : memref<!tpu.dma_semaphore, #tpu.memory_space<semaphore_mem>>)
      %dma_wait3A_76 = arith.constant 0 : i32
      %dma_wait3A_77 = tpu.memref_slice %arg11[%add3A_12, %dma_wait3A_76] : memref<10240x128xf32, #tpu.memory_space<vmem_shared>> -> memref<80x128xf32, #tpu.memory_space<vmem_shared>>
      %dma_wait3A_78 = arith.constant 0 : i32
      %dma_wait3A_79 = tpu.memref_slice %arg11[%add3A_12, %dma_wait3A_78] : memref<10240x128xf32, #tpu.memory_space<vmem_shared>> -> memref<80x128xf32, #tpu.memory_space<vmem_shared>>
      tpu.wait_dma2 semaphore(%run_scoped3A : memref<!tpu.dma_semaphore, #tpu.memory_space<semaphore_mem>>) src(%arg9 : memref<80x128xf32, #tpu.memory_space<vmem>>) dst(%dma_wait3A_79 : memref<80x128xf32, #tpu.memory_space<vmem_shared>>)
      tpu.yield
    }) : () -> ()
    %add3A_13 = arith.constant 400 : i32
    %add3A_14 = arith.addi %mul3A_2, %add3A_13 : i32
    "tpu.region"() ({
      %run_scoped3A = tpu.sem_alloc : memref<!tpu.dma_semaphore, #tpu.memory_space<semaphore_mem>>
      %dma_start3A_72 = arith.constant 0 : i32
      %dma_start3A_73 = tpu.memref_slice %arg11[%add3A_14, %dma_start3A_72] : memref<10240x128xf32, #tpu.memory_space<vmem_shared>> -> memref<80x128xf32, #tpu.memory_space<vmem_shared>>
      %dma_start3A_74 = arith.constant 0 : i32
      %dma_start3A_75 = tpu.memref_slice %arg11[%add3A_14, %dma_start3A_74] : memref<10240x128xf32, #tpu.memory_space<vmem_shared>> -> memref<80x128xf32, #tpu.memory_space<vmem_shared>>
      tpu.enqueue_dma source(%arg9 : memref<80x128xf32, #tpu.memory_space<vmem>>) target(%dma_start3A_75 : memref<80x128xf32, #tpu.memory_space<vmem_shared>>) target_semaphore(%run_scoped3A : memref<!tpu.dma_semaphore, #tpu.memory_space<semaphore_mem>>)
      %dma_wait3A_76 = arith.constant 0 : i32
      %dma_wait3A_77 = tpu.memref_slice %arg11[%add3A_14, %dma_wait3A_76] : memref<10240x128xf32, #tpu.memory_space<vmem_shared>> -> memref<80x128xf32, #tpu.memory_space<vmem_shared>>
      %dma_wait3A_78 = arith.constant 0 : i32
      %dma_wait3A_79 = tpu.memref_slice %arg11[%add3A_14, %dma_wait3A_78] : memref<10240x128xf32, #tpu.memory_space<vmem_shared>> -> memref<80x128xf32, #tpu.memory_space<vmem_shared>>
      tpu.wait_dma2 semaphore(%run_scoped3A : memref<!tpu.dma_semaphore, #tpu.memory_space<semaphore_mem>>) src(%arg9 : memref<80x128xf32, #tpu.memory_space<vmem>>) dst(%dma_wait3A_79 : memref<80x128xf32, #tpu.memory_space<vmem_shared>>)
      tpu.yield
    }) : () -> ()
    %add3A_15 = arith.constant 480 : i32
    %add3A_16 = arith.addi %mul3A_2, %add3A_15 : i32
    "tpu.region"() ({
      %run_scoped3A = tpu.sem_alloc : memref<!tpu.dma_semaphore, #tpu.memory_space<semaphore_mem>>
      %dma_start3A_72 = arith.constant 0 : i32
      %dma_start3A_73 = tpu.memref_slice %arg11[%add3A_16, %dma_start3A_72] : memref<10240x128xf32, #tpu.memory_space<vmem_shared>> -> memref<80x128xf32, #tpu.memory_space<vmem_shared>>
      %dma_start3A_74 = arith.constant 0 : i32
      %dma_start3A_75 = tpu.memref_slice %arg11[%add3A_16, %dma_start3A_74] : memref<10240x128xf32, #tpu.memory_space<vmem_shared>> -> memref<80x128xf32, #tpu.memory_space<vmem_shared>>
      tpu.enqueue_dma source(%arg9 : memref<80x128xf32, #tpu.memory_space<vmem>>) target(%dma_start3A_75 : memref<80x128xf32, #tpu.memory_space<vmem_shared>>) target_semaphore(%run_scoped3A : memref<!tpu.dma_semaphore, #tpu.memory_space<semaphore_mem>>)
      %dma_wait3A_76 = arith.constant 0 : i32
      %dma_wait3A_77 = tpu.memref_slice %arg11[%add3A_16, %dma_wait3A_76] : memref<10240x128xf32, #tpu.memory_space<vmem_shared>> -> memref<80x128xf32, #tpu.memory_space<vmem_shared>>
      %dma_wait3A_78 = arith.constant 0 : i32
      %dma_wait3A_79 = tpu.memref_slice %arg11[%add3A_16, %dma_wait3A_78] : memref<10240x128xf32, #tpu.memory_space<vmem_shared>> -> memref<80x128xf32, #tpu.memory_space<vmem_shared>>
      tpu.wait_dma2 semaphore(%run_scoped3A : memref<!tpu.dma_semaphore, #tpu.memory_space<semaphore_mem>>) src(%arg9 : memref<80x128xf32, #tpu.memory_space<vmem>>) dst(%dma_wait3A_79 : memref<80x128xf32, #tpu.memory_space<vmem_shared>>)
      tpu.yield
    }) : () -> ()
    %add3A_17 = arith.constant 560 : i32
    %add3A_18 = arith.addi %mul3A_2, %add3A_17 : i32
    "tpu.region"() ({
      %run_scoped3A = tpu.sem_alloc : memref<!tpu.dma_semaphore, #tpu.memory_space<semaphore_mem>>
      %dma_start3A_72 = arith.constant 0 : i32
      %dma_start3A_73 = tpu.memref_slice %arg11[%add3A_18, %dma_start3A_72] : memref<10240x128xf32, #tpu.memory_space<vmem_shared>> -> memref<80x128xf32, #tpu.memory_space<vmem_shared>>
      %dma_start3A_74 = arith.constant 0 : i32
      %dma_start3A_75 = tpu.memref_slice %arg11[%add3A_18, %dma_start3A_74] : memref<10240x128xf32, #tpu.memory_space<vmem_shared>> -> memref<80x128xf32, #tpu.memory_space<vmem_shared>>
      tpu.enqueue_dma source(%arg9 : memref<80x128xf32, #tpu.memory_space<vmem>>) target(%dma_start3A_75 : memref<80x128xf32, #tpu.memory_space<vmem_shared>>) target_semaphore(%run_scoped3A : memref<!tpu.dma_semaphore, #tpu.memory_space<semaphore_mem>>)
      %dma_wait3A_76 = arith.constant 0 : i32
      %dma_wait3A_77 = tpu.memref_slice %arg11[%add3A_18, %dma_wait3A_76] : memref<10240x128xf32, #tpu.memory_space<vmem_shared>> -> memref<80x128xf32, #tpu.memory_space<vmem_shared>>
      %dma_wait3A_78 = arith.constant 0 : i32
      %dma_wait3A_79 = tpu.memref_slice %arg11[%add3A_18, %dma_wait3A_78] : memref<10240x128xf32, #tpu.memory_space<vmem_shared>> -> memref<80x128xf32, #tpu.memory_space<vmem_shared>>
      tpu.wait_dma2 semaphore(%run_scoped3A : memref<!tpu.dma_semaphore, #tpu.memory_space<semaphore_mem>>) src(%arg9 : memref<80x128xf32, #tpu.memory_space<vmem>>) dst(%dma_wait3A_79 : memref<80x128xf32, #tpu.memory_space<vmem_shared>>)
      tpu.yield
    }) : () -> ()
    %barrier3A = arith.constant 0 : index
    tpu.barrier barrier_id(%barrier3A)
    %dma_start3A = arith.constant 0 : i32
    %dma_start3A_19 = tpu.memref_slice %arg7[%dma_start3A] : memref<10000xi32, #tpu.memory_space<vmem>> -> memref<80xi32, #tpu.memory_space<vmem>>
    %dma_start3A_20 = arith.constant 0 : i32
    %dma_start3A_21 = arith.constant 0 : i32
    %dma_start3A_22 = tpu.memref_slice %arg2[%dma_start3A_20, %dma_start3A_21] : memref<10000x128xf32, #tpu.memory_space<hbm>> -> memref<10000x128xf32, #tpu.memory_space<hbm>>
    tpu.enqueue_indirect_dma source(%dma_start3A_22 : memref<10000x128xf32, #tpu.memory_space<hbm>>) target(%arg9 : memref<80x128xf32, #tpu.memory_space<vmem>>) offsets(%dma_start3A_19 : memref<80xi32, #tpu.memory_space<vmem>>) semaphore(%arg12 : memref<!tpu.dma_semaphore, #tpu.memory_space<semaphore_mem>>)
    %scan3A = arith.constant 0 : i32
    %scan3A_23 = arith.constant 62 : i32
    %scan3A_24 = arith.addi %scan3A, %scan3A_23 : i32
    %scan3A_25 = arith.constant 1 : i32
    scf.for %scan3A_72 = %scan3A to %scan3A_24 step %scan3A_25  : i32 {
      %mul3A_73 = arith.constant 1 : i32
      %mul3A_74 = arith.muli %scan3A_72, %mul3A_73 : i32
      %add3A_75 = arith.constant 0 : i32
      %add3A_76 = arith.addi %add3A_75, %mul3A_74 : i32
      %mul3A_77 = arith.constant 2 : i32
      %mul3A_78 = arith.muli %mul3A_77, %add3A_76 : i32
      %add3A_79 = arith.constant 1 : i32
      %add3A_80 = arith.addi %mul3A_78, %add3A_79 : i32
      %add3A_81 = arith.constant 2 : i32
      %add3A_82 = arith.addi %mul3A_78, %add3A_81 : i32
      %min3A = arith.constant 124 : i32
      %min3A_83 = arith.minsi %add3A_82, %min3A : i32
      %mul3A_84 = arith.constant 80 : i32
      %mul3A_85 = arith.muli %add3A_80, %mul3A_84 : i32
      %dma_start3A_86 = tpu.memref_slice %arg7[%mul3A_85] : memref<10000xi32, #tpu.memory_space<vmem>> -> memref<80xi32, #tpu.memory_space<vmem>>
      %dma_start3A_87 = arith.constant 0 : i32
      %dma_start3A_88 = arith.constant 0 : i32
      %dma_start3A_89 = tpu.memref_slice %arg2[%dma_start3A_87, %dma_start3A_88] : memref<10000x128xf32, #tpu.memory_space<hbm>> -> memref<10000x128xf32, #tpu.memory_space<hbm>>
      tpu.enqueue_indirect_dma source(%dma_start3A_89 : memref<10000x128xf32, #tpu.memory_space<hbm>>) target(%arg10 : memref<80x128xf32, #tpu.memory_space<vmem>>) offsets(%dma_start3A_86 : memref<80xi32, #tpu.memory_space<vmem>>) semaphore(%arg13 : memref<!tpu.dma_semaphore, #tpu.memory_space<semaphore_mem>>)
      %mul3A_90 = arith.constant 80 : i32
      %mul3A_91 = arith.muli %mul3A_78, %mul3A_90 : i32
      %dma_wait3A_92 = tpu.memref_slice %arg7[%mul3A_91] : memref<10000xi32, #tpu.memory_space<vmem>> -> memref<80xi32, #tpu.memory_space<vmem>>
      %dma_wait3A_93 = arith.constant 0 : i32
      %dma_wait3A_94 = arith.constant 0 : i32
      %dma_wait3A_95 = tpu.memref_slice %arg2[%dma_wait3A_93, %dma_wait3A_94] : memref<10000x128xf32, #tpu.memory_space<hbm>> -> memref<10000x128xf32, #tpu.memory_space<hbm>>
      tpu.wait_indirect_dma semaphore(%arg12 : memref<!tpu.dma_semaphore, #tpu.memory_space<semaphore_mem>>) src(%dma_wait3A_95 : memref<10000x128xf32, #tpu.memory_space<hbm>>) dst(%arg9 : memref<80x128xf32, #tpu.memory_space<vmem>>)
      %mul3A_96 = arith.constant 80 : i32
      %mul3A_97 = arith.muli %mul3A_78, %mul3A_96 : i32
      "tpu.region"() ({
        %run_scoped3A = tpu.sem_alloc : memref<!tpu.dma_semaphore, #tpu.memory_space<semaphore_mem>>
        %dma_start3A_112 = tpu.memref_slice %arg8[%mul3A_97] : memref<10000xi32, #tpu.memory_space<vmem>> -> memref<80xi32, #tpu.memory_space<vmem>>
        %dma_start3A_113 = arith.constant 0 : i32
        %dma_start3A_114 = arith.constant 0 : i32
        %dma_start3A_115 = tpu.memref_slice %arg11[%dma_start3A_113, %dma_start3A_114] : memref<10240x128xf32, #tpu.memory_space<vmem_shared>> -> memref<10240x128xf32, #tpu.memory_space<vmem_shared>>
        tpu.enqueue_indirect_dma source(%arg9 : memref<80x128xf32, #tpu.memory_space<vmem>>) target(%dma_start3A_115 : memref<10240x128xf32, #tpu.memory_space<vmem_shared>>) offsets(%dma_start3A_112 : memref<80xi32, #tpu.memory_space<vmem>>) semaphore(%run_scoped3A : memref<!tpu.dma_semaphore, #tpu.memory_space<semaphore_mem>>) {add = true}
        %dma_wait3A_116 = tpu.memref_slice %arg8[%mul3A_97] : memref<10000xi32, #tpu.memory_space<vmem>> -> memref<80xi32, #tpu.memory_space<vmem>>
        %dma_wait3A_117 = arith.constant 0 : i32
        %dma_wait3A_118 = arith.constant 0 : i32
        %dma_wait3A_119 = tpu.memref_slice %arg11[%dma_wait3A_117, %dma_wait3A_118] : memref<10240x128xf32, #tpu.memory_space<vmem_shared>> -> memref<10240x128xf32, #tpu.memory_space<vmem_shared>>
        tpu.wait_indirect_dma semaphore(%run_scoped3A : memref<!tpu.dma_semaphore, #tpu.memory_space<semaphore_mem>>) src(%arg9 : memref<80x128xf32, #tpu.memory_space<vmem>>) dst(%dma_wait3A_119 : memref<10240x128xf32, #tpu.memory_space<vmem_shared>>)
        tpu.yield
      }) : () -> ()
      %mul3A_98 = arith.constant 80 : i32
      %mul3A_99 = arith.muli %min3A_83, %mul3A_98 : i32
      %dma_start3A_100 = tpu.memref_slice %arg7[%mul3A_99] : memref<10000xi32, #tpu.memory_space<vmem>> -> memref<80xi32, #tpu.memory_space<vmem>>
      %dma_start3A_101 = arith.constant 0 : i32
      %dma_start3A_102 = arith.constant 0 : i32
      %dma_start3A_103 = tpu.memref_slice %arg2[%dma_start3A_101, %dma_start3A_102] : memref<10000x128xf32, #tpu.memory_space<hbm>> -> memref<10000x128xf32, #tpu.memory_space<hbm>>
      tpu.enqueue_indirect_dma source(%dma_start3A_103 : memref<10000x128xf32, #tpu.memory_space<hbm>>) target(%arg9 : memref<80x128xf32, #tpu.memory_space<vmem>>) offsets(%dma_start3A_100 : memref<80xi32, #tpu.memory_space<vmem>>) semaphore(%arg12 : memref<!tpu.dma_semaphore, #tpu.memory_space<semaphore_mem>>)
      %mul3A_104 = arith.constant 80 : i32
      %mul3A_105 = arith.muli %add3A_80, %mul3A_104 : i32
      %dma_wait3A_106 = tpu.memref_slice %arg7[%mul3A_105] : memref<10000xi32, #tpu.memory_space<vmem>> -> memref<80xi32, #tpu.memory_space<vmem>>
      %dma_wait3A_107 = arith.constant 0 : i32
      %dma_wait3A_108 = arith.constant 0 : i32
      %dma_wait3A_109 = tpu.memref_slice %arg2[%dma_wait3A_107, %dma_wait3A_108] : memref<10000x128xf32, #tpu.memory_space<hbm>> -> memref<10000x128xf32, #tpu.memory_space<hbm>>
      tpu.wait_indirect_dma semaphore(%arg13 : memref<!tpu.dma_semaphore, #tpu.memory_space<semaphore_mem>>) src(%dma_wait3A_109 : memref<10000x128xf32, #tpu.memory_space<hbm>>) dst(%arg10 : memref<80x128xf32, #tpu.memory_space<vmem>>)
      %mul3A_110 = arith.constant 80 : i32
      %mul3A_111 = arith.muli %add3A_80, %mul3A_110 : i32
      "tpu.region"() ({
        %run_scoped3A = tpu.sem_alloc : memref<!tpu.dma_semaphore, #tpu.memory_space<semaphore_mem>>
        %dma_start3A_112 = tpu.memref_slice %arg8[%mul3A_111] : memref<10000xi32, #tpu.memory_space<vmem>> -> memref<80xi32, #tpu.memory_space<vmem>>
        %dma_start3A_113 = arith.constant 0 : i32
        %dma_start3A_114 = arith.constant 0 : i32
        %dma_start3A_115 = tpu.memref_slice %arg11[%dma_start3A_113, %dma_start3A_114] : memref<10240x128xf32, #tpu.memory_space<vmem_shared>> -> memref<10240x128xf32, #tpu.memory_space<vmem_shared>>
        tpu.enqueue_indirect_dma source(%arg10 : memref<80x128xf32, #tpu.memory_space<vmem>>) target(%dma_start3A_115 : memref<10240x128xf32, #tpu.memory_space<vmem_shared>>) offsets(%dma_start3A_112 : memref<80xi32, #tpu.memory_space<vmem>>) semaphore(%run_scoped3A : memref<!tpu.dma_semaphore, #tpu.memory_space<semaphore_mem>>) {add = true}
        %dma_wait3A_116 = tpu.memref_slice %arg8[%mul3A_111] : memref<10000xi32, #tpu.memory_space<vmem>> -> memref<80xi32, #tpu.memory_space<vmem>>
        %dma_wait3A_117 = arith.constant 0 : i32
        %dma_wait3A_118 = arith.constant 0 : i32
        %dma_wait3A_119 = tpu.memref_slice %arg11[%dma_wait3A_117, %dma_wait3A_118] : memref<10240x128xf32, #tpu.memory_space<vmem_shared>> -> memref<10240x128xf32, #tpu.memory_space<vmem_shared>>
        tpu.wait_indirect_dma semaphore(%run_scoped3A : memref<!tpu.dma_semaphore, #tpu.memory_space<semaphore_mem>>) src(%arg10 : memref<80x128xf32, #tpu.memory_space<vmem>>) dst(%dma_wait3A_119 : memref<10240x128xf32, #tpu.memory_space<vmem_shared>>)
        tpu.yield
      }) : () -> ()
    }
    %scan3A_26 = arith.constant 62 : i32
    %dma_wait3A = arith.constant 0 : i32
    %dma_wait3A_27 = tpu.memref_slice %arg7[%dma_wait3A] : memref<10000xi32, #tpu.memory_space<vmem>> -> memref<80xi32, #tpu.memory_space<vmem>>
    %dma_wait3A_28 = arith.constant 0 : i32
    %dma_wait3A_29 = arith.constant 0 : i32
    %dma_wait3A_30 = tpu.memref_slice %arg2[%dma_wait3A_28, %dma_wait3A_29] : memref<10000x128xf32, #tpu.memory_space<hbm>> -> memref<10000x128xf32, #tpu.memory_space<hbm>>
    tpu.wait_indirect_dma semaphore(%arg12 : memref<!tpu.dma_semaphore, #tpu.memory_space<semaphore_mem>>) src(%dma_wait3A_30 : memref<10000x128xf32, #tpu.memory_space<hbm>>) dst(%arg9 : memref<80x128xf32, #tpu.memory_space<vmem>>)
    "tpu.region"() ({
      %run_scoped3A = tpu.sem_alloc : memref<!tpu.dma_semaphore, #tpu.memory_space<semaphore_mem>>
      %dma_start3A_72 = arith.constant 9920 : i32
      %dma_start3A_73 = tpu.memref_slice %arg8[%dma_start3A_72] : memref<10000xi32, #tpu.memory_space<vmem>> -> memref<80xi32, #tpu.memory_space<vmem>>
      %dma_start3A_74 = arith.constant 0 : i32
      %dma_start3A_75 = arith.constant 0 : i32
      %dma_start3A_76 = tpu.memref_slice %arg11[%dma_start3A_74, %dma_start3A_75] : memref<10240x128xf32, #tpu.memory_space<vmem_shared>> -> memref<10240x128xf32, #tpu.memory_space<vmem_shared>>
      tpu.enqueue_indirect_dma source(%arg9 : memref<80x128xf32, #tpu.memory_space<vmem>>) target(%dma_start3A_76 : memref<10240x128xf32, #tpu.memory_space<vmem_shared>>) offsets(%dma_start3A_73 : memref<80xi32, #tpu.memory_space<vmem>>) semaphore(%run_scoped3A : memref<!tpu.dma_semaphore, #tpu.memory_space<semaphore_mem>>) {add = true}
      %dma_wait3A_77 = arith.constant 9920 : i32
      %dma_wait3A_78 = tpu.memref_slice %arg8[%dma_wait3A_77] : memref<10000xi32, #tpu.memory_space<vmem>> -> memref<80xi32, #tpu.memory_space<vmem>>
      %dma_wait3A_79 = arith.constant 0 : i32
      %dma_wait3A_80 = arith.constant 0 : i32
      %dma_wait3A_81 = tpu.memref_slice %arg11[%dma_wait3A_79, %dma_wait3A_80] : memref<10240x128xf32, #tpu.memory_space<vmem_shared>> -> memref<10240x128xf32, #tpu.memory_space<vmem_shared>>
      tpu.wait_indirect_dma semaphore(%run_scoped3A : memref<!tpu.dma_semaphore, #tpu.memory_space<semaphore_mem>>) src(%arg9 : memref<80x128xf32, #tpu.memory_space<vmem>>) dst(%dma_wait3A_81 : memref<10240x128xf32, #tpu.memory_space<vmem_shared>>)
      tpu.yield
    }) : () -> ()
    %barrier3A_31 = arith.constant 0 : index
    tpu.barrier barrier_id(%barrier3A_31)
    %add3A_32 = arith.constant 0 : i32
    %add3A_33 = arith.addi %mul3A_2, %add3A_32 : i32
    "tpu.region"() ({
      %run_scoped3A = tpu.sem_alloc : memref<!tpu.dma_semaphore, #tpu.memory_space<semaphore_mem>>
      %dma_start3A_72 = arith.constant 0 : i32
      %dma_start3A_73 = tpu.memref_slice %arg11[%add3A_33, %dma_start3A_72] : memref<10240x128xf32, #tpu.memory_space<vmem_shared>> -> memref<80x128xf32, #tpu.memory_space<vmem_shared>>
      %dma_start3A_74 = arith.constant 0 : i32
      %dma_start3A_75 = tpu.memref_slice %arg11[%add3A_33, %dma_start3A_74] : memref<10240x128xf32, #tpu.memory_space<vmem_shared>> -> memref<80x128xf32, #tpu.memory_space<vmem_shared>>
      tpu.enqueue_dma source(%dma_start3A_75 : memref<80x128xf32, #tpu.memory_space<vmem_shared>>) target(%arg9 : memref<80x128xf32, #tpu.memory_space<vmem>>) target_semaphore(%run_scoped3A : memref<!tpu.dma_semaphore, #tpu.memory_space<semaphore_mem>>)
      %dma_wait3A_76 = arith.constant 0 : i32
      %dma_wait3A_77 = tpu.memref_slice %arg11[%add3A_33, %dma_wait3A_76] : memref<10240x128xf32, #tpu.memory_space<vmem_shared>> -> memref<80x128xf32, #tpu.memory_space<vmem_shared>>
      %dma_wait3A_78 = arith.constant 0 : i32
      %dma_wait3A_79 = tpu.memref_slice %arg11[%add3A_33, %dma_wait3A_78] : memref<10240x128xf32, #tpu.memory_space<vmem_shared>> -> memref<80x128xf32, #tpu.memory_space<vmem_shared>>
      tpu.wait_dma2 semaphore(%run_scoped3A : memref<!tpu.dma_semaphore, #tpu.memory_space<semaphore_mem>>) src(%dma_wait3A_79 : memref<80x128xf32, #tpu.memory_space<vmem_shared>>) dst(%arg9 : memref<80x128xf32, #tpu.memory_space<vmem>>)
      tpu.yield
    }) : () -> ()
    %mul3A_34 = arith.constant 10240 : i32
    %mul3A_35 = arith.muli %arg0, %mul3A_34 : i32
    %add3A_36 = arith.addi %mul3A_35, %add3A_33 : i32
    "tpu.region"() ({
      %run_scoped3A = tpu.sem_alloc : memref<!tpu.dma_semaphore, #tpu.memory_space<semaphore_mem>>
      %dma_start3A_72 = arith.constant 0 : i32
      %dma_start3A_73 = tpu.memref_slice %arg6[%add3A_36, %dma_start3A_72] : memref<20480x128xf32, #tpu.memory_space<hbm>> -> memref<80x128xf32, #tpu.memory_space<hbm>>
      %dma_start3A_74 = arith.constant 0 : i32
      %dma_start3A_75 = tpu.memref_slice %arg6[%add3A_36, %dma_start3A_74] : memref<20480x128xf32, #tpu.memory_space<hbm>> -> memref<80x128xf32, #tpu.memory_space<hbm>>
      tpu.enqueue_dma source(%arg9 : memref<80x128xf32, #tpu.memory_space<vmem>>) target(%dma_start3A_75 : memref<80x128xf32, #tpu.memory_space<hbm>>) target_semaphore(%run_scoped3A : memref<!tpu.dma_semaphore, #tpu.memory_space<semaphore_mem>>)
      %dma_wait3A_76 = arith.constant 0 : i32
      %dma_wait3A_77 = tpu.memref_slice %arg6[%add3A_36, %dma_wait3A_76] : memref<20480x128xf32, #tpu.memory_space<hbm>> -> memref<80x128xf32, #tpu.memory_space<hbm>>
      %dma_wait3A_78 = arith.constant 0 : i32
      %dma_wait3A_79 = tpu.memref_slice %arg6[%add3A_36, %dma_wait3A_78] : memref<20480x128xf32, #tpu.memory_space<hbm>> -> memref<80x128xf32, #tpu.memory_space<hbm>>
      tpu.wait_dma2 semaphore(%run_scoped3A : memref<!tpu.dma_semaphore, #tpu.memory_space<semaphore_mem>>) src(%arg9 : memref<80x128xf32, #tpu.memory_space<vmem>>) dst(%dma_wait3A_79 : memref<80x128xf32, #tpu.memory_space<hbm>>)
      tpu.yield
    }) : () -> ()
    %add3A_37 = arith.constant 80 : i32
    %add3A_38 = arith.addi %mul3A_2, %add3A_37 : i32
    "tpu.region"() ({
      %run_scoped3A = tpu.sem_alloc : memref<!tpu.dma_semaphore, #tpu.memory_space<semaphore_mem>>
      %dma_start3A_72 = arith.constant 0 : i32
      %dma_start3A_73 = tpu.memref_slice %arg11[%add3A_38, %dma_start3A_72] : memref<10240x128xf32, #tpu.memory_space<vmem_shared>> -> memref<80x128xf32, #tpu.memory_space<vmem_shared>>
      %dma_start3A_74 = arith.constant 0 : i32
      %dma_start3A_75 = tpu.memref_slice %arg11[%add3A_38, %dma_start3A_74] : memref<10240x128xf32, #tpu.memory_space<vmem_shared>> -> memref<80x128xf32, #tpu.memory_space<vmem_shared>>
      tpu.enqueue_dma source(%dma_start3A_75 : memref<80x128xf32, #tpu.memory_space<vmem_shared>>) target(%arg9 : memref<80x128xf32, #tpu.memory_space<vmem>>) target_semaphore(%run_scoped3A : memref<!tpu.dma_semaphore, #tpu.memory_space<semaphore_mem>>)
      %dma_wait3A_76 = arith.constant 0 : i32
      %dma_wait3A_77 = tpu.memref_slice %arg11[%add3A_38, %dma_wait3A_76] : memref<10240x128xf32, #tpu.memory_space<vmem_shared>> -> memref<80x128xf32, #tpu.memory_space<vmem_shared>>
      %dma_wait3A_78 = arith.constant 0 : i32
      %dma_wait3A_79 = tpu.memref_slice %arg11[%add3A_38, %dma_wait3A_78] : memref<10240x128xf32, #tpu.memory_space<vmem_shared>> -> memref<80x128xf32, #tpu.memory_space<vmem_shared>>
      tpu.wait_dma2 semaphore(%run_scoped3A : memref<!tpu.dma_semaphore, #tpu.memory_space<semaphore_mem>>) src(%dma_wait3A_79 : memref<80x128xf32, #tpu.memory_space<vmem_shared>>) dst(%arg9 : memref<80x128xf32, #tpu.memory_space<vmem>>)
      tpu.yield
    }) : () -> ()
    %mul3A_39 = arith.constant 10240 : i32
    %mul3A_40 = arith.muli %arg0, %mul3A_39 : i32
    %add3A_41 = arith.addi %mul3A_40, %add3A_38 : i32
    "tpu.region"() ({
      %run_scoped3A = tpu.sem_alloc : memref<!tpu.dma_semaphore, #tpu.memory_space<semaphore_mem>>
      %dma_start3A_72 = arith.constant 0 : i32
      %dma_start3A_73 = tpu.memref_slice %arg6[%add3A_41, %dma_start3A_72] : memref<20480x128xf32, #tpu.memory_space<hbm>> -> memref<80x128xf32, #tpu.memory_space<hbm>>
      %dma_start3A_74 = arith.constant 0 : i32
      %dma_start3A_75 = tpu.memref_slice %arg6[%add3A_41, %dma_start3A_74] : memref<20480x128xf32, #tpu.memory_space<hbm>> -> memref<80x128xf32, #tpu.memory_space<hbm>>
      tpu.enqueue_dma source(%arg9 : memref<80x128xf32, #tpu.memory_space<vmem>>) target(%dma_start3A_75 : memref<80x128xf32, #tpu.memory_space<hbm>>) target_semaphore(%run_scoped3A : memref<!tpu.dma_semaphore, #tpu.memory_space<semaphore_mem>>)
      %dma_wait3A_76 = arith.constant 0 : i32
      %dma_wait3A_77 = tpu.memref_slice %arg6[%add3A_41, %dma_wait3A_76] : memref<20480x128xf32, #tpu.memory_space<hbm>> -> memref<80x128xf32, #tpu.memory_space<hbm>>
      %dma_wait3A_78 = arith.constant 0 : i32
      %dma_wait3A_79 = tpu.memref_slice %arg6[%add3A_41, %dma_wait3A_78] : memref<20480x128xf32, #tpu.memory_space<hbm>> -> memref<80x128xf32, #tpu.memory_space<hbm>>
      tpu.wait_dma2 semaphore(%run_scoped3A : memref<!tpu.dma_semaphore, #tpu.memory_space<semaphore_mem>>) src(%arg9 : memref<80x128xf32, #tpu.memory_space<vmem>>) dst(%dma_wait3A_79 : memref<80x128xf32, #tpu.memory_space<hbm>>)
      tpu.yield
    }) : () -> ()
    %add3A_42 = arith.constant 160 : i32
    %add3A_43 = arith.addi %mul3A_2, %add3A_42 : i32
    "tpu.region"() ({
      %run_scoped3A = tpu.sem_alloc : memref<!tpu.dma_semaphore, #tpu.memory_space<semaphore_mem>>
      %dma_start3A_72 = arith.constant 0 : i32
      %dma_start3A_73 = tpu.memref_slice %arg11[%add3A_43, %dma_start3A_72] : memref<10240x128xf32, #tpu.memory_space<vmem_shared>> -> memref<80x128xf32, #tpu.memory_space<vmem_shared>>
      %dma_start3A_74 = arith.constant 0 : i32
      %dma_start3A_75 = tpu.memref_slice %arg11[%add3A_43, %dma_start3A_74] : memref<10240x128xf32, #tpu.memory_space<vmem_shared>> -> memref<80x128xf32, #tpu.memory_space<vmem_shared>>
      tpu.enqueue_dma source(%dma_start3A_75 : memref<80x128xf32, #tpu.memory_space<vmem_shared>>) target(%arg9 : memref<80x128xf32, #tpu.memory_space<vmem>>) target_semaphore(%run_scoped3A : memref<!tpu.dma_semaphore, #tpu.memory_space<semaphore_mem>>)
      %dma_wait3A_76 = arith.constant 0 : i32
      %dma_wait3A_77 = tpu.memref_slice %arg11[%add3A_43, %dma_wait3A_76] : memref<10240x128xf32, #tpu.memory_space<vmem_shared>> -> memref<80x128xf32, #tpu.memory_space<vmem_shared>>
      %dma_wait3A_78 = arith.constant 0 : i32
      %dma_wait3A_79 = tpu.memref_slice %arg11[%add3A_43, %dma_wait3A_78] : memref<10240x128xf32, #tpu.memory_space<vmem_shared>> -> memref<80x128xf32, #tpu.memory_space<vmem_shared>>
      tpu.wait_dma2 semaphore(%run_scoped3A : memref<!tpu.dma_semaphore, #tpu.memory_space<semaphore_mem>>) src(%dma_wait3A_79 : memref<80x128xf32, #tpu.memory_space<vmem_shared>>) dst(%arg9 : memref<80x128xf32, #tpu.memory_space<vmem>>)
      tpu.yield
    }) : () -> ()
    %mul3A_44 = arith.constant 10240 : i32
    %mul3A_45 = arith.muli %arg0, %mul3A_44 : i32
    %add3A_46 = arith.addi %mul3A_45, %add3A_43 : i32
    "tpu.region"() ({
      %run_scoped3A = tpu.sem_alloc : memref<!tpu.dma_semaphore, #tpu.memory_space<semaphore_mem>>
      %dma_start3A_72 = arith.constant 0 : i32
      %dma_start3A_73 = tpu.memref_slice %arg6[%add3A_46, %dma_start3A_72] : memref<20480x128xf32, #tpu.memory_space<hbm>> -> memref<80x128xf32, #tpu.memory_space<hbm>>
      %dma_start3A_74 = arith.constant 0 : i32
      %dma_start3A_75 = tpu.memref_slice %arg6[%add3A_46, %dma_start3A_74] : memref<20480x128xf32, #tpu.memory_space<hbm>> -> memref<80x128xf32, #tpu.memory_space<hbm>>
      tpu.enqueue_dma source(%arg9 : memref<80x128xf32, #tpu.memory_space<vmem>>) target(%dma_start3A_75 : memref<80x128xf32, #tpu.memory_space<hbm>>) target_semaphore(%run_scoped3A : memref<!tpu.dma_semaphore, #tpu.memory_space<semaphore_mem>>)
      %dma_wait3A_76 = arith.constant 0 : i32
      %dma_wait3A_77 = tpu.memref_slice %arg6[%add3A_46, %dma_wait3A_76] : memref<20480x128xf32, #tpu.memory_space<hbm>> -> memref<80x128xf32, #tpu.memory_space<hbm>>
      %dma_wait3A_78 = arith.constant 0 : i32
      %dma_wait3A_79 = tpu.memref_slice %arg6[%add3A_46, %dma_wait3A_78] : memref<20480x128xf32, #tpu.memory_space<hbm>> -> memref<80x128xf32, #tpu.memory_space<hbm>>
      tpu.wait_dma2 semaphore(%run_scoped3A : memref<!tpu.dma_semaphore, #tpu.memory_space<semaphore_mem>>) src(%arg9 : memref<80x128xf32, #tpu.memory_space<vmem>>) dst(%dma_wait3A_79 : memref<80x128xf32, #tpu.memory_space<hbm>>)
      tpu.yield
    }) : () -> ()
    %add3A_47 = arith.constant 240 : i32
    %add3A_48 = arith.addi %mul3A_2, %add3A_47 : i32
    "tpu.region"() ({
      %run_scoped3A = tpu.sem_alloc : memref<!tpu.dma_semaphore, #tpu.memory_space<semaphore_mem>>
      %dma_start3A_72 = arith.constant 0 : i32
      %dma_start3A_73 = tpu.memref_slice %arg11[%add3A_48, %dma_start3A_72] : memref<10240x128xf32, #tpu.memory_space<vmem_shared>> -> memref<80x128xf32, #tpu.memory_space<vmem_shared>>
      %dma_start3A_74 = arith.constant 0 : i32
      %dma_start3A_75 = tpu.memref_slice %arg11[%add3A_48, %dma_start3A_74] : memref<10240x128xf32, #tpu.memory_space<vmem_shared>> -> memref<80x128xf32, #tpu.memory_space<vmem_shared>>
      tpu.enqueue_dma source(%dma_start3A_75 : memref<80x128xf32, #tpu.memory_space<vmem_shared>>) target(%arg9 : memref<80x128xf32, #tpu.memory_space<vmem>>) target_semaphore(%run_scoped3A : memref<!tpu.dma_semaphore, #tpu.memory_space<semaphore_mem>>)
      %dma_wait3A_76 = arith.constant 0 : i32
      %dma_wait3A_77 = tpu.memref_slice %arg11[%add3A_48, %dma_wait3A_76] : memref<10240x128xf32, #tpu.memory_space<vmem_shared>> -> memref<80x128xf32, #tpu.memory_space<vmem_shared>>
      %dma_wait3A_78 = arith.constant 0 : i32
      %dma_wait3A_79 = tpu.memref_slice %arg11[%add3A_48, %dma_wait3A_78] : memref<10240x128xf32, #tpu.memory_space<vmem_shared>> -> memref<80x128xf32, #tpu.memory_space<vmem_shared>>
      tpu.wait_dma2 semaphore(%run_scoped3A : memref<!tpu.dma_semaphore, #tpu.memory_space<semaphore_mem>>) src(%dma_wait3A_79 : memref<80x128xf32, #tpu.memory_space<vmem_shared>>) dst(%arg9 : memref<80x128xf32, #tpu.memory_space<vmem>>)
      tpu.yield
    }) : () -> ()
    %mul3A_49 = arith.constant 10240 : i32
    %mul3A_50 = arith.muli %arg0, %mul3A_49 : i32
    %add3A_51 = arith.addi %mul3A_50, %add3A_48 : i32
    "tpu.region"() ({
      %run_scoped3A = tpu.sem_alloc : memref<!tpu.dma_semaphore, #tpu.memory_space<semaphore_mem>>
      %dma_start3A_72 = arith.constant 0 : i32
      %dma_start3A_73 = tpu.memref_slice %arg6[%add3A_51, %dma_start3A_72] : memref<20480x128xf32, #tpu.memory_space<hbm>> -> memref<80x128xf32, #tpu.memory_space<hbm>>
      %dma_start3A_74 = arith.constant 0 : i32
      %dma_start3A_75 = tpu.memref_slice %arg6[%add3A_51, %dma_start3A_74] : memref<20480x128xf32, #tpu.memory_space<hbm>> -> memref<80x128xf32, #tpu.memory_space<hbm>>
      tpu.enqueue_dma source(%arg9 : memref<80x128xf32, #tpu.memory_space<vmem>>) target(%dma_start3A_75 : memref<80x128xf32, #tpu.memory_space<hbm>>) target_semaphore(%run_scoped3A : memref<!tpu.dma_semaphore, #tpu.memory_space<semaphore_mem>>)
      %dma_wait3A_76 = arith.constant 0 : i32
      %dma_wait3A_77 = tpu.memref_slice %arg6[%add3A_51, %dma_wait3A_76] : memref<20480x128xf32, #tpu.memory_space<hbm>> -> memref<80x128xf32, #tpu.memory_space<hbm>>
      %dma_wait3A_78 = arith.constant 0 : i32
      %dma_wait3A_79 = tpu.memref_slice %arg6[%add3A_51, %dma_wait3A_78] : memref<20480x128xf32, #tpu.memory_space<hbm>> -> memref<80x128xf32, #tpu.memory_space<hbm>>
      tpu.wait_dma2 semaphore(%run_scoped3A : memref<!tpu.dma_semaphore, #tpu.memory_space<semaphore_mem>>) src(%arg9 : memref<80x128xf32, #tpu.memory_space<vmem>>) dst(%dma_wait3A_79 : memref<80x128xf32, #tpu.memory_space<hbm>>)
      tpu.yield
    }) : () -> ()
    %add3A_52 = arith.constant 320 : i32
    %add3A_53 = arith.addi %mul3A_2, %add3A_52 : i32
    "tpu.region"() ({
      %run_scoped3A = tpu.sem_alloc : memref<!tpu.dma_semaphore, #tpu.memory_space<semaphore_mem>>
      %dma_start3A_72 = arith.constant 0 : i32
      %dma_start3A_73 = tpu.memref_slice %arg11[%add3A_53, %dma_start3A_72] : memref<10240x128xf32, #tpu.memory_space<vmem_shared>> -> memref<80x128xf32, #tpu.memory_space<vmem_shared>>
      %dma_start3A_74 = arith.constant 0 : i32
      %dma_start3A_75 = tpu.memref_slice %arg11[%add3A_53, %dma_start3A_74] : memref<10240x128xf32, #tpu.memory_space<vmem_shared>> -> memref<80x128xf32, #tpu.memory_space<vmem_shared>>
      tpu.enqueue_dma source(%dma_start3A_75 : memref<80x128xf32, #tpu.memory_space<vmem_shared>>) target(%arg9 : memref<80x128xf32, #tpu.memory_space<vmem>>) target_semaphore(%run_scoped3A : memref<!tpu.dma_semaphore, #tpu.memory_space<semaphore_mem>>)
      %dma_wait3A_76 = arith.constant 0 : i32
      %dma_wait3A_77 = tpu.memref_slice %arg11[%add3A_53, %dma_wait3A_76] : memref<10240x128xf32, #tpu.memory_space<vmem_shared>> -> memref<80x128xf32, #tpu.memory_space<vmem_shared>>
      %dma_wait3A_78 = arith.constant 0 : i32
      %dma_wait3A_79 = tpu.memref_slice %arg11[%add3A_53, %dma_wait3A_78] : memref<10240x128xf32, #tpu.memory_space<vmem_shared>> -> memref<80x128xf32, #tpu.memory_space<vmem_shared>>
      tpu.wait_dma2 semaphore(%run_scoped3A : memref<!tpu.dma_semaphore, #tpu.memory_space<semaphore_mem>>) src(%dma_wait3A_79 : memref<80x128xf32, #tpu.memory_space<vmem_shared>>) dst(%arg9 : memref<80x128xf32, #tpu.memory_space<vmem>>)
      tpu.yield
    }) : () -> ()
    %mul3A_54 = arith.constant 10240 : i32
    %mul3A_55 = arith.muli %arg0, %mul3A_54 : i32
    %add3A_56 = arith.addi %mul3A_55, %add3A_53 : i32
    "tpu.region"() ({
      %run_scoped3A = tpu.sem_alloc : memref<!tpu.dma_semaphore, #tpu.memory_space<semaphore_mem>>
      %dma_start3A_72 = arith.constant 0 : i32
      %dma_start3A_73 = tpu.memref_slice %arg6[%add3A_56, %dma_start3A_72] : memref<20480x128xf32, #tpu.memory_space<hbm>> -> memref<80x128xf32, #tpu.memory_space<hbm>>
      %dma_start3A_74 = arith.constant 0 : i32
      %dma_start3A_75 = tpu.memref_slice %arg6[%add3A_56, %dma_start3A_74] : memref<20480x128xf32, #tpu.memory_space<hbm>> -> memref<80x128xf32, #tpu.memory_space<hbm>>
      tpu.enqueue_dma source(%arg9 : memref<80x128xf32, #tpu.memory_space<vmem>>) target(%dma_start3A_75 : memref<80x128xf32, #tpu.memory_space<hbm>>) target_semaphore(%run_scoped3A : memref<!tpu.dma_semaphore, #tpu.memory_space<semaphore_mem>>)
      %dma_wait3A_76 = arith.constant 0 : i32
      %dma_wait3A_77 = tpu.memref_slice %arg6[%add3A_56, %dma_wait3A_76] : memref<20480x128xf32, #tpu.memory_space<hbm>> -> memref<80x128xf32, #tpu.memory_space<hbm>>
      %dma_wait3A_78 = arith.constant 0 : i32
      %dma_wait3A_79 = tpu.memref_slice %arg6[%add3A_56, %dma_wait3A_78] : memref<20480x128xf32, #tpu.memory_space<hbm>> -> memref<80x128xf32, #tpu.memory_space<hbm>>
      tpu.wait_dma2 semaphore(%run_scoped3A : memref<!tpu.dma_semaphore, #tpu.memory_space<semaphore_mem>>) src(%arg9 : memref<80x128xf32, #tpu.memory_space<vmem>>) dst(%dma_wait3A_79 : memref<80x128xf32, #tpu.memory_space<hbm>>)
      tpu.yield
    }) : () -> ()
    %add3A_57 = arith.constant 400 : i32
    %add3A_58 = arith.addi %mul3A_2, %add3A_57 : i32
    "tpu.region"() ({
      %run_scoped3A = tpu.sem_alloc : memref<!tpu.dma_semaphore, #tpu.memory_space<semaphore_mem>>
      %dma_start3A_72 = arith.constant 0 : i32
      %dma_start3A_73 = tpu.memref_slice %arg11[%add3A_58, %dma_start3A_72] : memref<10240x128xf32, #tpu.memory_space<vmem_shared>> -> memref<80x128xf32, #tpu.memory_space<vmem_shared>>
      %dma_start3A_74 = arith.constant 0 : i32
      %dma_start3A_75 = tpu.memref_slice %arg11[%add3A_58, %dma_start3A_74] : memref<10240x128xf32, #tpu.memory_space<vmem_shared>> -> memref<80x128xf32, #tpu.memory_space<vmem_shared>>
      tpu.enqueue_dma source(%dma_start3A_75 : memref<80x128xf32, #tpu.memory_space<vmem_shared>>) target(%arg9 : memref<80x128xf32, #tpu.memory_space<vmem>>) target_semaphore(%run_scoped3A : memref<!tpu.dma_semaphore, #tpu.memory_space<semaphore_mem>>)
      %dma_wait3A_76 = arith.constant 0 : i32
      %dma_wait3A_77 = tpu.memref_slice %arg11[%add3A_58, %dma_wait3A_76] : memref<10240x128xf32, #tpu.memory_space<vmem_shared>> -> memref<80x128xf32, #tpu.memory_space<vmem_shared>>
      %dma_wait3A_78 = arith.constant 0 : i32
      %dma_wait3A_79 = tpu.memref_slice %arg11[%add3A_58, %dma_wait3A_78] : memref<10240x128xf32, #tpu.memory_space<vmem_shared>> -> memref<80x128xf32, #tpu.memory_space<vmem_shared>>
      tpu.wait_dma2 semaphore(%run_scoped3A : memref<!tpu.dma_semaphore, #tpu.memory_space<semaphore_mem>>) src(%dma_wait3A_79 : memref<80x128xf32, #tpu.memory_space<vmem_shared>>) dst(%arg9 : memref<80x128xf32, #tpu.memory_space<vmem>>)
      tpu.yield
    }) : () -> ()
    %mul3A_59 = arith.constant 10240 : i32
    %mul3A_60 = arith.muli %arg0, %mul3A_59 : i32
    %add3A_61 = arith.addi %mul3A_60, %add3A_58 : i32
    "tpu.region"() ({
      %run_scoped3A = tpu.sem_alloc : memref<!tpu.dma_semaphore, #tpu.memory_space<semaphore_mem>>
      %dma_start3A_72 = arith.constant 0 : i32
      %dma_start3A_73 = tpu.memref_slice %arg6[%add3A_61, %dma_start3A_72] : memref<20480x128xf32, #tpu.memory_space<hbm>> -> memref<80x128xf32, #tpu.memory_space<hbm>>
      %dma_start3A_74 = arith.constant 0 : i32
      %dma_start3A_75 = tpu.memref_slice %arg6[%add3A_61, %dma_start3A_74] : memref<20480x128xf32, #tpu.memory_space<hbm>> -> memref<80x128xf32, #tpu.memory_space<hbm>>
      tpu.enqueue_dma source(%arg9 : memref<80x128xf32, #tpu.memory_space<vmem>>) target(%dma_start3A_75 : memref<80x128xf32, #tpu.memory_space<hbm>>) target_semaphore(%run_scoped3A : memref<!tpu.dma_semaphore, #tpu.memory_space<semaphore_mem>>)
      %dma_wait3A_76 = arith.constant 0 : i32
      %dma_wait3A_77 = tpu.memref_slice %arg6[%add3A_61, %dma_wait3A_76] : memref<20480x128xf32, #tpu.memory_space<hbm>> -> memref<80x128xf32, #tpu.memory_space<hbm>>
      %dma_wait3A_78 = arith.constant 0 : i32
      %dma_wait3A_79 = tpu.memref_slice %arg6[%add3A_61, %dma_wait3A_78] : memref<20480x128xf32, #tpu.memory_space<hbm>> -> memref<80x128xf32, #tpu.memory_space<hbm>>
      tpu.wait_dma2 semaphore(%run_scoped3A : memref<!tpu.dma_semaphore, #tpu.memory_space<semaphore_mem>>) src(%arg9 : memref<80x128xf32, #tpu.memory_space<vmem>>) dst(%dma_wait3A_79 : memref<80x128xf32, #tpu.memory_space<hbm>>)
      tpu.yield
    }) : () -> ()
    %add3A_62 = arith.constant 480 : i32
    %add3A_63 = arith.addi %mul3A_2, %add3A_62 : i32
    "tpu.region"() ({
      %run_scoped3A = tpu.sem_alloc : memref<!tpu.dma_semaphore, #tpu.memory_space<semaphore_mem>>
      %dma_start3A_72 = arith.constant 0 : i32
      %dma_start3A_73 = tpu.memref_slice %arg11[%add3A_63, %dma_start3A_72] : memref<10240x128xf32, #tpu.memory_space<vmem_shared>> -> memref<80x128xf32, #tpu.memory_space<vmem_shared>>
      %dma_start3A_74 = arith.constant 0 : i32
      %dma_start3A_75 = tpu.memref_slice %arg11[%add3A_63, %dma_start3A_74] : memref<10240x128xf32, #tpu.memory_space<vmem_shared>> -> memref<80x128xf32, #tpu.memory_space<vmem_shared>>
      tpu.enqueue_dma source(%dma_start3A_75 : memref<80x128xf32, #tpu.memory_space<vmem_shared>>) target(%arg9 : memref<80x128xf32, #tpu.memory_space<vmem>>) target_semaphore(%run_scoped3A : memref<!tpu.dma_semaphore, #tpu.memory_space<semaphore_mem>>)
      %dma_wait3A_76 = arith.constant 0 : i32
      %dma_wait3A_77 = tpu.memref_slice %arg11[%add3A_63, %dma_wait3A_76] : memref<10240x128xf32, #tpu.memory_space<vmem_shared>> -> memref<80x128xf32, #tpu.memory_space<vmem_shared>>
      %dma_wait3A_78 = arith.constant 0 : i32
      %dma_wait3A_79 = tpu.memref_slice %arg11[%add3A_63, %dma_wait3A_78] : memref<10240x128xf32, #tpu.memory_space<vmem_shared>> -> memref<80x128xf32, #tpu.memory_space<vmem_shared>>
      tpu.wait_dma2 semaphore(%run_scoped3A : memref<!tpu.dma_semaphore, #tpu.memory_space<semaphore_mem>>) src(%dma_wait3A_79 : memref<80x128xf32, #tpu.memory_space<vmem_shared>>) dst(%arg9 : memref<80x128xf32, #tpu.memory_space<vmem>>)
      tpu.yield
    }) : () -> ()
    %mul3A_64 = arith.constant 10240 : i32
    %mul3A_65 = arith.muli %arg0, %mul3A_64 : i32
    %add3A_66 = arith.addi %mul3A_65, %add3A_63 : i32
    "tpu.region"() ({
      %run_scoped3A = tpu.sem_alloc : memref<!tpu.dma_semaphore, #tpu.memory_space<semaphore_mem>>
      %dma_start3A_72 = arith.constant 0 : i32
      %dma_start3A_73 = tpu.memref_slice %arg6[%add3A_66, %dma_start3A_72] : memref<20480x128xf32, #tpu.memory_space<hbm>> -> memref<80x128xf32, #tpu.memory_space<hbm>>
      %dma_start3A_74 = arith.constant 0 : i32
      %dma_start3A_75 = tpu.memref_slice %arg6[%add3A_66, %dma_start3A_74] : memref<20480x128xf32, #tpu.memory_space<hbm>> -> memref<80x128xf32, #tpu.memory_space<hbm>>
      tpu.enqueue_dma source(%arg9 : memref<80x128xf32, #tpu.memory_space<vmem>>) target(%dma_start3A_75 : memref<80x128xf32, #tpu.memory_space<hbm>>) target_semaphore(%run_scoped3A : memref<!tpu.dma_semaphore, #tpu.memory_space<semaphore_mem>>)
      %dma_wait3A_76 = arith.constant 0 : i32
      %dma_wait3A_77 = tpu.memref_slice %arg6[%add3A_66, %dma_wait3A_76] : memref<20480x128xf32, #tpu.memory_space<hbm>> -> memref<80x128xf32, #tpu.memory_space<hbm>>
      %dma_wait3A_78 = arith.constant 0 : i32
      %dma_wait3A_79 = tpu.memref_slice %arg6[%add3A_66, %dma_wait3A_78] : memref<20480x128xf32, #tpu.memory_space<hbm>> -> memref<80x128xf32, #tpu.memory_space<hbm>>
      tpu.wait_dma2 semaphore(%run_scoped3A : memref<!tpu.dma_semaphore, #tpu.memory_space<semaphore_mem>>) src(%arg9 : memref<80x128xf32, #tpu.memory_space<vmem>>) dst(%dma_wait3A_79 : memref<80x128xf32, #tpu.memory_space<hbm>>)
      tpu.yield
    }) : () -> ()
    %add3A_67 = arith.constant 560 : i32
    %add3A_68 = arith.addi %mul3A_2, %add3A_67 : i32
    "tpu.region"() ({
      %run_scoped3A = tpu.sem_alloc : memref<!tpu.dma_semaphore, #tpu.memory_space<semaphore_mem>>
      %dma_start3A_72 = arith.constant 0 : i32
      %dma_start3A_73 = tpu.memref_slice %arg11[%add3A_68, %dma_start3A_72] : memref<10240x128xf32, #tpu.memory_space<vmem_shared>> -> memref<80x128xf32, #tpu.memory_space<vmem_shared>>
      %dma_start3A_74 = arith.constant 0 : i32
      %dma_start3A_75 = tpu.memref_slice %arg11[%add3A_68, %dma_start3A_74] : memref<10240x128xf32, #tpu.memory_space<vmem_shared>> -> memref<80x128xf32, #tpu.memory_space<vmem_shared>>
      tpu.enqueue_dma source(%dma_start3A_75 : memref<80x128xf32, #tpu.memory_space<vmem_shared>>) target(%arg9 : memref<80x128xf32, #tpu.memory_space<vmem>>) target_semaphore(%run_scoped3A : memref<!tpu.dma_semaphore, #tpu.memory_space<semaphore_mem>>)
      %dma_wait3A_76 = arith.constant 0 : i32
      %dma_wait3A_77 = tpu.memref_slice %arg11[%add3A_68, %dma_wait3A_76] : memref<10240x128xf32, #tpu.memory_space<vmem_shared>> -> memref<80x128xf32, #tpu.memory_space<vmem_shared>>
      %dma_wait3A_78 = arith.constant 0 : i32
      %dma_wait3A_79 = tpu.memref_slice %arg11[%add3A_68, %dma_wait3A_78] : memref<10240x128xf32, #tpu.memory_space<vmem_shared>> -> memref<80x128xf32, #tpu.memory_space<vmem_shared>>
      tpu.wait_dma2 semaphore(%run_scoped3A : memref<!tpu.dma_semaphore, #tpu.memory_space<semaphore_mem>>) src(%dma_wait3A_79 : memref<80x128xf32, #tpu.memory_space<vmem_shared>>) dst(%arg9 : memref<80x128xf32, #tpu.memory_space<vmem>>)
      tpu.yield
    }) : () -> ()
    %mul3A_69 = arith.constant 10240 : i32
    %mul3A_70 = arith.muli %arg0, %mul3A_69 : i32
    %add3A_71 = arith.addi %mul3A_70, %add3A_68 : i32
    "tpu.region"() ({
      %run_scoped3A = tpu.sem_alloc : memref<!tpu.dma_semaphore, #tpu.memory_space<semaphore_mem>>
      %dma_start3A_72 = arith.constant 0 : i32
      %dma_start3A_73 = tpu.memref_slice %arg6[%add3A_71, %dma_start3A_72] : memref<20480x128xf32, #tpu.memory_space<hbm>> -> memref<80x128xf32, #tpu.memory_space<hbm>>
      %dma_start3A_74 = arith.constant 0 : i32
      %dma_start3A_75 = tpu.memref_slice %arg6[%add3A_71, %dma_start3A_74] : memref<20480x128xf32, #tpu.memory_space<hbm>> -> memref<80x128xf32, #tpu.memory_space<hbm>>
      tpu.enqueue_dma source(%arg9 : memref<80x128xf32, #tpu.memory_space<vmem>>) target(%dma_start3A_75 : memref<80x128xf32, #tpu.memory_space<hbm>>) target_semaphore(%run_scoped3A : memref<!tpu.dma_semaphore, #tpu.memory_space<semaphore_mem>>)
      %dma_wait3A_76 = arith.constant 0 : i32
      %dma_wait3A_77 = tpu.memref_slice %arg6[%add3A_71, %dma_wait3A_76] : memref<20480x128xf32, #tpu.memory_space<hbm>> -> memref<80x128xf32, #tpu.memory_space<hbm>>
      %dma_wait3A_78 = arith.constant 0 : i32
      %dma_wait3A_79 = tpu.memref_slice %arg6[%add3A_71, %dma_wait3A_78] : memref<20480x128xf32, #tpu.memory_space<hbm>> -> memref<80x128xf32, #tpu.memory_space<hbm>>
      tpu.wait_dma2 semaphore(%run_scoped3A : memref<!tpu.dma_semaphore, #tpu.memory_space<semaphore_mem>>) src(%arg9 : memref<80x128xf32, #tpu.memory_space<vmem>>) dst(%dma_wait3A_79 : memref<80x128xf32, #tpu.memory_space<hbm>>)
      tpu.yield
    }) : () -> ()
    return
  }
}

#map = affine_map<(d0, d1) -> (0, 0)>
module attributes {stable_mosaic.version = 14 : i64} {
  func.func @body(%arg0: i32, %arg1: i32, %arg2: memref<32x10000xi32, #tpu.memory_space<hbm>>, %arg3: memref<80x128xf32, #tpu.memory_space<hbm>>, %arg4: memref<80x128xf32, #tpu.memory_space<hbm>>, %arg5: memref<20480x128xf32, #tpu.memory_space<hbm>>, %arg6: memref<10000xi32, #tpu.memory_space<vmem>>, %arg7: memref<80x128xf32, #tpu.memory_space<vmem>>, %arg8: memref<80x128xf32, #tpu.memory_space<vmem>>, %arg9: memref<10240x128xf32, #tpu.memory_space<vmem_shared>>) attributes {dimension_semantics = [#tpu.dimension_semantics<core_parallel>, #tpu.dimension_semantics<subcore_parallel>], iteration_bounds = array<i64: 2, 16>, scalar_prefetch = 0 : i64, scratch_operands = 4 : i64, tpu.core_type = #tpu.core_type<sc_vector_subcore>, window_params = [{transform_indices = #map}, {transform_indices = #map}, {transform_indices = #map}, {transform_indices = #map}]} {
    %mul3A = arith.constant 2 : i32
    %mul3A_0 = arith.muli %arg1, %mul3A : i32
    %add3A = arith.addi %mul3A_0, %arg0 : i32
    %mul3A_1 = arith.constant 640 : i32
    %mul3A_2 = arith.muli %arg1, %mul3A_1 : i32
    "tpu.region"() ({
      %run_scoped3A = tpu.sem_alloc : memref<!tpu.dma_semaphore, #tpu.memory_space<semaphore_mem>>
      %dma_start3A = arith.constant 0 : i32
      %dma_start3A_64 = tpu.memref_slice %arg2[%add3A, %dma_start3A] : memref<32x10000xi32, #tpu.memory_space<hbm>> -> memref<1x10000xi32, #tpu.memory_space<hbm>>
      %dma_start3A_65 = tpu.memref_squeeze %dma_start3A_64 : memref<1x10000xi32, #tpu.memory_space<hbm>> -> memref<10000xi32, #tpu.memory_space<hbm>>
      %dma_start3A_66 = arith.constant 0 : i32
      %dma_start3A_67 = tpu.memref_slice %arg2[%add3A, %dma_start3A_66] : memref<32x10000xi32, #tpu.memory_space<hbm>> -> memref<1x10000xi32, #tpu.memory_space<hbm>>
      %dma_start3A_68 = tpu.memref_squeeze %dma_start3A_67 : memref<1x10000xi32, #tpu.memory_space<hbm>> -> memref<10000xi32, #tpu.memory_space<hbm>>
      tpu.enqueue_dma source(%dma_start3A_68 : memref<10000xi32, #tpu.memory_space<hbm>>) target(%arg6 : memref<10000xi32, #tpu.memory_space<vmem>>) target_semaphore(%run_scoped3A : memref<!tpu.dma_semaphore, #tpu.memory_space<semaphore_mem>>)
      %dma_wait3A = arith.constant 0 : i32
      %dma_wait3A_69 = tpu.memref_slice %arg2[%add3A, %dma_wait3A] : memref<32x10000xi32, #tpu.memory_space<hbm>> -> memref<1x10000xi32, #tpu.memory_space<hbm>>
      %dma_wait3A_70 = tpu.memref_squeeze %dma_wait3A_69 : memref<1x10000xi32, #tpu.memory_space<hbm>> -> memref<10000xi32, #tpu.memory_space<hbm>>
      %dma_wait3A_71 = arith.constant 0 : i32
      %dma_wait3A_72 = tpu.memref_slice %arg2[%add3A, %dma_wait3A_71] : memref<32x10000xi32, #tpu.memory_space<hbm>> -> memref<1x10000xi32, #tpu.memory_space<hbm>>
      %dma_wait3A_73 = tpu.memref_squeeze %dma_wait3A_72 : memref<1x10000xi32, #tpu.memory_space<hbm>> -> memref<10000xi32, #tpu.memory_space<hbm>>
      tpu.wait_dma2 semaphore(%run_scoped3A : memref<!tpu.dma_semaphore, #tpu.memory_space<semaphore_mem>>) src(%dma_wait3A_73 : memref<10000xi32, #tpu.memory_space<hbm>>) dst(%arg6 : memref<10000xi32, #tpu.memory_space<vmem>>)
      tpu.yield
    }) : () -> ()
    "tpu.region"() ({
      %run_scoped3A = tpu.sem_alloc : memref<!tpu.dma_semaphore, #tpu.memory_space<semaphore_mem>>
      tpu.enqueue_dma source(%arg3 : memref<80x128xf32, #tpu.memory_space<hbm>>) target(%arg8 : memref<80x128xf32, #tpu.memory_space<vmem>>) target_semaphore(%run_scoped3A : memref<!tpu.dma_semaphore, #tpu.memory_space<semaphore_mem>>)
      tpu.wait_dma2 semaphore(%run_scoped3A : memref<!tpu.dma_semaphore, #tpu.memory_space<semaphore_mem>>) src(%arg3 : memref<80x128xf32, #tpu.memory_space<hbm>>) dst(%arg8 : memref<80x128xf32, #tpu.memory_space<vmem>>)
      tpu.yield
    }) : () -> ()
    "tpu.region"() ({
      %run_scoped3A = tpu.sem_alloc : memref<!tpu.dma_semaphore, #tpu.memory_space<semaphore_mem>>
      tpu.enqueue_dma source(%arg4 : memref<80x128xf32, #tpu.memory_space<hbm>>) target(%arg7 : memref<80x128xf32, #tpu.memory_space<vmem>>) target_semaphore(%run_scoped3A : memref<!tpu.dma_semaphore, #tpu.memory_space<semaphore_mem>>)
      tpu.wait_dma2 semaphore(%run_scoped3A : memref<!tpu.dma_semaphore, #tpu.memory_space<semaphore_mem>>) src(%arg4 : memref<80x128xf32, #tpu.memory_space<hbm>>) dst(%arg7 : memref<80x128xf32, #tpu.memory_space<vmem>>)
      tpu.yield
    }) : () -> ()
    %add3A_3 = arith.constant 0 : i32
    %add3A_4 = arith.addi %mul3A_2, %add3A_3 : i32
    "tpu.region"() ({
      %run_scoped3A = tpu.sem_alloc : memref<!tpu.dma_semaphore, #tpu.memory_space<semaphore_mem>>
      %dma_start3A = arith.constant 0 : i32
      %dma_start3A_64 = tpu.memref_slice %arg9[%add3A_4, %dma_start3A] : memref<10240x128xf32, #tpu.memory_space<vmem_shared>> -> memref<80x128xf32, #tpu.memory_space<vmem_shared>>
      %dma_start3A_65 = arith.constant 0 : i32
      %dma_start3A_66 = tpu.memref_slice %arg9[%add3A_4, %dma_start3A_65] : memref<10240x128xf32, #tpu.memory_space<vmem_shared>> -> memref<80x128xf32, #tpu.memory_space<vmem_shared>>
      tpu.enqueue_dma source(%arg8 : memref<80x128xf32, #tpu.memory_space<vmem>>) target(%dma_start3A_66 : memref<80x128xf32, #tpu.memory_space<vmem_shared>>) target_semaphore(%run_scoped3A : memref<!tpu.dma_semaphore, #tpu.memory_space<semaphore_mem>>)
      %dma_wait3A = arith.constant 0 : i32
      %dma_wait3A_67 = tpu.memref_slice %arg9[%add3A_4, %dma_wait3A] : memref<10240x128xf32, #tpu.memory_space<vmem_shared>> -> memref<80x128xf32, #tpu.memory_space<vmem_shared>>
      %dma_wait3A_68 = arith.constant 0 : i32
      %dma_wait3A_69 = tpu.memref_slice %arg9[%add3A_4, %dma_wait3A_68] : memref<10240x128xf32, #tpu.memory_space<vmem_shared>> -> memref<80x128xf32, #tpu.memory_space<vmem_shared>>
      tpu.wait_dma2 semaphore(%run_scoped3A : memref<!tpu.dma_semaphore, #tpu.memory_space<semaphore_mem>>) src(%arg8 : memref<80x128xf32, #tpu.memory_space<vmem>>) dst(%dma_wait3A_69 : memref<80x128xf32, #tpu.memory_space<vmem_shared>>)
      tpu.yield
    }) : () -> ()
    %add3A_5 = arith.constant 80 : i32
    %add3A_6 = arith.addi %mul3A_2, %add3A_5 : i32
    "tpu.region"() ({
      %run_scoped3A = tpu.sem_alloc : memref<!tpu.dma_semaphore, #tpu.memory_space<semaphore_mem>>
      %dma_start3A = arith.constant 0 : i32
      %dma_start3A_64 = tpu.memref_slice %arg9[%add3A_6, %dma_start3A] : memref<10240x128xf32, #tpu.memory_space<vmem_shared>> -> memref<80x128xf32, #tpu.memory_space<vmem_shared>>
      %dma_start3A_65 = arith.constant 0 : i32
      %dma_start3A_66 = tpu.memref_slice %arg9[%add3A_6, %dma_start3A_65] : memref<10240x128xf32, #tpu.memory_space<vmem_shared>> -> memref<80x128xf32, #tpu.memory_space<vmem_shared>>
      tpu.enqueue_dma source(%arg8 : memref<80x128xf32, #tpu.memory_space<vmem>>) target(%dma_start3A_66 : memref<80x128xf32, #tpu.memory_space<vmem_shared>>) target_semaphore(%run_scoped3A : memref<!tpu.dma_semaphore, #tpu.memory_space<semaphore_mem>>)
      %dma_wait3A = arith.constant 0 : i32
      %dma_wait3A_67 = tpu.memref_slice %arg9[%add3A_6, %dma_wait3A] : memref<10240x128xf32, #tpu.memory_space<vmem_shared>> -> memref<80x128xf32, #tpu.memory_space<vmem_shared>>
      %dma_wait3A_68 = arith.constant 0 : i32
      %dma_wait3A_69 = tpu.memref_slice %arg9[%add3A_6, %dma_wait3A_68] : memref<10240x128xf32, #tpu.memory_space<vmem_shared>> -> memref<80x128xf32, #tpu.memory_space<vmem_shared>>
      tpu.wait_dma2 semaphore(%run_scoped3A : memref<!tpu.dma_semaphore, #tpu.memory_space<semaphore_mem>>) src(%arg8 : memref<80x128xf32, #tpu.memory_space<vmem>>) dst(%dma_wait3A_69 : memref<80x128xf32, #tpu.memory_space<vmem_shared>>)
      tpu.yield
    }) : () -> ()
    %add3A_7 = arith.constant 160 : i32
    %add3A_8 = arith.addi %mul3A_2, %add3A_7 : i32
    "tpu.region"() ({
      %run_scoped3A = tpu.sem_alloc : memref<!tpu.dma_semaphore, #tpu.memory_space<semaphore_mem>>
      %dma_start3A = arith.constant 0 : i32
      %dma_start3A_64 = tpu.memref_slice %arg9[%add3A_8, %dma_start3A] : memref<10240x128xf32, #tpu.memory_space<vmem_shared>> -> memref<80x128xf32, #tpu.memory_space<vmem_shared>>
      %dma_start3A_65 = arith.constant 0 : i32
      %dma_start3A_66 = tpu.memref_slice %arg9[%add3A_8, %dma_start3A_65] : memref<10240x128xf32, #tpu.memory_space<vmem_shared>> -> memref<80x128xf32, #tpu.memory_space<vmem_shared>>
      tpu.enqueue_dma source(%arg8 : memref<80x128xf32, #tpu.memory_space<vmem>>) target(%dma_start3A_66 : memref<80x128xf32, #tpu.memory_space<vmem_shared>>) target_semaphore(%run_scoped3A : memref<!tpu.dma_semaphore, #tpu.memory_space<semaphore_mem>>)
      %dma_wait3A = arith.constant 0 : i32
      %dma_wait3A_67 = tpu.memref_slice %arg9[%add3A_8, %dma_wait3A] : memref<10240x128xf32, #tpu.memory_space<vmem_shared>> -> memref<80x128xf32, #tpu.memory_space<vmem_shared>>
      %dma_wait3A_68 = arith.constant 0 : i32
      %dma_wait3A_69 = tpu.memref_slice %arg9[%add3A_8, %dma_wait3A_68] : memref<10240x128xf32, #tpu.memory_space<vmem_shared>> -> memref<80x128xf32, #tpu.memory_space<vmem_shared>>
      tpu.wait_dma2 semaphore(%run_scoped3A : memref<!tpu.dma_semaphore, #tpu.memory_space<semaphore_mem>>) src(%arg8 : memref<80x128xf32, #tpu.memory_space<vmem>>) dst(%dma_wait3A_69 : memref<80x128xf32, #tpu.memory_space<vmem_shared>>)
      tpu.yield
    }) : () -> ()
    %add3A_9 = arith.constant 240 : i32
    %add3A_10 = arith.addi %mul3A_2, %add3A_9 : i32
    "tpu.region"() ({
      %run_scoped3A = tpu.sem_alloc : memref<!tpu.dma_semaphore, #tpu.memory_space<semaphore_mem>>
      %dma_start3A = arith.constant 0 : i32
      %dma_start3A_64 = tpu.memref_slice %arg9[%add3A_10, %dma_start3A] : memref<10240x128xf32, #tpu.memory_space<vmem_shared>> -> memref<80x128xf32, #tpu.memory_space<vmem_shared>>
      %dma_start3A_65 = arith.constant 0 : i32
      %dma_start3A_66 = tpu.memref_slice %arg9[%add3A_10, %dma_start3A_65] : memref<10240x128xf32, #tpu.memory_space<vmem_shared>> -> memref<80x128xf32, #tpu.memory_space<vmem_shared>>
      tpu.enqueue_dma source(%arg8 : memref<80x128xf32, #tpu.memory_space<vmem>>) target(%dma_start3A_66 : memref<80x128xf32, #tpu.memory_space<vmem_shared>>) target_semaphore(%run_scoped3A : memref<!tpu.dma_semaphore, #tpu.memory_space<semaphore_mem>>)
      %dma_wait3A = arith.constant 0 : i32
      %dma_wait3A_67 = tpu.memref_slice %arg9[%add3A_10, %dma_wait3A] : memref<10240x128xf32, #tpu.memory_space<vmem_shared>> -> memref<80x128xf32, #tpu.memory_space<vmem_shared>>
      %dma_wait3A_68 = arith.constant 0 : i32
      %dma_wait3A_69 = tpu.memref_slice %arg9[%add3A_10, %dma_wait3A_68] : memref<10240x128xf32, #tpu.memory_space<vmem_shared>> -> memref<80x128xf32, #tpu.memory_space<vmem_shared>>
      tpu.wait_dma2 semaphore(%run_scoped3A : memref<!tpu.dma_semaphore, #tpu.memory_space<semaphore_mem>>) src(%arg8 : memref<80x128xf32, #tpu.memory_space<vmem>>) dst(%dma_wait3A_69 : memref<80x128xf32, #tpu.memory_space<vmem_shared>>)
      tpu.yield
    }) : () -> ()
    %add3A_11 = arith.constant 320 : i32
    %add3A_12 = arith.addi %mul3A_2, %add3A_11 : i32
    "tpu.region"() ({
      %run_scoped3A = tpu.sem_alloc : memref<!tpu.dma_semaphore, #tpu.memory_space<semaphore_mem>>
      %dma_start3A = arith.constant 0 : i32
      %dma_start3A_64 = tpu.memref_slice %arg9[%add3A_12, %dma_start3A] : memref<10240x128xf32, #tpu.memory_space<vmem_shared>> -> memref<80x128xf32, #tpu.memory_space<vmem_shared>>
      %dma_start3A_65 = arith.constant 0 : i32
      %dma_start3A_66 = tpu.memref_slice %arg9[%add3A_12, %dma_start3A_65] : memref<10240x128xf32, #tpu.memory_space<vmem_shared>> -> memref<80x128xf32, #tpu.memory_space<vmem_shared>>
      tpu.enqueue_dma source(%arg8 : memref<80x128xf32, #tpu.memory_space<vmem>>) target(%dma_start3A_66 : memref<80x128xf32, #tpu.memory_space<vmem_shared>>) target_semaphore(%run_scoped3A : memref<!tpu.dma_semaphore, #tpu.memory_space<semaphore_mem>>)
      %dma_wait3A = arith.constant 0 : i32
      %dma_wait3A_67 = tpu.memref_slice %arg9[%add3A_12, %dma_wait3A] : memref<10240x128xf32, #tpu.memory_space<vmem_shared>> -> memref<80x128xf32, #tpu.memory_space<vmem_shared>>
      %dma_wait3A_68 = arith.constant 0 : i32
      %dma_wait3A_69 = tpu.memref_slice %arg9[%add3A_12, %dma_wait3A_68] : memref<10240x128xf32, #tpu.memory_space<vmem_shared>> -> memref<80x128xf32, #tpu.memory_space<vmem_shared>>
      tpu.wait_dma2 semaphore(%run_scoped3A : memref<!tpu.dma_semaphore, #tpu.memory_space<semaphore_mem>>) src(%arg8 : memref<80x128xf32, #tpu.memory_space<vmem>>) dst(%dma_wait3A_69 : memref<80x128xf32, #tpu.memory_space<vmem_shared>>)
      tpu.yield
    }) : () -> ()
    %add3A_13 = arith.constant 400 : i32
    %add3A_14 = arith.addi %mul3A_2, %add3A_13 : i32
    "tpu.region"() ({
      %run_scoped3A = tpu.sem_alloc : memref<!tpu.dma_semaphore, #tpu.memory_space<semaphore_mem>>
      %dma_start3A = arith.constant 0 : i32
      %dma_start3A_64 = tpu.memref_slice %arg9[%add3A_14, %dma_start3A] : memref<10240x128xf32, #tpu.memory_space<vmem_shared>> -> memref<80x128xf32, #tpu.memory_space<vmem_shared>>
      %dma_start3A_65 = arith.constant 0 : i32
      %dma_start3A_66 = tpu.memref_slice %arg9[%add3A_14, %dma_start3A_65] : memref<10240x128xf32, #tpu.memory_space<vmem_shared>> -> memref<80x128xf32, #tpu.memory_space<vmem_shared>>
      tpu.enqueue_dma source(%arg8 : memref<80x128xf32, #tpu.memory_space<vmem>>) target(%dma_start3A_66 : memref<80x128xf32, #tpu.memory_space<vmem_shared>>) target_semaphore(%run_scoped3A : memref<!tpu.dma_semaphore, #tpu.memory_space<semaphore_mem>>)
      %dma_wait3A = arith.constant 0 : i32
      %dma_wait3A_67 = tpu.memref_slice %arg9[%add3A_14, %dma_wait3A] : memref<10240x128xf32, #tpu.memory_space<vmem_shared>> -> memref<80x128xf32, #tpu.memory_space<vmem_shared>>
      %dma_wait3A_68 = arith.constant 0 : i32
      %dma_wait3A_69 = tpu.memref_slice %arg9[%add3A_14, %dma_wait3A_68] : memref<10240x128xf32, #tpu.memory_space<vmem_shared>> -> memref<80x128xf32, #tpu.memory_space<vmem_shared>>
      tpu.wait_dma2 semaphore(%run_scoped3A : memref<!tpu.dma_semaphore, #tpu.memory_space<semaphore_mem>>) src(%arg8 : memref<80x128xf32, #tpu.memory_space<vmem>>) dst(%dma_wait3A_69 : memref<80x128xf32, #tpu.memory_space<vmem_shared>>)
      tpu.yield
    }) : () -> ()
    %add3A_15 = arith.constant 480 : i32
    %add3A_16 = arith.addi %mul3A_2, %add3A_15 : i32
    "tpu.region"() ({
      %run_scoped3A = tpu.sem_alloc : memref<!tpu.dma_semaphore, #tpu.memory_space<semaphore_mem>>
      %dma_start3A = arith.constant 0 : i32
      %dma_start3A_64 = tpu.memref_slice %arg9[%add3A_16, %dma_start3A] : memref<10240x128xf32, #tpu.memory_space<vmem_shared>> -> memref<80x128xf32, #tpu.memory_space<vmem_shared>>
      %dma_start3A_65 = arith.constant 0 : i32
      %dma_start3A_66 = tpu.memref_slice %arg9[%add3A_16, %dma_start3A_65] : memref<10240x128xf32, #tpu.memory_space<vmem_shared>> -> memref<80x128xf32, #tpu.memory_space<vmem_shared>>
      tpu.enqueue_dma source(%arg8 : memref<80x128xf32, #tpu.memory_space<vmem>>) target(%dma_start3A_66 : memref<80x128xf32, #tpu.memory_space<vmem_shared>>) target_semaphore(%run_scoped3A : memref<!tpu.dma_semaphore, #tpu.memory_space<semaphore_mem>>)
      %dma_wait3A = arith.constant 0 : i32
      %dma_wait3A_67 = tpu.memref_slice %arg9[%add3A_16, %dma_wait3A] : memref<10240x128xf32, #tpu.memory_space<vmem_shared>> -> memref<80x128xf32, #tpu.memory_space<vmem_shared>>
      %dma_wait3A_68 = arith.constant 0 : i32
      %dma_wait3A_69 = tpu.memref_slice %arg9[%add3A_16, %dma_wait3A_68] : memref<10240x128xf32, #tpu.memory_space<vmem_shared>> -> memref<80x128xf32, #tpu.memory_space<vmem_shared>>
      tpu.wait_dma2 semaphore(%run_scoped3A : memref<!tpu.dma_semaphore, #tpu.memory_space<semaphore_mem>>) src(%arg8 : memref<80x128xf32, #tpu.memory_space<vmem>>) dst(%dma_wait3A_69 : memref<80x128xf32, #tpu.memory_space<vmem_shared>>)
      tpu.yield
    }) : () -> ()
    %add3A_17 = arith.constant 560 : i32
    %add3A_18 = arith.addi %mul3A_2, %add3A_17 : i32
    "tpu.region"() ({
      %run_scoped3A = tpu.sem_alloc : memref<!tpu.dma_semaphore, #tpu.memory_space<semaphore_mem>>
      %dma_start3A = arith.constant 0 : i32
      %dma_start3A_64 = tpu.memref_slice %arg9[%add3A_18, %dma_start3A] : memref<10240x128xf32, #tpu.memory_space<vmem_shared>> -> memref<80x128xf32, #tpu.memory_space<vmem_shared>>
      %dma_start3A_65 = arith.constant 0 : i32
      %dma_start3A_66 = tpu.memref_slice %arg9[%add3A_18, %dma_start3A_65] : memref<10240x128xf32, #tpu.memory_space<vmem_shared>> -> memref<80x128xf32, #tpu.memory_space<vmem_shared>>
      tpu.enqueue_dma source(%arg8 : memref<80x128xf32, #tpu.memory_space<vmem>>) target(%dma_start3A_66 : memref<80x128xf32, #tpu.memory_space<vmem_shared>>) target_semaphore(%run_scoped3A : memref<!tpu.dma_semaphore, #tpu.memory_space<semaphore_mem>>)
      %dma_wait3A = arith.constant 0 : i32
      %dma_wait3A_67 = tpu.memref_slice %arg9[%add3A_18, %dma_wait3A] : memref<10240x128xf32, #tpu.memory_space<vmem_shared>> -> memref<80x128xf32, #tpu.memory_space<vmem_shared>>
      %dma_wait3A_68 = arith.constant 0 : i32
      %dma_wait3A_69 = tpu.memref_slice %arg9[%add3A_18, %dma_wait3A_68] : memref<10240x128xf32, #tpu.memory_space<vmem_shared>> -> memref<80x128xf32, #tpu.memory_space<vmem_shared>>
      tpu.wait_dma2 semaphore(%run_scoped3A : memref<!tpu.dma_semaphore, #tpu.memory_space<semaphore_mem>>) src(%arg8 : memref<80x128xf32, #tpu.memory_space<vmem>>) dst(%dma_wait3A_69 : memref<80x128xf32, #tpu.memory_space<vmem_shared>>)
      tpu.yield
    }) : () -> ()
    %barrier3A = arith.constant 0 : index
    tpu.barrier barrier_id(%barrier3A)
    %scan3A = arith.constant 0 : i32
    %scan3A_19 = arith.constant 125 : i32
    %scan3A_20 = arith.addi %scan3A, %scan3A_19 : i32
    %scan3A_21 = arith.constant 1 : i32
    scf.for %scan3A_64 = %scan3A to %scan3A_20 step %scan3A_21  : i32 {
      %mul3A_65 = arith.constant 1 : i32
      %mul3A_66 = arith.muli %scan3A_64, %mul3A_65 : i32
      %add3A_67 = arith.constant 0 : i32
      %add3A_68 = arith.addi %add3A_67, %mul3A_66 : i32
      %mul3A_69 = arith.constant 80 : i32
      %mul3A_70 = arith.muli %add3A_68, %mul3A_69 : i32
      "tpu.region"() ({
        %run_scoped3A = tpu.sem_alloc : memref<!tpu.dma_semaphore, #tpu.memory_space<semaphore_mem>>
        %dma_start3A = tpu.memref_slice %arg6[%mul3A_70] : memref<10000xi32, #tpu.memory_space<vmem>> -> memref<80xi32, #tpu.memory_space<vmem>>
        %dma_start3A_71 = arith.constant 0 : i32
        %dma_start3A_72 = arith.constant 0 : i32
        %dma_start3A_73 = tpu.memref_slice %arg9[%dma_start3A_71, %dma_start3A_72] : memref<10240x128xf32, #tpu.memory_space<vmem_shared>> -> memref<10240x128xf32, #tpu.memory_space<vmem_shared>>
        tpu.enqueue_indirect_dma source(%arg7 : memref<80x128xf32, #tpu.memory_space<vmem>>) target(%dma_start3A_73 : memref<10240x128xf32, #tpu.memory_space<vmem_shared>>) offsets(%dma_start3A : memref<80xi32, #tpu.memory_space<vmem>>) semaphore(%run_scoped3A : memref<!tpu.dma_semaphore, #tpu.memory_space<semaphore_mem>>) {add = true}
        %dma_wait3A = tpu.memref_slice %arg6[%mul3A_70] : memref<10000xi32, #tpu.memory_space<vmem>> -> memref<80xi32, #tpu.memory_space<vmem>>
        %dma_wait3A_74 = arith.constant 0 : i32
        %dma_wait3A_75 = arith.constant 0 : i32
        %dma_wait3A_76 = tpu.memref_slice %arg9[%dma_wait3A_74, %dma_wait3A_75] : memref<10240x128xf32, #tpu.memory_space<vmem_shared>> -> memref<10240x128xf32, #tpu.memory_space<vmem_shared>>
        tpu.wait_indirect_dma semaphore(%run_scoped3A : memref<!tpu.dma_semaphore, #tpu.memory_space<semaphore_mem>>) src(%arg7 : memref<80x128xf32, #tpu.memory_space<vmem>>) dst(%dma_wait3A_76 : memref<10240x128xf32, #tpu.memory_space<vmem_shared>>)
        tpu.yield
      }) : () -> ()
    }
    %scan3A_22 = arith.constant 125 : i32
    %barrier3A_23 = arith.constant 0 : index
    tpu.barrier barrier_id(%barrier3A_23)
    %add3A_24 = arith.constant 0 : i32
    %add3A_25 = arith.addi %mul3A_2, %add3A_24 : i32
    "tpu.region"() ({
      %run_scoped3A = tpu.sem_alloc : memref<!tpu.dma_semaphore, #tpu.memory_space<semaphore_mem>>
      %dma_start3A = arith.constant 0 : i32
      %dma_start3A_64 = tpu.memref_slice %arg9[%add3A_25, %dma_start3A] : memref<10240x128xf32, #tpu.memory_space<vmem_shared>> -> memref<80x128xf32, #tpu.memory_space<vmem_shared>>
      %dma_start3A_65 = arith.constant 0 : i32
      %dma_start3A_66 = tpu.memref_slice %arg9[%add3A_25, %dma_start3A_65] : memref<10240x128xf32, #tpu.memory_space<vmem_shared>> -> memref<80x128xf32, #tpu.memory_space<vmem_shared>>
      tpu.enqueue_dma source(%dma_start3A_66 : memref<80x128xf32, #tpu.memory_space<vmem_shared>>) target(%arg8 : memref<80x128xf32, #tpu.memory_space<vmem>>) target_semaphore(%run_scoped3A : memref<!tpu.dma_semaphore, #tpu.memory_space<semaphore_mem>>)
      %dma_wait3A = arith.constant 0 : i32
      %dma_wait3A_67 = tpu.memref_slice %arg9[%add3A_25, %dma_wait3A] : memref<10240x128xf32, #tpu.memory_space<vmem_shared>> -> memref<80x128xf32, #tpu.memory_space<vmem_shared>>
      %dma_wait3A_68 = arith.constant 0 : i32
      %dma_wait3A_69 = tpu.memref_slice %arg9[%add3A_25, %dma_wait3A_68] : memref<10240x128xf32, #tpu.memory_space<vmem_shared>> -> memref<80x128xf32, #tpu.memory_space<vmem_shared>>
      tpu.wait_dma2 semaphore(%run_scoped3A : memref<!tpu.dma_semaphore, #tpu.memory_space<semaphore_mem>>) src(%dma_wait3A_69 : memref<80x128xf32, #tpu.memory_space<vmem_shared>>) dst(%arg8 : memref<80x128xf32, #tpu.memory_space<vmem>>)
      tpu.yield
    }) : () -> ()
    %mul3A_26 = arith.constant 10240 : i32
    %mul3A_27 = arith.muli %arg0, %mul3A_26 : i32
    %add3A_28 = arith.addi %mul3A_27, %add3A_25 : i32
    "tpu.region"() ({
      %run_scoped3A = tpu.sem_alloc : memref<!tpu.dma_semaphore, #tpu.memory_space<semaphore_mem>>
      %dma_start3A = arith.constant 0 : i32
      %dma_start3A_64 = tpu.memref_slice %arg5[%add3A_28, %dma_start3A] : memref<20480x128xf32, #tpu.memory_space<hbm>> -> memref<80x128xf32, #tpu.memory_space<hbm>>
      %dma_start3A_65 = arith.constant 0 : i32
      %dma_start3A_66 = tpu.memref_slice %arg5[%add3A_28, %dma_start3A_65] : memref<20480x128xf32, #tpu.memory_space<hbm>> -> memref<80x128xf32, #tpu.memory_space<hbm>>
      tpu.enqueue_dma source(%arg8 : memref<80x128xf32, #tpu.memory_space<vmem>>) target(%dma_start3A_66 : memref<80x128xf32, #tpu.memory_space<hbm>>) target_semaphore(%run_scoped3A : memref<!tpu.dma_semaphore, #tpu.memory_space<semaphore_mem>>)
      %dma_wait3A = arith.constant 0 : i32
      %dma_wait3A_67 = tpu.memref_slice %arg5[%add3A_28, %dma_wait3A] : memref<20480x128xf32, #tpu.memory_space<hbm>> -> memref<80x128xf32, #tpu.memory_space<hbm>>
      %dma_wait3A_68 = arith.constant 0 : i32
      %dma_wait3A_69 = tpu.memref_slice %arg5[%add3A_28, %dma_wait3A_68] : memref<20480x128xf32, #tpu.memory_space<hbm>> -> memref<80x128xf32, #tpu.memory_space<hbm>>
      tpu.wait_dma2 semaphore(%run_scoped3A : memref<!tpu.dma_semaphore, #tpu.memory_space<semaphore_mem>>) src(%arg8 : memref<80x128xf32, #tpu.memory_space<vmem>>) dst(%dma_wait3A_69 : memref<80x128xf32, #tpu.memory_space<hbm>>)
      tpu.yield
    }) : () -> ()
    %add3A_29 = arith.constant 80 : i32
    %add3A_30 = arith.addi %mul3A_2, %add3A_29 : i32
    "tpu.region"() ({
      %run_scoped3A = tpu.sem_alloc : memref<!tpu.dma_semaphore, #tpu.memory_space<semaphore_mem>>
      %dma_start3A = arith.constant 0 : i32
      %dma_start3A_64 = tpu.memref_slice %arg9[%add3A_30, %dma_start3A] : memref<10240x128xf32, #tpu.memory_space<vmem_shared>> -> memref<80x128xf32, #tpu.memory_space<vmem_shared>>
      %dma_start3A_65 = arith.constant 0 : i32
      %dma_start3A_66 = tpu.memref_slice %arg9[%add3A_30, %dma_start3A_65] : memref<10240x128xf32, #tpu.memory_space<vmem_shared>> -> memref<80x128xf32, #tpu.memory_space<vmem_shared>>
      tpu.enqueue_dma source(%dma_start3A_66 : memref<80x128xf32, #tpu.memory_space<vmem_shared>>) target(%arg8 : memref<80x128xf32, #tpu.memory_space<vmem>>) target_semaphore(%run_scoped3A : memref<!tpu.dma_semaphore, #tpu.memory_space<semaphore_mem>>)
      %dma_wait3A = arith.constant 0 : i32
      %dma_wait3A_67 = tpu.memref_slice %arg9[%add3A_30, %dma_wait3A] : memref<10240x128xf32, #tpu.memory_space<vmem_shared>> -> memref<80x128xf32, #tpu.memory_space<vmem_shared>>
      %dma_wait3A_68 = arith.constant 0 : i32
      %dma_wait3A_69 = tpu.memref_slice %arg9[%add3A_30, %dma_wait3A_68] : memref<10240x128xf32, #tpu.memory_space<vmem_shared>> -> memref<80x128xf32, #tpu.memory_space<vmem_shared>>
      tpu.wait_dma2 semaphore(%run_scoped3A : memref<!tpu.dma_semaphore, #tpu.memory_space<semaphore_mem>>) src(%dma_wait3A_69 : memref<80x128xf32, #tpu.memory_space<vmem_shared>>) dst(%arg8 : memref<80x128xf32, #tpu.memory_space<vmem>>)
      tpu.yield
    }) : () -> ()
    %mul3A_31 = arith.constant 10240 : i32
    %mul3A_32 = arith.muli %arg0, %mul3A_31 : i32
    %add3A_33 = arith.addi %mul3A_32, %add3A_30 : i32
    "tpu.region"() ({
      %run_scoped3A = tpu.sem_alloc : memref<!tpu.dma_semaphore, #tpu.memory_space<semaphore_mem>>
      %dma_start3A = arith.constant 0 : i32
      %dma_start3A_64 = tpu.memref_slice %arg5[%add3A_33, %dma_start3A] : memref<20480x128xf32, #tpu.memory_space<hbm>> -> memref<80x128xf32, #tpu.memory_space<hbm>>
      %dma_start3A_65 = arith.constant 0 : i32
      %dma_start3A_66 = tpu.memref_slice %arg5[%add3A_33, %dma_start3A_65] : memref<20480x128xf32, #tpu.memory_space<hbm>> -> memref<80x128xf32, #tpu.memory_space<hbm>>
      tpu.enqueue_dma source(%arg8 : memref<80x128xf32, #tpu.memory_space<vmem>>) target(%dma_start3A_66 : memref<80x128xf32, #tpu.memory_space<hbm>>) target_semaphore(%run_scoped3A : memref<!tpu.dma_semaphore, #tpu.memory_space<semaphore_mem>>)
      %dma_wait3A = arith.constant 0 : i32
      %dma_wait3A_67 = tpu.memref_slice %arg5[%add3A_33, %dma_wait3A] : memref<20480x128xf32, #tpu.memory_space<hbm>> -> memref<80x128xf32, #tpu.memory_space<hbm>>
      %dma_wait3A_68 = arith.constant 0 : i32
      %dma_wait3A_69 = tpu.memref_slice %arg5[%add3A_33, %dma_wait3A_68] : memref<20480x128xf32, #tpu.memory_space<hbm>> -> memref<80x128xf32, #tpu.memory_space<hbm>>
      tpu.wait_dma2 semaphore(%run_scoped3A : memref<!tpu.dma_semaphore, #tpu.memory_space<semaphore_mem>>) src(%arg8 : memref<80x128xf32, #tpu.memory_space<vmem>>) dst(%dma_wait3A_69 : memref<80x128xf32, #tpu.memory_space<hbm>>)
      tpu.yield
    }) : () -> ()
    %add3A_34 = arith.constant 160 : i32
    %add3A_35 = arith.addi %mul3A_2, %add3A_34 : i32
    "tpu.region"() ({
      %run_scoped3A = tpu.sem_alloc : memref<!tpu.dma_semaphore, #tpu.memory_space<semaphore_mem>>
      %dma_start3A = arith.constant 0 : i32
      %dma_start3A_64 = tpu.memref_slice %arg9[%add3A_35, %dma_start3A] : memref<10240x128xf32, #tpu.memory_space<vmem_shared>> -> memref<80x128xf32, #tpu.memory_space<vmem_shared>>
      %dma_start3A_65 = arith.constant 0 : i32
      %dma_start3A_66 = tpu.memref_slice %arg9[%add3A_35, %dma_start3A_65] : memref<10240x128xf32, #tpu.memory_space<vmem_shared>> -> memref<80x128xf32, #tpu.memory_space<vmem_shared>>
      tpu.enqueue_dma source(%dma_start3A_66 : memref<80x128xf32, #tpu.memory_space<vmem_shared>>) target(%arg8 : memref<80x128xf32, #tpu.memory_space<vmem>>) target_semaphore(%run_scoped3A : memref<!tpu.dma_semaphore, #tpu.memory_space<semaphore_mem>>)
      %dma_wait3A = arith.constant 0 : i32
      %dma_wait3A_67 = tpu.memref_slice %arg9[%add3A_35, %dma_wait3A] : memref<10240x128xf32, #tpu.memory_space<vmem_shared>> -> memref<80x128xf32, #tpu.memory_space<vmem_shared>>
      %dma_wait3A_68 = arith.constant 0 : i32
      %dma_wait3A_69 = tpu.memref_slice %arg9[%add3A_35, %dma_wait3A_68] : memref<10240x128xf32, #tpu.memory_space<vmem_shared>> -> memref<80x128xf32, #tpu.memory_space<vmem_shared>>
      tpu.wait_dma2 semaphore(%run_scoped3A : memref<!tpu.dma_semaphore, #tpu.memory_space<semaphore_mem>>) src(%dma_wait3A_69 : memref<80x128xf32, #tpu.memory_space<vmem_shared>>) dst(%arg8 : memref<80x128xf32, #tpu.memory_space<vmem>>)
      tpu.yield
    }) : () -> ()
    %mul3A_36 = arith.constant 10240 : i32
    %mul3A_37 = arith.muli %arg0, %mul3A_36 : i32
    %add3A_38 = arith.addi %mul3A_37, %add3A_35 : i32
    "tpu.region"() ({
      %run_scoped3A = tpu.sem_alloc : memref<!tpu.dma_semaphore, #tpu.memory_space<semaphore_mem>>
      %dma_start3A = arith.constant 0 : i32
      %dma_start3A_64 = tpu.memref_slice %arg5[%add3A_38, %dma_start3A] : memref<20480x128xf32, #tpu.memory_space<hbm>> -> memref<80x128xf32, #tpu.memory_space<hbm>>
      %dma_start3A_65 = arith.constant 0 : i32
      %dma_start3A_66 = tpu.memref_slice %arg5[%add3A_38, %dma_start3A_65] : memref<20480x128xf32, #tpu.memory_space<hbm>> -> memref<80x128xf32, #tpu.memory_space<hbm>>
      tpu.enqueue_dma source(%arg8 : memref<80x128xf32, #tpu.memory_space<vmem>>) target(%dma_start3A_66 : memref<80x128xf32, #tpu.memory_space<hbm>>) target_semaphore(%run_scoped3A : memref<!tpu.dma_semaphore, #tpu.memory_space<semaphore_mem>>)
      %dma_wait3A = arith.constant 0 : i32
      %dma_wait3A_67 = tpu.memref_slice %arg5[%add3A_38, %dma_wait3A] : memref<20480x128xf32, #tpu.memory_space<hbm>> -> memref<80x128xf32, #tpu.memory_space<hbm>>
      %dma_wait3A_68 = arith.constant 0 : i32
      %dma_wait3A_69 = tpu.memref_slice %arg5[%add3A_38, %dma_wait3A_68] : memref<20480x128xf32, #tpu.memory_space<hbm>> -> memref<80x128xf32, #tpu.memory_space<hbm>>
      tpu.wait_dma2 semaphore(%run_scoped3A : memref<!tpu.dma_semaphore, #tpu.memory_space<semaphore_mem>>) src(%arg8 : memref<80x128xf32, #tpu.memory_space<vmem>>) dst(%dma_wait3A_69 : memref<80x128xf32, #tpu.memory_space<hbm>>)
      tpu.yield
    }) : () -> ()
    %add3A_39 = arith.constant 240 : i32
    %add3A_40 = arith.addi %mul3A_2, %add3A_39 : i32
    "tpu.region"() ({
      %run_scoped3A = tpu.sem_alloc : memref<!tpu.dma_semaphore, #tpu.memory_space<semaphore_mem>>
      %dma_start3A = arith.constant 0 : i32
      %dma_start3A_64 = tpu.memref_slice %arg9[%add3A_40, %dma_start3A] : memref<10240x128xf32, #tpu.memory_space<vmem_shared>> -> memref<80x128xf32, #tpu.memory_space<vmem_shared>>
      %dma_start3A_65 = arith.constant 0 : i32
      %dma_start3A_66 = tpu.memref_slice %arg9[%add3A_40, %dma_start3A_65] : memref<10240x128xf32, #tpu.memory_space<vmem_shared>> -> memref<80x128xf32, #tpu.memory_space<vmem_shared>>
      tpu.enqueue_dma source(%dma_start3A_66 : memref<80x128xf32, #tpu.memory_space<vmem_shared>>) target(%arg8 : memref<80x128xf32, #tpu.memory_space<vmem>>) target_semaphore(%run_scoped3A : memref<!tpu.dma_semaphore, #tpu.memory_space<semaphore_mem>>)
      %dma_wait3A = arith.constant 0 : i32
      %dma_wait3A_67 = tpu.memref_slice %arg9[%add3A_40, %dma_wait3A] : memref<10240x128xf32, #tpu.memory_space<vmem_shared>> -> memref<80x128xf32, #tpu.memory_space<vmem_shared>>
      %dma_wait3A_68 = arith.constant 0 : i32
      %dma_wait3A_69 = tpu.memref_slice %arg9[%add3A_40, %dma_wait3A_68] : memref<10240x128xf32, #tpu.memory_space<vmem_shared>> -> memref<80x128xf32, #tpu.memory_space<vmem_shared>>
      tpu.wait_dma2 semaphore(%run_scoped3A : memref<!tpu.dma_semaphore, #tpu.memory_space<semaphore_mem>>) src(%dma_wait3A_69 : memref<80x128xf32, #tpu.memory_space<vmem_shared>>) dst(%arg8 : memref<80x128xf32, #tpu.memory_space<vmem>>)
      tpu.yield
    }) : () -> ()
    %mul3A_41 = arith.constant 10240 : i32
    %mul3A_42 = arith.muli %arg0, %mul3A_41 : i32
    %add3A_43 = arith.addi %mul3A_42, %add3A_40 : i32
    "tpu.region"() ({
      %run_scoped3A = tpu.sem_alloc : memref<!tpu.dma_semaphore, #tpu.memory_space<semaphore_mem>>
      %dma_start3A = arith.constant 0 : i32
      %dma_start3A_64 = tpu.memref_slice %arg5[%add3A_43, %dma_start3A] : memref<20480x128xf32, #tpu.memory_space<hbm>> -> memref<80x128xf32, #tpu.memory_space<hbm>>
      %dma_start3A_65 = arith.constant 0 : i32
      %dma_start3A_66 = tpu.memref_slice %arg5[%add3A_43, %dma_start3A_65] : memref<20480x128xf32, #tpu.memory_space<hbm>> -> memref<80x128xf32, #tpu.memory_space<hbm>>
      tpu.enqueue_dma source(%arg8 : memref<80x128xf32, #tpu.memory_space<vmem>>) target(%dma_start3A_66 : memref<80x128xf32, #tpu.memory_space<hbm>>) target_semaphore(%run_scoped3A : memref<!tpu.dma_semaphore, #tpu.memory_space<semaphore_mem>>)
      %dma_wait3A = arith.constant 0 : i32
      %dma_wait3A_67 = tpu.memref_slice %arg5[%add3A_43, %dma_wait3A] : memref<20480x128xf32, #tpu.memory_space<hbm>> -> memref<80x128xf32, #tpu.memory_space<hbm>>
      %dma_wait3A_68 = arith.constant 0 : i32
      %dma_wait3A_69 = tpu.memref_slice %arg5[%add3A_43, %dma_wait3A_68] : memref<20480x128xf32, #tpu.memory_space<hbm>> -> memref<80x128xf32, #tpu.memory_space<hbm>>
      tpu.wait_dma2 semaphore(%run_scoped3A : memref<!tpu.dma_semaphore, #tpu.memory_space<semaphore_mem>>) src(%arg8 : memref<80x128xf32, #tpu.memory_space<vmem>>) dst(%dma_wait3A_69 : memref<80x128xf32, #tpu.memory_space<hbm>>)
      tpu.yield
    }) : () -> ()
    %add3A_44 = arith.constant 320 : i32
    %add3A_45 = arith.addi %mul3A_2, %add3A_44 : i32
    "tpu.region"() ({
      %run_scoped3A = tpu.sem_alloc : memref<!tpu.dma_semaphore, #tpu.memory_space<semaphore_mem>>
      %dma_start3A = arith.constant 0 : i32
      %dma_start3A_64 = tpu.memref_slice %arg9[%add3A_45, %dma_start3A] : memref<10240x128xf32, #tpu.memory_space<vmem_shared>> -> memref<80x128xf32, #tpu.memory_space<vmem_shared>>
      %dma_start3A_65 = arith.constant 0 : i32
      %dma_start3A_66 = tpu.memref_slice %arg9[%add3A_45, %dma_start3A_65] : memref<10240x128xf32, #tpu.memory_space<vmem_shared>> -> memref<80x128xf32, #tpu.memory_space<vmem_shared>>
      tpu.enqueue_dma source(%dma_start3A_66 : memref<80x128xf32, #tpu.memory_space<vmem_shared>>) target(%arg8 : memref<80x128xf32, #tpu.memory_space<vmem>>) target_semaphore(%run_scoped3A : memref<!tpu.dma_semaphore, #tpu.memory_space<semaphore_mem>>)
      %dma_wait3A = arith.constant 0 : i32
      %dma_wait3A_67 = tpu.memref_slice %arg9[%add3A_45, %dma_wait3A] : memref<10240x128xf32, #tpu.memory_space<vmem_shared>> -> memref<80x128xf32, #tpu.memory_space<vmem_shared>>
      %dma_wait3A_68 = arith.constant 0 : i32
      %dma_wait3A_69 = tpu.memref_slice %arg9[%add3A_45, %dma_wait3A_68] : memref<10240x128xf32, #tpu.memory_space<vmem_shared>> -> memref<80x128xf32, #tpu.memory_space<vmem_shared>>
      tpu.wait_dma2 semaphore(%run_scoped3A : memref<!tpu.dma_semaphore, #tpu.memory_space<semaphore_mem>>) src(%dma_wait3A_69 : memref<80x128xf32, #tpu.memory_space<vmem_shared>>) dst(%arg8 : memref<80x128xf32, #tpu.memory_space<vmem>>)
      tpu.yield
    }) : () -> ()
    %mul3A_46 = arith.constant 10240 : i32
    %mul3A_47 = arith.muli %arg0, %mul3A_46 : i32
    %add3A_48 = arith.addi %mul3A_47, %add3A_45 : i32
    "tpu.region"() ({
      %run_scoped3A = tpu.sem_alloc : memref<!tpu.dma_semaphore, #tpu.memory_space<semaphore_mem>>
      %dma_start3A = arith.constant 0 : i32
      %dma_start3A_64 = tpu.memref_slice %arg5[%add3A_48, %dma_start3A] : memref<20480x128xf32, #tpu.memory_space<hbm>> -> memref<80x128xf32, #tpu.memory_space<hbm>>
      %dma_start3A_65 = arith.constant 0 : i32
      %dma_start3A_66 = tpu.memref_slice %arg5[%add3A_48, %dma_start3A_65] : memref<20480x128xf32, #tpu.memory_space<hbm>> -> memref<80x128xf32, #tpu.memory_space<hbm>>
      tpu.enqueue_dma source(%arg8 : memref<80x128xf32, #tpu.memory_space<vmem>>) target(%dma_start3A_66 : memref<80x128xf32, #tpu.memory_space<hbm>>) target_semaphore(%run_scoped3A : memref<!tpu.dma_semaphore, #tpu.memory_space<semaphore_mem>>)
      %dma_wait3A = arith.constant 0 : i32
      %dma_wait3A_67 = tpu.memref_slice %arg5[%add3A_48, %dma_wait3A] : memref<20480x128xf32, #tpu.memory_space<hbm>> -> memref<80x128xf32, #tpu.memory_space<hbm>>
      %dma_wait3A_68 = arith.constant 0 : i32
      %dma_wait3A_69 = tpu.memref_slice %arg5[%add3A_48, %dma_wait3A_68] : memref<20480x128xf32, #tpu.memory_space<hbm>> -> memref<80x128xf32, #tpu.memory_space<hbm>>
      tpu.wait_dma2 semaphore(%run_scoped3A : memref<!tpu.dma_semaphore, #tpu.memory_space<semaphore_mem>>) src(%arg8 : memref<80x128xf32, #tpu.memory_space<vmem>>) dst(%dma_wait3A_69 : memref<80x128xf32, #tpu.memory_space<hbm>>)
      tpu.yield
    }) : () -> ()
    %add3A_49 = arith.constant 400 : i32
    %add3A_50 = arith.addi %mul3A_2, %add3A_49 : i32
    "tpu.region"() ({
      %run_scoped3A = tpu.sem_alloc : memref<!tpu.dma_semaphore, #tpu.memory_space<semaphore_mem>>
      %dma_start3A = arith.constant 0 : i32
      %dma_start3A_64 = tpu.memref_slice %arg9[%add3A_50, %dma_start3A] : memref<10240x128xf32, #tpu.memory_space<vmem_shared>> -> memref<80x128xf32, #tpu.memory_space<vmem_shared>>
      %dma_start3A_65 = arith.constant 0 : i32
      %dma_start3A_66 = tpu.memref_slice %arg9[%add3A_50, %dma_start3A_65] : memref<10240x128xf32, #tpu.memory_space<vmem_shared>> -> memref<80x128xf32, #tpu.memory_space<vmem_shared>>
      tpu.enqueue_dma source(%dma_start3A_66 : memref<80x128xf32, #tpu.memory_space<vmem_shared>>) target(%arg8 : memref<80x128xf32, #tpu.memory_space<vmem>>) target_semaphore(%run_scoped3A : memref<!tpu.dma_semaphore, #tpu.memory_space<semaphore_mem>>)
      %dma_wait3A = arith.constant 0 : i32
      %dma_wait3A_67 = tpu.memref_slice %arg9[%add3A_50, %dma_wait3A] : memref<10240x128xf32, #tpu.memory_space<vmem_shared>> -> memref<80x128xf32, #tpu.memory_space<vmem_shared>>
      %dma_wait3A_68 = arith.constant 0 : i32
      %dma_wait3A_69 = tpu.memref_slice %arg9[%add3A_50, %dma_wait3A_68] : memref<10240x128xf32, #tpu.memory_space<vmem_shared>> -> memref<80x128xf32, #tpu.memory_space<vmem_shared>>
      tpu.wait_dma2 semaphore(%run_scoped3A : memref<!tpu.dma_semaphore, #tpu.memory_space<semaphore_mem>>) src(%dma_wait3A_69 : memref<80x128xf32, #tpu.memory_space<vmem_shared>>) dst(%arg8 : memref<80x128xf32, #tpu.memory_space<vmem>>)
      tpu.yield
    }) : () -> ()
    %mul3A_51 = arith.constant 10240 : i32
    %mul3A_52 = arith.muli %arg0, %mul3A_51 : i32
    %add3A_53 = arith.addi %mul3A_52, %add3A_50 : i32
    "tpu.region"() ({
      %run_scoped3A = tpu.sem_alloc : memref<!tpu.dma_semaphore, #tpu.memory_space<semaphore_mem>>
      %dma_start3A = arith.constant 0 : i32
      %dma_start3A_64 = tpu.memref_slice %arg5[%add3A_53, %dma_start3A] : memref<20480x128xf32, #tpu.memory_space<hbm>> -> memref<80x128xf32, #tpu.memory_space<hbm>>
      %dma_start3A_65 = arith.constant 0 : i32
      %dma_start3A_66 = tpu.memref_slice %arg5[%add3A_53, %dma_start3A_65] : memref<20480x128xf32, #tpu.memory_space<hbm>> -> memref<80x128xf32, #tpu.memory_space<hbm>>
      tpu.enqueue_dma source(%arg8 : memref<80x128xf32, #tpu.memory_space<vmem>>) target(%dma_start3A_66 : memref<80x128xf32, #tpu.memory_space<hbm>>) target_semaphore(%run_scoped3A : memref<!tpu.dma_semaphore, #tpu.memory_space<semaphore_mem>>)
      %dma_wait3A = arith.constant 0 : i32
      %dma_wait3A_67 = tpu.memref_slice %arg5[%add3A_53, %dma_wait3A] : memref<20480x128xf32, #tpu.memory_space<hbm>> -> memref<80x128xf32, #tpu.memory_space<hbm>>
      %dma_wait3A_68 = arith.constant 0 : i32
      %dma_wait3A_69 = tpu.memref_slice %arg5[%add3A_53, %dma_wait3A_68] : memref<20480x128xf32, #tpu.memory_space<hbm>> -> memref<80x128xf32, #tpu.memory_space<hbm>>
      tpu.wait_dma2 semaphore(%run_scoped3A : memref<!tpu.dma_semaphore, #tpu.memory_space<semaphore_mem>>) src(%arg8 : memref<80x128xf32, #tpu.memory_space<vmem>>) dst(%dma_wait3A_69 : memref<80x128xf32, #tpu.memory_space<hbm>>)
      tpu.yield
    }) : () -> ()
    %add3A_54 = arith.constant 480 : i32
    %add3A_55 = arith.addi %mul3A_2, %add3A_54 : i32
    "tpu.region"() ({
      %run_scoped3A = tpu.sem_alloc : memref<!tpu.dma_semaphore, #tpu.memory_space<semaphore_mem>>
      %dma_start3A = arith.constant 0 : i32
      %dma_start3A_64 = tpu.memref_slice %arg9[%add3A_55, %dma_start3A] : memref<10240x128xf32, #tpu.memory_space<vmem_shared>> -> memref<80x128xf32, #tpu.memory_space<vmem_shared>>
      %dma_start3A_65 = arith.constant 0 : i32
      %dma_start3A_66 = tpu.memref_slice %arg9[%add3A_55, %dma_start3A_65] : memref<10240x128xf32, #tpu.memory_space<vmem_shared>> -> memref<80x128xf32, #tpu.memory_space<vmem_shared>>
      tpu.enqueue_dma source(%dma_start3A_66 : memref<80x128xf32, #tpu.memory_space<vmem_shared>>) target(%arg8 : memref<80x128xf32, #tpu.memory_space<vmem>>) target_semaphore(%run_scoped3A : memref<!tpu.dma_semaphore, #tpu.memory_space<semaphore_mem>>)
      %dma_wait3A = arith.constant 0 : i32
      %dma_wait3A_67 = tpu.memref_slice %arg9[%add3A_55, %dma_wait3A] : memref<10240x128xf32, #tpu.memory_space<vmem_shared>> -> memref<80x128xf32, #tpu.memory_space<vmem_shared>>
      %dma_wait3A_68 = arith.constant 0 : i32
      %dma_wait3A_69 = tpu.memref_slice %arg9[%add3A_55, %dma_wait3A_68] : memref<10240x128xf32, #tpu.memory_space<vmem_shared>> -> memref<80x128xf32, #tpu.memory_space<vmem_shared>>
      tpu.wait_dma2 semaphore(%run_scoped3A : memref<!tpu.dma_semaphore, #tpu.memory_space<semaphore_mem>>) src(%dma_wait3A_69 : memref<80x128xf32, #tpu.memory_space<vmem_shared>>) dst(%arg8 : memref<80x128xf32, #tpu.memory_space<vmem>>)
      tpu.yield
    }) : () -> ()
    %mul3A_56 = arith.constant 10240 : i32
    %mul3A_57 = arith.muli %arg0, %mul3A_56 : i32
    %add3A_58 = arith.addi %mul3A_57, %add3A_55 : i32
    "tpu.region"() ({
      %run_scoped3A = tpu.sem_alloc : memref<!tpu.dma_semaphore, #tpu.memory_space<semaphore_mem>>
      %dma_start3A = arith.constant 0 : i32
      %dma_start3A_64 = tpu.memref_slice %arg5[%add3A_58, %dma_start3A] : memref<20480x128xf32, #tpu.memory_space<hbm>> -> memref<80x128xf32, #tpu.memory_space<hbm>>
      %dma_start3A_65 = arith.constant 0 : i32
      %dma_start3A_66 = tpu.memref_slice %arg5[%add3A_58, %dma_start3A_65] : memref<20480x128xf32, #tpu.memory_space<hbm>> -> memref<80x128xf32, #tpu.memory_space<hbm>>
      tpu.enqueue_dma source(%arg8 : memref<80x128xf32, #tpu.memory_space<vmem>>) target(%dma_start3A_66 : memref<80x128xf32, #tpu.memory_space<hbm>>) target_semaphore(%run_scoped3A : memref<!tpu.dma_semaphore, #tpu.memory_space<semaphore_mem>>)
      %dma_wait3A = arith.constant 0 : i32
      %dma_wait3A_67 = tpu.memref_slice %arg5[%add3A_58, %dma_wait3A] : memref<20480x128xf32, #tpu.memory_space<hbm>> -> memref<80x128xf32, #tpu.memory_space<hbm>>
      %dma_wait3A_68 = arith.constant 0 : i32
      %dma_wait3A_69 = tpu.memref_slice %arg5[%add3A_58, %dma_wait3A_68] : memref<20480x128xf32, #tpu.memory_space<hbm>> -> memref<80x128xf32, #tpu.memory_space<hbm>>
      tpu.wait_dma2 semaphore(%run_scoped3A : memref<!tpu.dma_semaphore, #tpu.memory_space<semaphore_mem>>) src(%arg8 : memref<80x128xf32, #tpu.memory_space<vmem>>) dst(%dma_wait3A_69 : memref<80x128xf32, #tpu.memory_space<hbm>>)
      tpu.yield
    }) : () -> ()
    %add3A_59 = arith.constant 560 : i32
    %add3A_60 = arith.addi %mul3A_2, %add3A_59 : i32
    "tpu.region"() ({
      %run_scoped3A = tpu.sem_alloc : memref<!tpu.dma_semaphore, #tpu.memory_space<semaphore_mem>>
      %dma_start3A = arith.constant 0 : i32
      %dma_start3A_64 = tpu.memref_slice %arg9[%add3A_60, %dma_start3A] : memref<10240x128xf32, #tpu.memory_space<vmem_shared>> -> memref<80x128xf32, #tpu.memory_space<vmem_shared>>
      %dma_start3A_65 = arith.constant 0 : i32
      %dma_start3A_66 = tpu.memref_slice %arg9[%add3A_60, %dma_start3A_65] : memref<10240x128xf32, #tpu.memory_space<vmem_shared>> -> memref<80x128xf32, #tpu.memory_space<vmem_shared>>
      tpu.enqueue_dma source(%dma_start3A_66 : memref<80x128xf32, #tpu.memory_space<vmem_shared>>) target(%arg8 : memref<80x128xf32, #tpu.memory_space<vmem>>) target_semaphore(%run_scoped3A : memref<!tpu.dma_semaphore, #tpu.memory_space<semaphore_mem>>)
      %dma_wait3A = arith.constant 0 : i32
      %dma_wait3A_67 = tpu.memref_slice %arg9[%add3A_60, %dma_wait3A] : memref<10240x128xf32, #tpu.memory_space<vmem_shared>> -> memref<80x128xf32, #tpu.memory_space<vmem_shared>>
      %dma_wait3A_68 = arith.constant 0 : i32
      %dma_wait3A_69 = tpu.memref_slice %arg9[%add3A_60, %dma_wait3A_68] : memref<10240x128xf32, #tpu.memory_space<vmem_shared>> -> memref<80x128xf32, #tpu.memory_space<vmem_shared>>
      tpu.wait_dma2 semaphore(%run_scoped3A : memref<!tpu.dma_semaphore, #tpu.memory_space<semaphore_mem>>) src(%dma_wait3A_69 : memref<80x128xf32, #tpu.memory_space<vmem_shared>>) dst(%arg8 : memref<80x128xf32, #tpu.memory_space<vmem>>)
      tpu.yield
    }) : () -> ()
    %mul3A_61 = arith.constant 10240 : i32
    %mul3A_62 = arith.muli %arg0, %mul3A_61 : i32
    %add3A_63 = arith.addi %mul3A_62, %add3A_60 : i32
    "tpu.region"() ({
      %run_scoped3A = tpu.sem_alloc : memref<!tpu.dma_semaphore, #tpu.memory_space<semaphore_mem>>
      %dma_start3A = arith.constant 0 : i32
      %dma_start3A_64 = tpu.memref_slice %arg5[%add3A_63, %dma_start3A] : memref<20480x128xf32, #tpu.memory_space<hbm>> -> memref<80x128xf32, #tpu.memory_space<hbm>>
      %dma_start3A_65 = arith.constant 0 : i32
      %dma_start3A_66 = tpu.memref_slice %arg5[%add3A_63, %dma_start3A_65] : memref<20480x128xf32, #tpu.memory_space<hbm>> -> memref<80x128xf32, #tpu.memory_space<hbm>>
      tpu.enqueue_dma source(%arg8 : memref<80x128xf32, #tpu.memory_space<vmem>>) target(%dma_start3A_66 : memref<80x128xf32, #tpu.memory_space<hbm>>) target_semaphore(%run_scoped3A : memref<!tpu.dma_semaphore, #tpu.memory_space<semaphore_mem>>)
      %dma_wait3A = arith.constant 0 : i32
      %dma_wait3A_67 = tpu.memref_slice %arg5[%add3A_63, %dma_wait3A] : memref<20480x128xf32, #tpu.memory_space<hbm>> -> memref<80x128xf32, #tpu.memory_space<hbm>>
      %dma_wait3A_68 = arith.constant 0 : i32
      %dma_wait3A_69 = tpu.memref_slice %arg5[%add3A_63, %dma_wait3A_68] : memref<20480x128xf32, #tpu.memory_space<hbm>> -> memref<80x128xf32, #tpu.memory_space<hbm>>
      tpu.wait_dma2 semaphore(%run_scoped3A : memref<!tpu.dma_semaphore, #tpu.memory_space<semaphore_mem>>) src(%arg8 : memref<80x128xf32, #tpu.memory_space<vmem>>) dst(%dma_wait3A_69 : memref<80x128xf32, #tpu.memory_space<hbm>>)
      tpu.yield
    }) : () -> ()
    return
  }
}

module attributes {stable_mosaic.version = 14 : i64} {
  func.func @body(%arg0: i32, %arg1: memref<1000x1xi32, #tpu.memory_space<vmem>>, %arg2: memref<64x128xf32, #tpu.memory_space<vmem>>, %arg3: memref<1000x128xf32, #tpu.memory_space<vmem>>) attributes {dimension_semantics = [#tpu.dimension_semantics<arbitrary>], iteration_bounds = array<i64: 10>, scalar_prefetch = 0 : i64, scratch_operands = 0 : i64, tpu.core_type = #tpu.core_type<tc>, window_params = [{transform_indices = @transform_0, window_bounds = array<i64: 1000, 1>}, {pipeline_mode = #tpu.pipeline_mode<synchronous>, transform_indices = @transform_1, window_bounds = array<i64: 64, 128>}, {transform_indices = @transform_2, window_bounds = array<i64: 1000, 128>}]} {
    %get3A = arith.constant 0 : index
    %get3A_0 = arith.constant 0 : index
    %get3A_1 = vector.load %arg1[%get3A, %get3A_0] : memref<1000x1xi32, #tpu.memory_space<vmem>>, vector<1000x1xi32>
    %iota3A = tpu.iota {dimensions = array<i32: 1>} : vector<1000x64xi32>
    %eq3A = vector.broadcast %get3A_1 : vector<1000x1xi32> to vector<1000x64xi32>
    %eq3A_2 = arith.cmpi eq, %eq3A, %iota3A : vector<1000x64xi32>
    %convert_element_type3A = arith.extui %eq3A_2 : vector<1000x64xi1> to vector<1000x64xi32>
    %convert_element_type3A_3 = arith.sitofp %convert_element_type3A : vector<1000x64xi32> to vector<1000x64xf32>
    %get3A_4 = arith.constant 0 : index
    %get3A_5 = arith.constant 0 : index
    %get3A_6 = vector.load %arg2[%get3A_4, %get3A_5] : memref<64x128xf32, #tpu.memory_space<vmem>>, vector<64x128xf32>
    %dot_general3A = arith.constant dense<0.000000e+00> : vector<1000x128xf32>
    %dot_general3A_7 = tpu.matmul %convert_element_type3A_3, %get3A_6, %dot_general3A {dimension_numbers = #tpu.dot_dimension_numbers<[1], [0], [0], [1], [0, 0, 1, 1], [], []>, precision = #tpu.contract_precision<fp32>, transpose_lhs_hint = false} : vector<1000x64xf32>, vector<64x128xf32>, vector<1000x128xf32> -> vector<1000x128xf32>
    %swap3A = arith.constant 0 : index
    %swap3A_8 = arith.constant 0 : index
    %swap3A_9 = vector.load %arg3[%swap3A, %swap3A_8] : memref<1000x128xf32, #tpu.memory_space<vmem>>, vector<1000x128xf32>
    tpu.vector_store %arg3[%swap3A, %swap3A_8], %dot_general3A_7 {strides = array<i32>} : memref<1000x128xf32, #tpu.memory_space<vmem>>, vector<1000x128xf32>,
    return
  }
  func.func @transform_0(%arg0: i32) -> (i32, i32) {
    %c0_i32 = arith.constant 0 : i32
    %c0_i32_0 = arith.constant 0 : i32
    return %arg0, %c0_i32 : i32, i32
  }
  func.func @transform_1(%arg0: i32) -> (i32, i32) {
    %c0_i32 = arith.constant 0 : i32
    %c0_i32_0 = arith.constant 0 : i32
    %c0_i32_1 = arith.constant 0 : i32
    return %c0_i32, %c0_i32_0 : i32, i32
  }
  func.func @transform_2(%arg0: i32) -> (i32, i32) {
    %c0_i32 = arith.constant 0 : i32
    %c0_i32_0 = arith.constant 0 : i32
    return %arg0, %c0_i32 : i32, i32
  }
}

module attributes {stable_mosaic.version = 14 : i64} {
  func.func @body(%arg0: i32, %arg1: memref<2x1000x128xf32, #tpu.memory_space<vmem>>, %arg2: memref<2x1000x128xf32, #tpu.memory_space<vmem>>, %arg3: memref<1000x128xf32, #tpu.memory_space<vmem>>, %arg4: memref<128x128xf32, #tpu.memory_space<vmem>>, %arg5: memref<128x128xf32, #tpu.memory_space<vmem>>, %arg6: memref<1x128xf32, #tpu.memory_space<vmem>>, %arg7: memref<1000x128xf32, #tpu.memory_space<vmem>>) attributes {dimension_semantics = [#tpu.dimension_semantics<arbitrary>], iteration_bounds = array<i64: 10>, scalar_prefetch = 0 : i64, scratch_operands = 0 : i64, tpu.core_type = #tpu.core_type<tc>, window_params = [{transform_indices = @transform_0, window_bounds = array<i64: 2, 1000, 128>}, {transform_indices = @transform_1, window_bounds = array<i64: 2, 1000, 128>}, {transform_indices = @transform_2, window_bounds = array<i64: 1000, 128>}, {pipeline_mode = #tpu.pipeline_mode<synchronous>, transform_indices = @transform_3, window_bounds = array<i64: 128, 128>}, {pipeline_mode = #tpu.pipeline_mode<synchronous>, transform_indices = @transform_4, window_bounds = array<i64: 128, 128>}, {pipeline_mode = #tpu.pipeline_mode<synchronous>, transform_indices = @transform_5, window_bounds = array<i64: 1, 128>}, {transform_indices = @transform_6, window_bounds = array<i64: 1000, 128>}]} {
    %get3A = arith.constant 0 : index
    %get3A_0 = arith.constant 0 : index
    %get3A_1 = arith.constant 0 : index
    %get3A_2 = vector.load %arg1[%get3A, %get3A_0, %get3A_1] : memref<2x1000x128xf32, #tpu.memory_space<vmem>>, vector<1x1000x128xf32>
    %get3A_3 = vector.shape_cast %get3A_2 : vector<1x1000x128xf32> to vector<1000x128xf32>
    %get3A_4 = arith.constant 1 : index
    %get3A_5 = arith.constant 0 : index
    %get3A_6 = arith.constant 0 : index
    %get3A_7 = vector.load %arg1[%get3A_4, %get3A_5, %get3A_6] : memref<2x1000x128xf32, #tpu.memory_space<vmem>>, vector<1x1000x128xf32>
    %get3A_8 = vector.shape_cast %get3A_7 : vector<1x1000x128xf32> to vector<1000x128xf32>
    %add3A = arith.addf %get3A_3, %get3A_8 : vector<1000x128xf32>
    %get3A_9 = arith.constant 0 : index
    %get3A_10 = arith.constant 0 : index
    %get3A_11 = arith.constant 0 : index
    %get3A_12 = vector.load %arg2[%get3A_9, %get3A_10, %get3A_11] : memref<2x1000x128xf32, #tpu.memory_space<vmem>>, vector<1x1000x128xf32>
    %get3A_13 = vector.shape_cast %get3A_12 : vector<1x1000x128xf32> to vector<1000x128xf32>
    %slice3A = vector.extract_strided_slice %get3A_13 {offsets = [0, 0], sizes = [1000, 1], strides = [1, 1]} : vector<1000x128xf32> to vector<1000x1xf32>
    %get3A_14 = arith.constant 1 : index
    %get3A_15 = arith.constant 0 : index
    %get3A_16 = arith.constant 0 : index
    %get3A_17 = vector.load %arg2[%get3A_14, %get3A_15, %get3A_16] : memref<2x1000x128xf32, #tpu.memory_space<vmem>>, vector<1x1000x128xf32>
    %get3A_18 = vector.shape_cast %get3A_17 : vector<1x1000x128xf32> to vector<1000x128xf32>
    %slice3A_19 = vector.extract_strided_slice %get3A_18 {offsets = [0, 0], sizes = [1000, 1], strides = [1, 1]} : vector<1000x128xf32> to vector<1000x1xf32>
    %add3A_20 = arith.addf %slice3A, %slice3A_19 : vector<1000x1xf32>
    %max3A = arith.constant 1.000000e+00 : f32
    %max3A_21 = vector.broadcast %max3A : f32 to vector<1000x1xf32>
    %max3A_22 = arith.maximumf %add3A_20, %max3A_21 : vector<1000x1xf32>
    %div3A = vector.broadcast %max3A_22 : vector<1000x1xf32> to vector<1000x128xf32>
    %div3A_23 = arith.divf %add3A, %div3A : vector<1000x128xf32>
    %get3A_24 = arith.constant 0 : index
    %get3A_25 = arith.constant 0 : index
    %get3A_26 = vector.load %arg4[%get3A_24, %get3A_25] : memref<128x128xf32, #tpu.memory_space<vmem>>, vector<128x128xf32>
    %dot_general3A = arith.constant dense<0.000000e+00> : vector<1000x128xf32>
    %dot_general3A_27 = tpu.matmul %div3A_23, %get3A_26, %dot_general3A {dimension_numbers = #tpu.dot_dimension_numbers<[1], [0], [0], [1], [0, 0, 1, 1], [], []>, precision = #tpu.contract_precision<fp32>, transpose_lhs_hint = false} : vector<1000x128xf32>, vector<128x128xf32>, vector<1000x128xf32> -> vector<1000x128xf32>
    %get3A_28 = arith.constant 0 : index
    %get3A_29 = arith.constant 0 : index
    %get3A_30 = vector.load %arg3[%get3A_28, %get3A_29] : memref<1000x128xf32, #tpu.memory_space<vmem>>, vector<1000x128xf32>
    %get3A_31 = arith.constant 0 : index
    %get3A_32 = arith.constant 0 : index
    %get3A_33 = vector.load %arg5[%get3A_31, %get3A_32] : memref<128x128xf32, #tpu.memory_space<vmem>>, vector<128x128xf32>
    %dot_general3A_34 = arith.constant dense<0.000000e+00> : vector<1000x128xf32>
    %dot_general3A_35 = tpu.matmul %get3A_30, %get3A_33, %dot_general3A_34 {dimension_numbers = #tpu.dot_dimension_numbers<[1], [0], [0], [1], [0, 0, 1, 1], [], []>, precision = #tpu.contract_precision<fp32>, transpose_lhs_hint = false} : vector<1000x128xf32>, vector<128x128xf32>, vector<1000x128xf32> -> vector<1000x128xf32>
    %add3A_36 = arith.addf %dot_general3A_27, %dot_general3A_35 : vector<1000x128xf32>
    %get3A_37 = arith.constant 0 : index
    %get3A_38 = arith.constant 0 : index
    %get3A_39 = vector.load %arg6[%get3A_37, %get3A_38] : memref<1x128xf32, #tpu.memory_space<vmem>>, vector<1x128xf32>
    %add3A_40 = vector.broadcast %get3A_39 : vector<1x128xf32> to vector<1000x128xf32>
    %add3A_41 = arith.addf %add3A_36, %add3A_40 : vector<1000x128xf32>
    %max3A_42 = arith.constant 0.000000e+00 : f32
    %max3A_43 = vector.broadcast %max3A_42 : f32 to vector<1000x128xf32>
    %max3A_44 = arith.maximumf %add3A_41, %max3A_43 : vector<1000x128xf32>
    %swap3A = arith.constant 0 : index
    %swap3A_45 = arith.constant 0 : index
    %swap3A_46 = vector.load %arg7[%swap3A, %swap3A_45] : memref<1000x128xf32, #tpu.memory_space<vmem>>, vector<1000x128xf32>
    tpu.vector_store %arg7[%swap3A, %swap3A_45], %max3A_44 {strides = array<i32>} : memref<1000x128xf32, #tpu.memory_space<vmem>>, vector<1000x128xf32>,
    return
  }
  func.func @transform_0(%arg0: i32) -> (i32, i32, i32) {
    %c0_i32 = arith.constant 0 : i32
    %c0_i32_0 = arith.constant 0 : i32
    %c0_i32_1 = arith.constant 0 : i32
    return %c0_i32, %arg0, %c0_i32_0 : i32, i32, i32
  }
  func.func @transform_1(%arg0: i32) -> (i32, i32, i32) {
    %c0_i32 = arith.constant 0 : i32
    %c0_i32_0 = arith.constant 0 : i32
    %c0_i32_1 = arith.constant 0 : i32
    return %c0_i32, %arg0, %c0_i32_0 : i32, i32, i32
  }
  func.func @transform_2(%arg0: i32) -> (i32, i32) {
    %c0_i32 = arith.constant 0 : i32
    %c0_i32_0 = arith.constant 0 : i32
    return %arg0, %c0_i32 : i32, i32
  }
  func.func @transform_3(%arg0: i32) -> (i32, i32) {
    %c0_i32 = arith.constant 0 : i32
    %c0_i32_0 = arith.constant 0 : i32
    %c0_i32_1 = arith.constant 0 : i32
    return %c0_i32, %c0_i32_0 : i32, i32
  }
  func.func @transform_4(%arg0: i32) -> (i32, i32) {
    %c0_i32 = arith.constant 0 : i32
    %c0_i32_0 = arith.constant 0 : i32
    %c0_i32_1 = arith.constant 0 : i32
    return %c0_i32, %c0_i32_0 : i32, i32
  }
  func.func @transform_5(%arg0: i32) -> (i32, i32) {
    %c0_i32 = arith.constant 0 : i32
    %c0_i32_0 = arith.constant 0 : i32
    %c0_i32_1 = arith.constant 0 : i32
    return %c0_i32, %c0_i32_0 : i32, i32
  }
  func.func @transform_6(%arg0: i32) -> (i32, i32) {
    %c0_i32 = arith.constant 0 : i32
    %c0_i32_0 = arith.constant 0 : i32
    return %arg0, %c0_i32 : i32, i32
  }
}

module attributes {stable_mosaic.version = 14 : i64} {
  func.func @body(%arg0: i32, %arg1: memref<2x1000x128xf32, #tpu.memory_space<vmem>>, %arg2: memref<2x1000x128xf32, #tpu.memory_space<vmem>>, %arg3: memref<1000x128xf32, #tpu.memory_space<vmem>>, %arg4: memref<128x128xf32, #tpu.memory_space<vmem>>, %arg5: memref<128x128xf32, #tpu.memory_space<vmem>>, %arg6: memref<1x128xf32, #tpu.memory_space<vmem>>, %arg7: memref<1000x1xi32, #tpu.memory_space<vmem>>, %arg8: memref<64x128xf32, #tpu.memory_space<vmem>>, %arg9: memref<64x128xf32, #tpu.memory_space<vmem>>) attributes {dimension_semantics = [#tpu.dimension_semantics<arbitrary>], iteration_bounds = array<i64: 10>, scalar_prefetch = 0 : i64, scratch_operands = 0 : i64, tpu.core_type = #tpu.core_type<tc>, window_params = [{transform_indices = @transform_0, window_bounds = array<i64: 2, 1000, 128>}, {transform_indices = @transform_1, window_bounds = array<i64: 2, 1000, 128>}, {transform_indices = @transform_2, window_bounds = array<i64: 1000, 128>}, {pipeline_mode = #tpu.pipeline_mode<synchronous>, transform_indices = @transform_3, window_bounds = array<i64: 128, 128>}, {pipeline_mode = #tpu.pipeline_mode<synchronous>, transform_indices = @transform_4, window_bounds = array<i64: 128, 128>}, {pipeline_mode = #tpu.pipeline_mode<synchronous>, transform_indices = @transform_5, window_bounds = array<i64: 1, 128>}, {transform_indices = @transform_6, window_bounds = array<i64: 1000, 1>}, {pipeline_mode = #tpu.pipeline_mode<synchronous>, transform_indices = @transform_7, window_bounds = array<i64: 64, 128>}, {pipeline_mode = #tpu.pipeline_mode<synchronous>, transform_indices = @transform_8, window_bounds = array<i64: 64, 128>}]} {
    %get3A = arith.constant 0 : index
    %get3A_0 = arith.constant 0 : index
    %get3A_1 = arith.constant 0 : index
    %get3A_2 = vector.load %arg1[%get3A, %get3A_0, %get3A_1] : memref<2x1000x128xf32, #tpu.memory_space<vmem>>, vector<1x1000x128xf32>
    %get3A_3 = vector.shape_cast %get3A_2 : vector<1x1000x128xf32> to vector<1000x128xf32>
    %get3A_4 = arith.constant 1 : index
    %get3A_5 = arith.constant 0 : index
    %get3A_6 = arith.constant 0 : index
    %get3A_7 = vector.load %arg1[%get3A_4, %get3A_5, %get3A_6] : memref<2x1000x128xf32, #tpu.memory_space<vmem>>, vector<1x1000x128xf32>
    %get3A_8 = vector.shape_cast %get3A_7 : vector<1x1000x128xf32> to vector<1000x128xf32>
    %add3A = arith.addf %get3A_3, %get3A_8 : vector<1000x128xf32>
    %get3A_9 = arith.constant 0 : index
    %get3A_10 = arith.constant 0 : index
    %get3A_11 = arith.constant 0 : index
    %get3A_12 = vector.load %arg2[%get3A_9, %get3A_10, %get3A_11] : memref<2x1000x128xf32, #tpu.memory_space<vmem>>, vector<1x1000x128xf32>
    %get3A_13 = vector.shape_cast %get3A_12 : vector<1x1000x128xf32> to vector<1000x128xf32>
    %slice3A = vector.extract_strided_slice %get3A_13 {offsets = [0, 0], sizes = [1000, 1], strides = [1, 1]} : vector<1000x128xf32> to vector<1000x1xf32>
    %get3A_14 = arith.constant 1 : index
    %get3A_15 = arith.constant 0 : index
    %get3A_16 = arith.constant 0 : index
    %get3A_17 = vector.load %arg2[%get3A_14, %get3A_15, %get3A_16] : memref<2x1000x128xf32, #tpu.memory_space<vmem>>, vector<1x1000x128xf32>
    %get3A_18 = vector.shape_cast %get3A_17 : vector<1x1000x128xf32> to vector<1000x128xf32>
    %slice3A_19 = vector.extract_strided_slice %get3A_18 {offsets = [0, 0], sizes = [1000, 1], strides = [1, 1]} : vector<1000x128xf32> to vector<1000x1xf32>
    %add3A_20 = arith.addf %slice3A, %slice3A_19 : vector<1000x1xf32>
    %max3A = arith.constant 1.000000e+00 : f32
    %max3A_21 = vector.broadcast %max3A : f32 to vector<1000x1xf32>
    %max3A_22 = arith.maximumf %add3A_20, %max3A_21 : vector<1000x1xf32>
    %div3A = vector.broadcast %max3A_22 : vector<1000x1xf32> to vector<1000x128xf32>
    %div3A_23 = arith.divf %add3A, %div3A : vector<1000x128xf32>
    %get3A_24 = arith.constant 0 : index
    %get3A_25 = arith.constant 0 : index
    %get3A_26 = vector.load %arg4[%get3A_24, %get3A_25] : memref<128x128xf32, #tpu.memory_space<vmem>>, vector<128x128xf32>
    %dot_general3A = arith.constant dense<0.000000e+00> : vector<1000x128xf32>
    %dot_general3A_27 = tpu.matmul %div3A_23, %get3A_26, %dot_general3A {dimension_numbers = #tpu.dot_dimension_numbers<[1], [0], [0], [1], [0, 0, 1, 1], [], []>, precision = #tpu.contract_precision<fp32>, transpose_lhs_hint = false} : vector<1000x128xf32>, vector<128x128xf32>, vector<1000x128xf32> -> vector<1000x128xf32>
    %get3A_28 = arith.constant 0 : index
    %get3A_29 = arith.constant 0 : index
    %get3A_30 = vector.load %arg3[%get3A_28, %get3A_29] : memref<1000x128xf32, #tpu.memory_space<vmem>>, vector<1000x128xf32>
    %get3A_31 = arith.constant 0 : index
    %get3A_32 = arith.constant 0 : index
    %get3A_33 = vector.load %arg5[%get3A_31, %get3A_32] : memref<128x128xf32, #tpu.memory_space<vmem>>, vector<128x128xf32>
    %dot_general3A_34 = arith.constant dense<0.000000e+00> : vector<1000x128xf32>
    %dot_general3A_35 = tpu.matmul %get3A_30, %get3A_33, %dot_general3A_34 {dimension_numbers = #tpu.dot_dimension_numbers<[1], [0], [0], [1], [0, 0, 1, 1], [], []>, precision = #tpu.contract_precision<fp32>, transpose_lhs_hint = false} : vector<1000x128xf32>, vector<128x128xf32>, vector<1000x128xf32> -> vector<1000x128xf32>
    %add3A_36 = arith.addf %dot_general3A_27, %dot_general3A_35 : vector<1000x128xf32>
    %get3A_37 = arith.constant 0 : index
    %get3A_38 = arith.constant 0 : index
    %get3A_39 = vector.load %arg6[%get3A_37, %get3A_38] : memref<1x128xf32, #tpu.memory_space<vmem>>, vector<1x128xf32>
    %add3A_40 = vector.broadcast %get3A_39 : vector<1x128xf32> to vector<1000x128xf32>
    %add3A_41 = arith.addf %add3A_36, %add3A_40 : vector<1000x128xf32>
    %max3A_42 = arith.constant 0.000000e+00 : f32
    %max3A_43 = vector.broadcast %max3A_42 : f32 to vector<1000x128xf32>
    %max3A_44 = arith.maximumf %add3A_41, %max3A_43 : vector<1000x128xf32>
    %get3A_45 = arith.constant 0 : index
    %get3A_46 = arith.constant 0 : index
    %get3A_47 = vector.load %arg7[%get3A_45, %get3A_46] : memref<1000x1xi32, #tpu.memory_space<vmem>>, vector<1000x1xi32>
    %iota3A = tpu.iota {dimensions = array<i32: 1>} : vector<1000x64xi32>
    %eq3A = vector.broadcast %get3A_47 : vector<1000x1xi32> to vector<1000x64xi32>
    %eq3A_48 = arith.cmpi eq, %eq3A, %iota3A : vector<1000x64xi32>
    %convert_element_type3A = arith.extui %eq3A_48 : vector<1000x64xi1> to vector<1000x64xi32>
    %convert_element_type3A_49 = arith.sitofp %convert_element_type3A : vector<1000x64xi32> to vector<1000x64xf32>
    %dot_general3A_50 = arith.constant dense<0.000000e+00> : vector<64x128xf32>
    %dot_general3A_51 = tpu.matmul %convert_element_type3A_49, %max3A_44, %dot_general3A_50 {dimension_numbers = #tpu.dot_dimension_numbers<[0], [0], [1], [1], [0, 1, 1, 1], [], []>, precision = #tpu.contract_precision<fp32>, transpose_lhs_hint = false} : vector<1000x64xf32>, vector<1000x128xf32>, vector<64x128xf32> -> vector<64x128xf32>
    %reduce_sum3A = arith.constant dense<0.000000e+00> : vector<64xf32>
    %reduce_sum3A_52 = vector.multi_reduction <add>, %convert_element_type3A_49, %reduce_sum3A [0] : vector<1000x64xf32> to vector<64xf32>
    %broadcast_in_dim3A = vector.shape_cast %reduce_sum3A_52 : vector<64xf32> to vector<64x1xf32>
    %broadcast_in_dim3A_53 = vector.shape_cast %broadcast_in_dim3A : vector<64x1xf32> to vector<64x1xf32>
    %broadcast_in_dim3A_54 = vector.broadcast %broadcast_in_dim3A_53 : vector<64x1xf32> to vector<64x128xf32>
    %eq3A_55 = arith.constant 0 : i32
    %eq3A_56 = arith.cmpi eq, %arg0, %eq3A_55 : i32
    %convert_element_type3A_57 = arith.extui %eq3A_56 : i1 to i32
    %cond3A = arith.constant 0 : i32
    %cond3A_58 = arith.cmpi ne, %convert_element_type3A_57, %cond3A : i32
    scf.if %cond3A_58 {
      %swap3A = arith.constant 0 : index
      %swap3A_63 = arith.constant 0 : index
      %swap3A_64 = vector.load %arg8[%swap3A, %swap3A_63] : memref<64x128xf32, #tpu.memory_space<vmem>>, vector<64x128xf32>
      tpu.vector_store %arg8[%swap3A, %swap3A_63], %dot_general3A_51 {strides = array<i32>} : memref<64x128xf32, #tpu.memory_space<vmem>>, vector<64x128xf32>,
      %swap3A_65 = arith.constant 0 : index
      %swap3A_66 = arith.constant 0 : index
      %swap3A_67 = vector.load %arg9[%swap3A_65, %swap3A_66] : memref<64x128xf32, #tpu.memory_space<vmem>>, vector<64x128xf32>
      tpu.vector_store %arg9[%swap3A_65, %swap3A_66], %broadcast_in_dim3A_54 {strides = array<i32>} : memref<64x128xf32, #tpu.memory_space<vmem>>, vector<64x128xf32>,
    } else {
    }
    %ne3A = arith.constant 0 : i32
    %ne3A_59 = arith.cmpi ne, %arg0, %ne3A : i32
    %convert_element_type3A_60 = arith.extui %ne3A_59 : i1 to i32
    %cond3A_61 = arith.constant 0 : i32
    %cond3A_62 = arith.cmpi ne, %convert_element_type3A_60, %cond3A_61 : i32
    scf.if %cond3A_62 {
      %get3A_63 = arith.constant 0 : index
      %get3A_64 = arith.constant 0 : index
      %get3A_65 = vector.load %arg8[%get3A_63, %get3A_64] : memref<64x128xf32, #tpu.memory_space<vmem>>, vector<64x128xf32>
      %add3A_66 = arith.addf %get3A_65, %dot_general3A_51 : vector<64x128xf32>
      %swap3A = arith.constant 0 : index
      %swap3A_67 = arith.constant 0 : index
      %swap3A_68 = vector.load %arg8[%swap3A, %swap3A_67] : memref<64x128xf32, #tpu.memory_space<vmem>>, vector<64x128xf32>
      tpu.vector_store %arg8[%swap3A, %swap3A_67], %add3A_66 {strides = array<i32>} : memref<64x128xf32, #tpu.memory_space<vmem>>, vector<64x128xf32>,
      %get3A_69 = arith.constant 0 : index
      %get3A_70 = arith.constant 0 : index
      %get3A_71 = vector.load %arg9[%get3A_69, %get3A_70] : memref<64x128xf32, #tpu.memory_space<vmem>>, vector<64x128xf32>
      %add3A_72 = arith.addf %get3A_71, %broadcast_in_dim3A_54 : vector<64x128xf32>
      %swap3A_73 = arith.constant 0 : index
      %swap3A_74 = arith.constant 0 : index
      %swap3A_75 = vector.load %arg9[%swap3A_73, %swap3A_74] : memref<64x128xf32, #tpu.memory_space<vmem>>, vector<64x128xf32>
      tpu.vector_store %arg9[%swap3A_73, %swap3A_74], %add3A_72 {strides = array<i32>} : memref<64x128xf32, #tpu.memory_space<vmem>>, vector<64x128xf32>,
    } else {
    }
    return
  }
  func.func @transform_0(%arg0: i32) -> (i32, i32, i32) {
    %c0_i32 = arith.constant 0 : i32
    %c0_i32_0 = arith.constant 0 : i32
    %c0_i32_1 = arith.constant 0 : i32
    return %c0_i32, %arg0, %c0_i32_0 : i32, i32, i32
  }
  func.func @transform_1(%arg0: i32) -> (i32, i32, i32) {
    %c0_i32 = arith.constant 0 : i32
    %c0_i32_0 = arith.constant 0 : i32
    %c0_i32_1 = arith.constant 0 : i32
    return %c0_i32, %arg0, %c0_i32_0 : i32, i32, i32
  }
  func.func @transform_2(%arg0: i32) -> (i32, i32) {
    %c0_i32 = arith.constant 0 : i32
    %c0_i32_0 = arith.constant 0 : i32
    return %arg0, %c0_i32 : i32, i32
  }
  func.func @transform_3(%arg0: i32) -> (i32, i32) {
    %c0_i32 = arith.constant 0 : i32
    %c0_i32_0 = arith.constant 0 : i32
    %c0_i32_1 = arith.constant 0 : i32
    return %c0_i32, %c0_i32_0 : i32, i32
  }
  func.func @transform_4(%arg0: i32) -> (i32, i32) {
    %c0_i32 = arith.constant 0 : i32
    %c0_i32_0 = arith.constant 0 : i32
    %c0_i32_1 = arith.constant 0 : i32
    return %c0_i32, %c0_i32_0 : i32, i32
  }
  func.func @transform_5(%arg0: i32) -> (i32, i32) {
    %c0_i32 = arith.constant 0 : i32
    %c0_i32_0 = arith.constant 0 : i32
    %c0_i32_1 = arith.constant 0 : i32
    return %c0_i32, %c0_i32_0 : i32, i32
  }
  func.func @transform_6(%arg0: i32) -> (i32, i32) {
    %c0_i32 = arith.constant 0 : i32
    %c0_i32_0 = arith.constant 0 : i32
    return %arg0, %c0_i32 : i32, i32
  }
  func.func @transform_7(%arg0: i32) -> (i32, i32) {
    %c0_i32 = arith.constant 0 : i32
    %c0_i32_0 = arith.constant 0 : i32
    %c0_i32_1 = arith.constant 0 : i32
    return %c0_i32, %c0_i32_0 : i32, i32
  }
  func.func @transform_8(%arg0: i32) -> (i32, i32) {
    %c0_i32 = arith.constant 0 : i32
    %c0_i32_0 = arith.constant 0 : i32
    %c0_i32_1 = arith.constant 0 : i32
    return %c0_i32, %c0_i32_0 : i32, i32
  }
}

module attributes {stable_mosaic.version = 14 : i64} {
  func.func @body(%arg0: memref<64x128xf32, #tpu.memory_space<vmem>>, %arg1: memref<64x128xf32, #tpu.memory_space<vmem>>, %arg2: memref<64x16xf32, #tpu.memory_space<vmem>>, %arg3: memref<128x128xf32, #tpu.memory_space<vmem>>, %arg4: memref<16x128xf32, #tpu.memory_space<vmem>>, %arg5: memref<1x128xf32, #tpu.memory_space<vmem>>, %arg6: memref<128x64xf32, #tpu.memory_space<vmem>>, %arg7: memref<1x64xf32, #tpu.memory_space<vmem>>, %arg8: memref<64x2xf32, #tpu.memory_space<vmem>>, %arg9: memref<1x2xf32, #tpu.memory_space<vmem>>, %arg10: memref<64x2xf32, #tpu.memory_space<vmem>>) attributes {dimension_semantics = [], scalar_prefetch = 0 : i64, scratch_operands = 0 : i64, tpu.core_type = #tpu.core_type<tc>} {
    %get3A = arith.constant 0 : index
    %get3A_0 = arith.constant 0 : index
    %get3A_1 = vector.load %arg0[%get3A, %get3A_0] : memref<64x128xf32, #tpu.memory_space<vmem>>, vector<64x128xf32>
    %get3A_2 = arith.constant 0 : index
    %get3A_3 = arith.constant 0 : index
    %get3A_4 = vector.load %arg1[%get3A_2, %get3A_3] : memref<64x128xf32, #tpu.memory_space<vmem>>, vector<64x128xf32>
    %max3A = arith.constant 1.000000e+00 : f32
    %max3A_5 = vector.broadcast %max3A : f32 to vector<64x128xf32>
    %max3A_6 = arith.maximumf %get3A_4, %max3A_5 : vector<64x128xf32>
    %div3A = arith.divf %get3A_1, %max3A_6 : vector<64x128xf32>
    %get3A_7 = arith.constant 0 : index
    %get3A_8 = arith.constant 0 : index
    %get3A_9 = vector.load %arg3[%get3A_7, %get3A_8] : memref<128x128xf32, #tpu.memory_space<vmem>>, vector<128x128xf32>
    %dot_general3A = arith.constant dense<0.000000e+00> : vector<64x128xf32>
    %dot_general3A_10 = tpu.matmul %div3A, %get3A_9, %dot_general3A {dimension_numbers = #tpu.dot_dimension_numbers<[1], [0], [0], [1], [0, 0, 1, 1], [], []>, precision = #tpu.contract_precision<fp32>, transpose_lhs_hint = false} : vector<64x128xf32>, vector<128x128xf32>, vector<64x128xf32> -> vector<64x128xf32>
    %get3A_11 = arith.constant 0 : index
    %get3A_12 = arith.constant 0 : index
    %get3A_13 = vector.load %arg2[%get3A_11, %get3A_12] : memref<64x16xf32, #tpu.memory_space<vmem>>, vector<64x16xf32>
    %get3A_14 = arith.constant 0 : index
    %get3A_15 = arith.constant 0 : index
    %get3A_16 = vector.load %arg4[%get3A_14, %get3A_15] : memref<16x128xf32, #tpu.memory_space<vmem>>, vector<16x128xf32>
    %dot_general3A_17 = arith.constant dense<0.000000e+00> : vector<64x128xf32>
    %dot_general3A_18 = tpu.matmul %get3A_13, %get3A_16, %dot_general3A_17 {dimension_numbers = #tpu.dot_dimension_numbers<[1], [0], [0], [1], [0, 0, 1, 1], [], []>, precision = #tpu.contract_precision<fp32>, transpose_lhs_hint = false} : vector<64x16xf32>, vector<16x128xf32>, vector<64x128xf32> -> vector<64x128xf32>
    %add3A = arith.addf %dot_general3A_10, %dot_general3A_18 : vector<64x128xf32>
    %get3A_19 = arith.constant 0 : index
    %get3A_20 = arith.constant 0 : index
    %get3A_21 = vector.load %arg5[%get3A_19, %get3A_20] : memref<1x128xf32, #tpu.memory_space<vmem>>, vector<1x128xf32>
    %add3A_22 = vector.broadcast %get3A_21 : vector<1x128xf32> to vector<64x128xf32>
    %add3A_23 = arith.addf %add3A, %add3A_22 : vector<64x128xf32>
    %max3A_24 = arith.constant 0.000000e+00 : f32
    %max3A_25 = vector.broadcast %max3A_24 : f32 to vector<64x128xf32>
    %max3A_26 = arith.maximumf %add3A_23, %max3A_25 : vector<64x128xf32>
    %get3A_27 = arith.constant 0 : index
    %get3A_28 = arith.constant 0 : index
    %get3A_29 = vector.load %arg6[%get3A_27, %get3A_28] : memref<128x64xf32, #tpu.memory_space<vmem>>, vector<128x64xf32>
    %dot_general3A_30 = arith.constant dense<0.000000e+00> : vector<64x64xf32>
    %dot_general3A_31 = tpu.matmul %max3A_26, %get3A_29, %dot_general3A_30 {dimension_numbers = #tpu.dot_dimension_numbers<[1], [0], [0], [1], [0, 0, 1, 1], [], []>, precision = #tpu.contract_precision<fp32>, transpose_lhs_hint = false} : vector<64x128xf32>, vector<128x64xf32>, vector<64x64xf32> -> vector<64x64xf32>
    %get3A_32 = arith.constant 0 : index
    %get3A_33 = arith.constant 0 : index
    %get3A_34 = vector.load %arg7[%get3A_32, %get3A_33] : memref<1x64xf32, #tpu.memory_space<vmem>>, vector<1x64xf32>
    %add3A_35 = vector.broadcast %get3A_34 : vector<1x64xf32> to vector<64x64xf32>
    %add3A_36 = arith.addf %dot_general3A_31, %add3A_35 : vector<64x64xf32>
    %max3A_37 = arith.constant 0.000000e+00 : f32
    %max3A_38 = vector.broadcast %max3A_37 : f32 to vector<64x64xf32>
    %max3A_39 = arith.maximumf %add3A_36, %max3A_38 : vector<64x64xf32>
    %get3A_40 = arith.constant 0 : index
    %get3A_41 = arith.constant 0 : index
    %get3A_42 = vector.load %arg8[%get3A_40, %get3A_41] : memref<64x2xf32, #tpu.memory_space<vmem>>, vector<64x2xf32>
    %dot_general3A_43 = arith.constant dense<0.000000e+00> : vector<64x2xf32>
    %dot_general3A_44 = tpu.matmul %max3A_39, %get3A_42, %dot_general3A_43 {dimension_numbers = #tpu.dot_dimension_numbers<[1], [0], [0], [1], [0, 0, 1, 1], [], []>, precision = #tpu.contract_precision<fp32>, transpose_lhs_hint = false} : vector<64x64xf32>, vector<64x2xf32>, vector<64x2xf32> -> vector<64x2xf32>
    %get3A_45 = arith.constant 0 : index
    %get3A_46 = arith.constant 0 : index
    %get3A_47 = vector.load %arg9[%get3A_45, %get3A_46] : memref<1x2xf32, #tpu.memory_space<vmem>>, vector<1x2xf32>
    %add3A_48 = vector.broadcast %get3A_47 : vector<1x2xf32> to vector<64x2xf32>
    %add3A_49 = arith.addf %dot_general3A_44, %add3A_48 : vector<64x2xf32>
    %swap3A = arith.constant 0 : index
    %swap3A_50 = arith.constant 0 : index
    %swap3A_51 = vector.load %arg10[%swap3A, %swap3A_50] : memref<64x2xf32, #tpu.memory_space<vmem>>, vector<64x2xf32>
    tpu.vector_store %arg10[%swap3A, %swap3A_50], %add3A_49 {strides = array<i32>} : memref<64x2xf32, #tpu.memory_space<vmem>>, vector<64x2xf32>,
    return
  }
}

</mosaic_0001>

<sc_bundles>
// kernel: kernel.12.cloned.1.call-start
scs
__scs_entry_jumppad:
0x0: {  	(pc) =	sbr.rel $0x88, $3  }
0x1: {  	(tag) =	ssettag $0x0;
	lr =	simm.s32 $0x1  }
0x2: {  	[smem:$0x3F90] =	sst lr;
	_ =	strace $0xD0000000  }
0x3: {  	_ = 	snop  }
0x4: {  	_ = 	snop  }
0x5: {  	_ = 	snop  }
0x6: {  	_ = 	snop  }
0x7: {  	_ = 	snop  }
__scs_overlays_trampoline_lowered:
0x8: {  	[smem:$0x3F9F] =	sst s0  }
0x9: {  	[smem:$0x3FA0] =	sst s1  }
0xa: {  	[smem:$0x3FA1] =	sst s2  }
0xb: {  	[smem:$0x3FA2] =	sst s3  }
0xc: {  	[smem:$0x3FA3] =	sst s4  }
0xd: {  	[smem:$0x3FA4] =	sst s5  }
0xe: {  	[smem:$0x3FA5] =	sst s6  }
0xf: {  	[smem:$0x3FA6] =	sst s7  }
0x10: {  	[smem:$0x3FA7] =	sst s8  }
0x11: {  	[smem:$0x3FA8] =	sst s9;
	s0 =	simm.s32 @!p0 $0x0  }
0x12: {  	s1 =	sld [smem:$0x3F8E];
	s0 =	simm.s32 @p0 $0x1  }
0x13: {  	[smem:$0x3FA9] =	sst s0;
	s0 =	simm.s32 @!p1 $0x0  }
0x14: {  	s2 =	sld [smem:$0x3F8D];
	s0 =	simm.s32 @p1 $0x1  }
0x15: {  	[smem:$0x3FAA] =	sst s0;
	s0 =	simm.s32 @!p2 $0x0  }
0x16: {  	s3 =	sld [smem:$0x3FDB];
	s0 =	simm.s32 @p2 $0x1  }
0x17: {  	s4 =	simm.s32 $0x1BF5;
	[smem:$0x3FAC] =	sst s0  }
0x18: {  	s0 =	sld [smem:$0x3F8F];
	_ =	swait.ge [sflag:s4], $0x0  }
0x19: {  	s7 =	sld [smem:$0x3F90]  }
0x1a: {  	s8 =	sadd.s32 $0xFFFFE003, lr  }
0x1b: {  	s9 =	sadd.s32 $0xFFFFFEF7, lr;
	s5 =	simm.s32 $0xFFFFFFFF;
	p2 =	slt.u32 s8, $0xFFFFF086  }
0x1c: {  	p1 =	slt.u32 s9, $0xF7A;
	s5 =	simm.s32 @!p2 $0x0  }
0x1d: {  	s5 =	simm.s32 @p1 $0x1;
	p0 =	seq.s32 s7, s2  }
0x1e: {  	s7 =	smul.u32 @!p0 $0xF7A, s2;
	p2 =	seq.s32 @!p0 s5, $0x0  }
0x1f: {  	s9 =	smul.u32 $0xF7A, s1;
	s8 =	simm.s32 @!p0 $0x1BF5;
	p2 =	por !p2, p0  }
0x20: {  	[sflag:s8] =	ssyncset.s32 @!p0 $0xFFFFF086;
	s6 =	sadd.s32 @!p0 s3, s7;
	s7 =	simm.s32 @!p0 $0x108  }
0x21: {  	s3 =	sadd.s32 s3, s9;
	s6 =	sadd.s32 @!p0 $0x88, s6;
	s7 =	simm.s32 @p2 $0x1082  }
0x22: {  	[simem:s7], [sflag:s8] =	dma.local @!p0 [hbm:s6], $0xF7A  }
0x23: {  	s9 =	sor.u32 $0xD0000000, s2;
	s6 =	simm.s32 $0x108;
	_ =	swait.ge @!p0 [sflag:s8], $0x0  }
0x24: {  	s3 =	sadd.s32 $0x88, s3;
	s6 =	simm.s32 @!p1 $0x1082;
	[sflag:s4] =	ssyncset.s32 $0xFFFFF086  }
0x25: {  	[simem:s6], [sflag:s4] =	dma.local [hbm:s3], $0xF7A  }
0x26: {  	[smem:$0x3F90] =	sst s1;
	(tag) =	ssettag s2;
	_ =	strace s9  }
0x27: {  	s1 =	sld [smem:$0x3FA0]  }
0x28: {  	s2 =	sld [smem:$0x3FA1]  }
0x29: {  	s4 =	sld [smem:$0x3FA3]  }
0x2a: {  	p0 =	seq.s32 s5, $0x0;
	s5 =	sld [smem:$0x3FA4]  }
0x2b: {  	s6 =	sld [smem:$0x3FA5]  }
0x2c: {  	s7 =	sld [smem:$0x3FA6]  }
0x2d: {  	s3 =	simm.s32 $0x108;
	s8 =	sld [smem:$0x3FA7]  }
0x2e: {  	s3 =	simm.s32 @!p0 $0x1082;
	s9 =	sld [smem:$0x3FA8]  }
0x2f: {  	lr =	sadd.s32 s0, s3;
	s0 =	sld [smem:$0x3F9F]  }
0x30: {  	s3 =	sld [smem:$0x3FA2]  }
0x31: {  	[smem:$0x3FAB] =	sst s10  }
0x32: {  	s10 =	sld [smem:$0x3FA9];
	_ =	sdelay $0x3  }
0x33: {  	p0 =	seq.s32 s10, $0x1;
	s10 =	sld [smem:$0x3FAB];
	_ =	sdelay $0x3  }
0x34: {  	[smem:$0x3FAB] =	sst s10  }
0x35: {  	s10 =	sld [smem:$0x3FAA];
	_ =	sdelay $0x3  }
0x36: {  	p1 =	seq.s32 s10, $0x1;
	s10 =	sld [smem:$0x3FAB];
	_ =	sdelay $0x3  }
0x37: {  	[smem:$0x3FAB] =	sst s10  }
0x38: {  	s10 =	sld [smem:$0x3FAC]  }
0x39: {  	_ = 	snop;
	(pc) =	sbr.ind lr, $3  }
0x3a: {  	_ = 	snop  }
0x3b: {  	_ = 	snop  }
0x3c: {  	p2 =	seq.s32 s10, $0x1;
	s10 =	sld [smem:$0x3FAB]  }
0x3d: {  	_ =	shalt  }
0x3e: {  	_ =	shalt  }
0x3f: {  	_ =	shalt  }
0x40: {  	_ =	shalt  }
0x41: {  	_ =	shalt  }
0x42: {  	_ =	shalt  }
0x43: {  	_ =	shalt  }
0x44: {  	_ =	shalt  }
0x45: {  	_ =	shalt  }
0x46: {  	_ =	shalt  }
0x47: {  	_ =	shalt  }
0x48: {  	_ =	shalt  }
0x49: {  	_ =	shalt  }
0x4a: {  	_ =	shalt  }
0x4b: {  	_ =	shalt  }
0x4c: {  	_ =	shalt  }
0x4d: {  	_ =	shalt  }
0x4e: {  	_ =	shalt  }
0x4f: {  	_ =	shalt  }
0x50: {  	_ =	shalt  }
0x51: {  	_ =	shalt  }
0x52: {  	_ =	shalt  }
0x53: {  	_ =	shalt  }
0x54: {  	_ =	shalt  }
0x55: {  	_ =	shalt  }
0x56: {  	_ =	shalt  }
0x57: {  	_ =	shalt  }
0x58: {  	_ =	shalt  }
0x59: {  	_ =	shalt  }
0x5a: {  	_ =	shalt  }
0x5b: {  	_ =	shalt  }
0x5c: {  	_ =	shalt  }
0x5d: {  	_ =	shalt  }
0x5e: {  	_ =	shalt  }
0x5f: {  	_ =	shalt  }
0x60: {  	_ =	shalt  }
0x61: {  	_ =	shalt  }
0x62: {  	_ =	shalt  }
0x63: {  	_ =	shalt  }
0x64: {  	_ =	shalt  }
0x65: {  	_ =	shalt  }
0x66: {  	_ =	shalt  }
0x67: {  	_ =	shalt  }
0x68: {  	_ =	shalt  }
0x69: {  	_ =	shalt  }
0x6a: {  	_ =	shalt  }
0x6b: {  	_ =	shalt  }
0x6c: {  	_ =	shalt  }
0x6d: {  	_ =	shalt  }
0x6e: {  	_ =	shalt  }
0x6f: {  	_ =	shalt  }
0x70: {  	_ =	shalt  }
0x71: {  	_ =	shalt  }
0x72: {  	_ =	shalt  }
0x73: {  	_ =	shalt  }
0x74: {  	_ =	shalt  }
0x75: {  	_ =	shalt  }
0x76: {  	_ =	shalt  }
0x77: {  	_ =	shalt  }
0x78: {  	_ =	shalt  }
0x79: {  	_ =	shalt  }
0x7a: {  	_ =	shalt  }
0x7b: {  	_ =	shalt  }
0x7c: {  	_ =	shalt  }
0x7d: {  	_ =	shalt  }
0x7e: {  	_ =	shalt  }
0x7f: {  	_ =	shalt  }
0x80: {  	_ =	shalt  }
0x81: {  	_ =	shalt  }
0x82: {  	_ =	shalt  }
0x83: {  	_ =	shalt  }
0x84: {  	_ =	shalt  }
0x85: {  	_ =	shalt  }
0x86: {  	_ =	shalt  }
0x87: {  	_ =	shalt  }
.Lfunc_end0:
.L_simem_size_0:
called_computation.1_lowered:
.L_overlay_start_0:
0x88: {  	s2 =	sld [smem:$0x3FD9]  }
0x89: {  	s3 =	sld [smem:$0x3FFE];
	_ =	sdelay $0x1  }
0x8a: {  	s1 =	srdreg.scid  }
0x8b: {  	s0 =	sand.u32 $0x1, s1  }
0x8c: {  	s16 =	sshll.u32 s0, $0xA;
	s2 =	sadd.s32 s3, s2  }
0x8d: {  	s2 =	sadd.s32 s2, s16  }
0x8e: {  	[smem:$0x3FB7] =	sst s2  }
0x8f: {  	_ = 	snop  }
0x90: {  	(tm) =	ssettm $0x1  }
0x91: {  	s17 =	sld [smem:$0x3FFB];
	_ =	sdelay $0x3  }
0x92: {  	_ =	strace s17  }
0x93: {  	s2 =	sld [smem:$0x3FFC];
	_ =	sdelay $0x3  }
0x94: {  	_ =	strace s2  }
0x95: {  	s2 =	sld [smem:$0x3FFD];
	_ =	sdelay $0x3  }
0x96: {  	_ =	strace s2  }
0x97: {  	_ =	strace $0x8FFFFFFF  }
0x98: {  	s18 =	sld [smem:$0x3FDB];
	_ =	sdelay $0x1  }
0x99: {  	s19 =	simm.s32 $_scs_section_size  }
0x9a: {  	s4 =	simm.s32 $_size__tile_overlayer_lowered;
	s5 =	simm.s32 $_tile_overlayer_lowered  }
0x9b: {  	s22 =	simm.s32 $0x1BFF;
	s21 =	sshll.u32 s5, $0x1;
	s2 =	sadd.s32 s19, s18  }
0x9c: {  	s6 =	simm.s32 $0x0;
	s20 =	sshll.u32 s4, $0x1;
	s4 =	sadd.s32 s21, s2  }
0x9d: {  	[timem:s6], [sflag:s22] =	dma.local [hbm:s4], s20  }
0x9e: {  	_ =	swait.ge [sflag:s22], s20  }
0x9f: {  	s3 =	ssub.s32 $0x0, s20;
	[sflag:s22] =	ssyncset.done $0x0  }
0xa0: {  	[sflag:s22] =	ssyncadd.s32 s3;
	_ =	sdelay $0x1  }
0xa1: {  	s23 =	simm.s32 $0x1B8B  }
0xa2: {  	_ =	swait.ge [sflag:s23], $0x1  }
0xa3: {  	[sflag:s23] =	ssyncset.done $0x0  }
0xa4: {  	s25 =	simm.s32 $0x1B8E;
	s24 =	sld [smem:$0x3FFE];
	[sflag:s23] =	ssyncadd.s32 $0xFFFFFFFF  }
0xa5: {  	s26 =	simm.s32 $execute0_lowered;
	[smem:$0x3FD2] =	sst s25  }
0xa6: {  	s4 =	sshll.u32 s26, $0x1;
	_ =	strace $0x80000046;
	[dreg:$0x1] =	wrdreg $0xFFFFFFFF  }
0xa7: {  	s28 =	simm.s32 $_size_execute0_lowered;
	s2 =	sadd.s32 s2, s4;
	[dreg:$0x0] =	wrdreg $0x0  }
0xa8: {  	s4 =	sshll.u32 s28, $0x1;
	[dreg:$0x2] =	wrdreg s2  }
0xa9: {  	[dreg:$0x3] =	wrdreg s4  }
0xaa: {  	[dreg:$0x4] =	wrdreg $0xC0  }
0xab: {  	_ =	task [dreg:s6], $0x5FFFF  }
0xac: {  	[dreg:$0x1] =	wrdreg $0xFFFFFFFF  }
0xad: {  	[dreg:$0x0] =	wrdreg $0x60  }
0xae: {  	[dreg:$0x2] =	wrdreg s24  }
0xaf: {  	[dreg:$0x3] =	wrdreg $0x9F000  }
0xb0: {  	[dreg:$0x4] =	wrdreg $0xA  }
0xb1: {  	_ =	task.clear_ibuf [dreg:s6], $0x5FFFF;
	_ =	strace $0x90000046  }
0xb2: {  	s29 =	simm.s32 $0xA;
	_ =	strace $0x80000048  }
0xb3: {  	_ =	swait.ge [sflag:s29], $0x1  }
0xb4: {  	[sflag:s29] =	ssyncadd.s32 $0xFFFFFFFF  }
0xb5: {  	_ =	strace $0x90000048  }
0xb6: {  	_ =	sfence  }
0xb7: {  	s30 =	sld [smem:$0x0];
	_ =	sdelay $0x2  }
0xb8: {  	s31 =	sshll.u32 s1, $0xD;
	s1 =	sshrl.u32 s1, $0x2  }
0xb9: {  	s3 =	sand.u32 $0x4000, s31;
	s1 =	sadd.s32 s1, s30  }
0xba: {  	s0 =	sor.u32 s3, s0;
	s1 =	sshll.u32 s1, $0x11  }
0xbb: {  	s0 =	sor.u32 s1, s0  }
0xbc: {  	s0 =	sadd.s32 $0x8F2B, s0  }
0xbd: {  	[sflag:s0] =	ssyncadd.remote.s32 $0x1  }
0xbe: {  	_ =	sfence.sel $0xFFFF  }
0xbf: {  	[dreg:$0x0] =	wrdreg $0xFFFFFFFF;
	(pc) =	sbr.abs _section_cstart, $3  }
0xc0: {  	[dreg:$0x1] =	wrdreg $0xFFFFFFFF  }
0xc1: {  	_ =	task.clear_ibuf [dreg:s6], $0x2FFFF;
	_ =	strace $0x9FFFFFFF  }
0xc2: {  	(tm) =	ssettm $0x7FFFFFFF  }
0xc3: {  	_ =	shalt  }
tec
execute0_lowered:
.L_overlay_start_1:
0x0: {  	(tag) =	ssettag $0x1  }
0x1: {  	s0 =	rddreg [dreg:$0x0]  }
0x2: {  	s1 =	srdreg.scid;
	s9 =	stileid.u32;
	s28 =	simm.s32 $0x3  }
0x3: {  	s30 =	simm.s32 $0x4F00;
	s31 =	simm.s32 $0x50;
	s29 =	simm.s32 $0x2  }
0x4: {  	s1 =	sand.u32 $0x1, s1;
	s2 =	sshrl.u32 s9, $0x2;
	s7 =	smul.u32 $0x50000, s9  }
0x5: {  	s3 =	sshll.u32 s9, $0x8;
	s6 =	sadd.s32 $0x3E600, s0;
	s15 =	smul.u32 $0x280, s9  }
0x6: {  	s4 =	smul.u32 $0x13C00, s2;
	s5 =	sshll.u32 s1, $0x7;
	s3 =	sand.u32 $0x300, s3  }
0x7: {  	s2 =	rddreg [dreg:$0x1];
	s21 =	ssub.s32 $0x2, s1;
	s1 =	smul.u32 $0x2800, s1  }
0x8: {  	s5 =	sor.u32 s5, s3;
	s3 =	simm.s32 $0x0;
	s8 =	sshrl.u32 s21, $0x1  }
0x9: {  	s7 =	sshrl.u32 s7, $0x2;
	s23 =	sor.u32 $0x50, s15;
	s16 =	sadd.s32 $0xA0, s15  }
0xa: {  	s17 =	sadd.s32 $0xF0, s15;
	s26 =	sadd.s32 $0x140, s15;
	s18 =	sadd.s32 $0x190, s15  }
0xb: {  	s19 =	sadd.s32 $0x1E0, s15;
	s20 =	sadd.s32 $0x230, s15;
	s4 =	sor.u32 s4, s5  }
0xc: {  	[smem:$0x7FF] =	sst s3;
	s24 =	sshll.u32 s23, $0x7;
	s25 =	sshll.u32 s16, $0x7  }
0xd: {  	s11 =	sshll.u32 s17, $0x7;
	s12 =	sshll.u32 s26, $0x7;
	s13 =	sshll.u32 s18, $0x7  }
0xe: {  	s14 =	sshll.u32 s19, $0x7;
	s15 =	sadd.s32 s15, s1;
	s5 =	sshrl.u32 s4, $0x3  }
0xf: {  	_ =	strace $0x80000047;
	s4 =	sadd.s32 $0x17400, s0;
	[dreg:$0x3] =	wrdreg s6  }
0x10: {  	s6 =	ssub.s32 s21, s8;
	s8 =	sadd.s32 s7, s2;
	s9 =	sadd.s32 s24, s2  }
0x11: {  	s10 =	sadd.s32 s25, s2;
	s11 =	sadd.s32 s11, s2;
	s12 =	sadd.s32 s12, s2  }
0x12: {  	s13 =	sadd.s32 s13, s2;
	s14 =	sadd.s32 s14, s2;
	s21 =	sadd.s32 s1, s16  }
0x13: {  	s7 =	sadd.s32 s1, s26;
	s24 =	sadd.s32 s1, s19;
	s19 =	sshll.u32 s15, $0x4  }
0x14: {  	s5 =	sadd.s32 s5, s0;
	s0 =	sadd.s32 $0x3EC00, s0;
	s21 =	sshll.u32 s21, $0x4  }
0x15: {  	s7 =	sshll.u32 s7, $0x4;
	s26 =	sshll.u32 s24, $0x4;
	s22 =	sadd.s32 $0xD600, s5  }
0x16: {  	s24 =	smax.u32 s6, $0x1;
	s5 =	sadd.s32 $0x3800, s5;
	[dreg:$0x4] =	wrdreg s22  }
0x17: {  	[dreg:$0x5] =	wrdreg s5;
	s5 =	sadd.s32 s1, s23;
	s22 =	sadd.s32 s1, s17  }
0x18: {  	s23 =	sadd.s32 s1, s18;
	s1 =	sadd.s32 s1, s20;
	s18 =	sshll.u32 s20, $0x7  }
0x19: {  	s20 =	sadd.s32 s0, s19;
	s5 =	sshll.u32 s5, $0x4;
	s15 =	sadd.s32 s18, s2  }
0x1a: {  	[dreg:$0x6] =	wrdreg s20;
	s22 =	sshll.u32 s22, $0x4;
	s20 =	sadd.s32 s0, s7  }
0x1b: {  	s25 =	sshll.u32 s23, $0x4;
	s1 =	sshll.u32 s1, $0x4;
	s5 =	sadd.s32 s0, s5  }
0x1c: {  	s19 =	sadd.s32 s0, s22;
	s22 =	sadd.s32 s0, s26;
	s23 =	sadd.s32 s0, s1  }
0x1d: {  	s26 =	simm.s32 $0x400;
	s1 =	simm.s32 $0x7700;
	[dreg:$0x7] =	wrdreg s5  }
0x1e: {  	s5 =	sadd.s32 s0, s21;
	s21 =	sadd.s32 s0, s25;
	s25 =	simm.s32 $0x80  }
0x1f: {  	s0 =	simm.s32 $0x1;
	[dreg:$0x8] =	wrdreg s5;
	s5 =	simm.s32 $0x0  }
.LBB2_1:
0x20: {  	s6 =	rddreg [dreg:$0x4]  }
0x21: {  	[tilespmem:s3], [sflag:$0x3] =	stream.strided.gather [hbm4b:s6+s25], $0x2780, s26, s25, $0x38;
	[tilespmem:$0x1DF00] =	vst v63  }
0x22: {  	_ =	swait.ge [sflag:s28], $0x2780  }
0x23: {  	[sflag:s28] =	ssyncset.done $0x0  }
0x24: {  	s7 =	simm.s32 $0x2780;
	s17 =	rddreg [dreg:$0x5];
	[sflag:s28] =	ssyncadd.s32 $0xFFFFD880  }
0x25: {  	[tilespmem:s7], [sflag:$0x3] =	stream.strided.gather [hbm4b:s17+s25], $0x2780, s26, s25, $0x38;
	[tilespmem:$0x1DF00] =	vst v63  }
0x26: {  	_ =	swait.ge [sflag:s28], $0x2780  }
0x27: {  	[sflag:s28] =	ssyncset.done $0x0  }
0x28: {  	s18 =	rddreg [dreg:$0x3];
	[sflag:s28] =	ssyncadd.s32 $0xFFFFD880  }
0x29: {  	[tilespmem:s30], [sflag:$0x3] =	stream.linear.gather [hbm4b:s18+s3], $0x2800, $0x38;
	[tilespmem:$0x1DF00] =	vst v63  }
0x2a: {  	_ =	swait.ge [sflag:s28], $0x2800  }
0x2b: {  	[sflag:s28] =	ssyncset.done $0x0  }
0x2c: {  	[sflag:s28] =	ssyncadd.s32 $0xFFFFD800  }
0x2d: {  	[spmem:s8] =	stream.linear.scatter [tilespmem:s30], [sflag:$0x3], $0x2800, $0x38;
	[tilespmem:$0x1DF00] =	vst v63  }
0x2e: {  	_ =	swait.ge [sflag:s28], $0x2800  }
0x2f: {  	[sflag:s28] =	ssyncset.done $0x0  }
0x30: {  	[sflag:s28] =	ssyncadd.s32 $0xFFFFD800  }
0x31: {  	[spmem:s9] =	stream.linear.scatter [tilespmem:s30], [sflag:$0x3], $0x2800, $0x38;
	[tilespmem:$0x1DF00] =	vst v63  }
0x32: {  	_ =	swait.ge [sflag:s28], $0x2800  }
0x33: {  	[sflag:s28] =	ssyncset.done $0x0  }
0x34: {  	[sflag:s28] =	ssyncadd.s32 $0xFFFFD800  }
0x35: {  	[spmem:s10] =	stream.linear.scatter [tilespmem:s30], [sflag:$0x3], $0x2800, $0x38;
	[tilespmem:$0x1DF00] =	vst v63  }
0x36: {  	_ =	swait.ge [sflag:s28], $0x2800  }
0x37: {  	[sflag:s28] =	ssyncset.done $0x0  }
0x38: {  	[sflag:s28] =	ssyncadd.s32 $0xFFFFD800  }
0x39: {  	[spmem:s11] =	stream.linear.scatter [tilespmem:s30], [sflag:$0x3], $0x2800, $0x38;
	[tilespmem:$0x1DF00] =	vst v63  }
0x3a: {  	_ =	swait.ge [sflag:s28], $0x2800  }
0x3b: {  	[sflag:s28] =	ssyncset.done $0x0  }
0x3c: {  	[sflag:s28] =	ssyncadd.s32 $0xFFFFD800  }
0x3d: {  	[spmem:s12] =	stream.linear.scatter [tilespmem:s30], [sflag:$0x3], $0x2800, $0x38;
	[tilespmem:$0x1DF00] =	vst v63  }
0x3e: {  	_ =	swait.ge [sflag:s28], $0x2800  }
0x3f: {  	[sflag:s28] =	ssyncset.done $0x0  }
0x40: {  	[sflag:s28] =	ssyncadd.s32 $0xFFFFD800  }
0x41: {  	[spmem:s13] =	stream.linear.scatter [tilespmem:s30], [sflag:$0x3], $0x2800, $0x38;
	[tilespmem:$0x1DF00] =	vst v63  }
0x42: {  	_ =	swait.ge [sflag:s28], $0x2800  }
0x43: {  	[sflag:s28] =	ssyncset.done $0x0  }
0x44: {  	[sflag:s28] =	ssyncadd.s32 $0xFFFFD800  }
0x45: {  	[spmem:s14] =	stream.linear.scatter [tilespmem:s30], [sflag:$0x3], $0x2800, $0x38;
	[tilespmem:$0x1DF00] =	vst v63  }
0x46: {  	_ =	swait.ge [sflag:s28], $0x2800  }
0x47: {  	[sflag:s28] =	ssyncset.done $0x0  }
0x48: {  	[sflag:s28] =	ssyncadd.s32 $0xFFFFD800  }
0x49: {  	[spmem:s15] =	stream.linear.scatter [tilespmem:s30], [sflag:$0x3], $0x2800, $0x38;
	[tilespmem:$0x1DF00] =	vst v63  }
0x4a: {  	_ =	swait.ge [sflag:s28], $0x2800  }
0x4b: {  	[sflag:s28] =	ssyncset.done $0x0  }
0x4c: {  	[sflag:s28] =	ssyncadd.s32 $0xFFFFD800  }
0x4d: {  	[bflag:$0x0] =	sbarrier.arrive $0xFFFF  }
0x4e: {  	[tilespmem:s30], [sflag:$0x1] =	stream.indirect.gather [hbm4b:s4+s31], $0x80, s3, s31, $0xb8;
	[tilespmem:$0x1DF00] =	vst v63  }
0x4f: {  	s7 =	simm.s32 $0x50  }
0x50: {  	[tilespmem:s1], [sflag:$0x2] =	stream.indirect.gather [hbm4b:s4+s31], $0x80, s7, s31, $0xb8;
	[tilespmem:$0x1DF00] =	vst v63  }
0x51: {  	_ =	swait.ge [sflag:s0], $0x2800  }
0x52: {  	[sflag:s0] =	ssyncset.done $0x0  }
0x53: {  	s16 =	simm.s32 $0x2780;
	[sflag:s0] =	ssyncadd.s32 $0xFFFFD800  }
0x54: {  	[spmem:s2] =	stream.indirect.scatter.add.f32 [tilespmem:s30], [sflag:$0x3], $0x80, s16, s31, $0xb8;
	[tilespmem:$0x1DF00] =	vst v63  }
0x55: {  	_ =	swait.ge [sflag:s28], $0x2800  }
0x56: {  	[sflag:s28] =	ssyncset.done $0x0  }
0x57: {  	s17 =	simm.s32 $0xA0;
	[sflag:s28] =	ssyncadd.s32 $0xFFFFD800  }
0x58: {  	[tilespmem:s30], [sflag:$0x1] =	stream.indirect.gather [hbm4b:s4+s31], $0x80, s17, s31, $0xb8;
	[tilespmem:$0x1DF00] =	vst v63  }
0x59: {  	_ =	swait.ge [sflag:s29], $0x2800  }
0x5a: {  	[sflag:s29] =	ssyncset.done $0x0  }
0x5b: {  	s18 =	simm.s32 $0x27D0;
	[sflag:s29] =	ssyncadd.s32 $0xFFFFD800  }
0x5c: {  	[spmem:s2] =	stream.indirect.scatter.add.f32 [tilespmem:s1], [sflag:$0x3], $0x80, s18, s31, $0xb8;
	[tilespmem:$0x1DF00] =	vst v63  }
0x5d: {  	_ =	swait.ge [sflag:s28], $0x2800  }
0x5e: {  	s6 =	simm.s32 $0xA0;
	s7 =	simm.s32 $0x500;
	[sflag:s28] =	ssyncset.done $0x0  }
.LBB2_2:
0x5f: {  	s16 =	sadd.s32 $0x50, s6  }
0x60: {  	[sflag:s28] =	ssyncadd.s32 $0xFFFFD800;
	s17 =	smov.u32 s7;
	s18 =	sadd.s32 $0x280, s7  }
0x61: {  	[tilespmem:s1], [sflag:$0x2] =	stream.indirect.gather [hbm4b:s4+s31], $0x80, s16, s31, $0xb8;
	[tilespmem:$0x1DF00] =	vst v63  }
0x62: {  	p0 =	sne.s32 s7, $0x9880;
	_ =	swait.ge [sflag:s0], $0x2800  }
0x63: {  	[sflag:s0] =	ssyncset.done $0x0  }
0x64: {  	s7 =	sadd.s32 $0x2780, s6;
	[sflag:s0] =	ssyncadd.s32 $0xFFFFD800  }
0x65: {  	[spmem:s2] =	stream.indirect.scatter.add.f32 [tilespmem:s30], [sflag:$0x3], $0x80, s7, s31, $0xb8;
	[tilespmem:$0x1DF00] =	vst v63  }
0x66: {  	_ =	swait.ge [sflag:s28], $0x2800  }
0x67: {  	[sflag:s28] =	ssyncset.done $0x0  }
0x68: {  	s7 =	sadd.s32 $0xA0, s6;
	[sflag:s28] =	ssyncadd.s32 $0xFFFFD800  }
0x69: {  	[tilespmem:s30], [sflag:$0x1] =	stream.indirect.gather [hbm4b:s4+s31], $0x80, s7, s31, $0xb8;
	[tilespmem:$0x1DF00] =	vst v63  }
0x6a: {  	_ =	swait.ge [sflag:s29], $0x2800  }
.Ltmp0:
0x6b: {  	[sflag:s29] =	ssyncset.done $0x0;
	(pc) =	sbr.rel @p0 .LBB2_2-.Ltmp0, $4  }
0x6c: {  	s6 =	sadd.s32 $0x27D0, s6;
	[sflag:s29] =	ssyncadd.s32 $0xFFFFD800  }
0x6d: {  	[spmem:s2] =	stream.indirect.scatter.add.f32 [tilespmem:s1], [sflag:$0x3], $0x80, s6, s31, $0xb8;
	[tilespmem:$0x1DF00] =	vst v63  }
0x6e: {  	_ =	swait.ge [sflag:s28], $0x2800  }
0x6f: {  	s7 =	smov.u32 s18;
	s6 =	sshra.s32 s17, $0x2;
	[sflag:s28] =	ssyncset.done $0x0  }
0x70: {  	s7 =	sadd.s32 $0x50, s6;
	[sflag:s28] =	ssyncadd.s32 $0xFFFFD800  }
0x71: {  	[tilespmem:s1], [sflag:$0x2] =	stream.indirect.gather [hbm4b:s4+s31], $0x80, s7, s31, $0xb8;
	[tilespmem:$0x1DF00] =	vst v63  }
0x72: {  	_ =	swait.ge [sflag:s0], $0x2800  }
0x73: {  	[sflag:s0] =	ssyncset.done $0x0  }
0x74: {  	s16 =	sadd.s32 $0x2780, s6;
	[sflag:s0] =	ssyncadd.s32 $0xFFFFD800  }
0x75: {  	[spmem:s2] =	stream.indirect.scatter.add.f32 [tilespmem:s30], [sflag:$0x3], $0x80, s16, s31, $0xb8;
	[tilespmem:$0x1DF00] =	vst v63  }
0x76: {  	_ =	swait.ge [sflag:s28], $0x2800  }
0x77: {  	[sflag:s28] =	ssyncset.done $0x0  }
0x78: {  	s17 =	sadd.s32 $0xA0, s6;
	[sflag:s28] =	ssyncadd.s32 $0xFFFFD800  }
0x79: {  	[tilespmem:s30], [sflag:$0x1] =	stream.indirect.gather [hbm4b:s4+s31], $0x80, s17, s31, $0xb8;
	[tilespmem:$0x1DF00] =	vst v63  }
0x7a: {  	_ =	swait.ge [sflag:s29], $0x2800  }
0x7b: {  	[sflag:s29] =	ssyncset.done $0x0  }
0x7c: {  	s18 =	sadd.s32 $0x27D0, s6;
	[sflag:s29] =	ssyncadd.s32 $0xFFFFD800  }
0x7d: {  	[spmem:s2] =	stream.indirect.scatter.add.f32 [tilespmem:s1], [sflag:$0x3], $0x80, s18, s31, $0xb8;
	[tilespmem:$0x1DF00] =	vst v63  }
0x7e: {  	_ =	swait.ge [sflag:s28], $0x2800  }
0x7f: {  	[sflag:s28] =	ssyncset.done $0x0  }
0x80: {  	[sflag:s28] =	ssyncadd.s32 $0xFFFFD800  }
0x81: {  	_ =	swait.ge [sflag:s0], $0x2800  }
0x82: {  	[sflag:s0] =	ssyncset.done $0x0  }
0x83: {  	s7 =	simm.s32 $0x4E40;
	[sflag:s0] =	ssyncadd.s32 $0xFFFFD800  }
0x84: {  	[spmem:s2] =	stream.indirect.scatter.add.f32 [tilespmem:s30], [sflag:$0x3], $0x80, s7, s31, $0xb8;
	[tilespmem:$0x1DF00] =	vst v63  }
0x85: {  	_ =	swait.ge [sflag:s28], $0x2800  }
0x86: {  	[sflag:s28] =	ssyncset.done $0x0  }
0x87: {  	[sflag:s28] =	ssyncadd.s32 $0xFFFFD800  }
0x88: {  	[bflag:$0x0] =	sbarrier.arrive $0xFFFF  }
0x89: {  	[tilespmem:s30], [sflag:$0x3] =	stream.linear.gather [spmem:s8], $0x2800, $0x38;
	[tilespmem:$0x1DF00] =	vst v63  }
0x8a: {  	_ =	swait.ge [sflag:s28], $0x2800  }
0x8b: {  	[sflag:s28] =	ssyncset.done $0x0  }
0x8c: {  	s16 =	rddreg [dreg:$0x6];
	[sflag:s28] =	ssyncadd.s32 $0xFFFFD800  }
0x8d: {  	[hbm4b:s16+s3] =	stream.linear.scatter [tilespmem:s30], [sflag:$0x3], $0x2800, $0x38;
	[tilespmem:$0x1DF00] =	vst v63  }
0x8e: {  	_ =	swait.ge [sflag:s28], $0x2800  }
0x8f: {  	[sflag:s28] =	ssyncset.done $0x0  }
0x90: {  	[sflag:s28] =	ssyncadd.s32 $0xFFFFD800  }
0x91: {  	[tilespmem:s30], [sflag:$0x3] =	stream.linear.gather [spmem:s9], $0x2800, $0x38;
	[tilespmem:$0x1DF00] =	vst v63  }
0x92: {  	_ =	swait.ge [sflag:s28], $0x2800  }
0x93: {  	[sflag:s28] =	ssyncset.done $0x0  }
0x94: {  	s17 =	rddreg [dreg:$0x7];
	[sflag:s28] =	ssyncadd.s32 $0xFFFFD800  }
0x95: {  	[hbm4b:s17+s3] =	stream.linear.scatter [tilespmem:s30], [sflag:$0x3], $0x2800, $0x38;
	[tilespmem:$0x1DF00] =	vst v63  }
0x96: {  	_ =	swait.ge [sflag:s28], $0x2800  }
0x97: {  	[sflag:s28] =	ssyncset.done $0x0  }
0x98: {  	[sflag:s28] =	ssyncadd.s32 $0xFFFFD800  }
0x99: {  	[tilespmem:s30], [sflag:$0x3] =	stream.linear.gather [spmem:s10], $0x2800, $0x38;
	[tilespmem:$0x1DF00] =	vst v63  }
0x9a: {  	_ =	swait.ge [sflag:s28], $0x2800  }
0x9b: {  	[sflag:s28] =	ssyncset.done $0x0  }
0x9c: {  	s18 =	rddreg [dreg:$0x8];
	[sflag:s28] =	ssyncadd.s32 $0xFFFFD800  }
0x9d: {  	[hbm4b:s18+s3] =	stream.linear.scatter [tilespmem:s30], [sflag:$0x3], $0x2800, $0x38;
	[tilespmem:$0x1DF00] =	vst v63  }
0x9e: {  	_ =	swait.ge [sflag:s28], $0x2800  }
0x9f: {  	[sflag:s28] =	ssyncset.done $0x0  }
0xa0: {  	[sflag:s28] =	ssyncadd.s32 $0xFFFFD800  }
0xa1: {  	[tilespmem:s30], [sflag:$0x3] =	stream.linear.gather [spmem:s11], $0x2800, $0x38;
	[tilespmem:$0x1DF00] =	vst v63  }
0xa2: {  	_ =	swait.ge [sflag:s28], $0x2800  }
0xa3: {  	[sflag:s28] =	ssyncset.done $0x0  }
0xa4: {  	[sflag:s28] =	ssyncadd.s32 $0xFFFFD800  }
0xa5: {  	[hbm4b:s19+s3] =	stream.linear.scatter [tilespmem:s30], [sflag:$0x3], $0x2800, $0x38;
	[tilespmem:$0x1DF00] =	vst v63  }
0xa6: {  	_ =	swait.ge [sflag:s28], $0x2800  }
0xa7: {  	[sflag:s28] =	ssyncset.done $0x0  }
0xa8: {  	[sflag:s28] =	ssyncadd.s32 $0xFFFFD800  }
0xa9: {  	[tilespmem:s30], [sflag:$0x3] =	stream.linear.gather [spmem:s12], $0x2800, $0x38;
	[tilespmem:$0x1DF00] =	vst v63  }
0xaa: {  	_ =	swait.ge [sflag:s28], $0x2800  }
0xab: {  	[sflag:s28] =	ssyncset.done $0x0  }
0xac: {  	[sflag:s28] =	ssyncadd.s32 $0xFFFFD800  }
0xad: {  	[hbm4b:s20+s3] =	stream.linear.scatter [tilespmem:s30], [sflag:$0x3], $0x2800, $0x38;
	[tilespmem:$0x1DF00] =	vst v63  }
0xae: {  	_ =	swait.ge [sflag:s28], $0x2800  }
0xaf: {  	[sflag:s28] =	ssyncset.done $0x0  }
0xb0: {  	[sflag:s28] =	ssyncadd.s32 $0xFFFFD800  }
0xb1: {  	[tilespmem:s30], [sflag:$0x3] =	stream.linear.gather [spmem:s13], $0x2800, $0x38;
	[tilespmem:$0x1DF00] =	vst v63  }
0xb2: {  	_ =	swait.ge [sflag:s28], $0x2800  }
0xb3: {  	[sflag:s28] =	ssyncset.done $0x0  }
0xb4: {  	[sflag:s28] =	ssyncadd.s32 $0xFFFFD800  }
0xb5: {  	[hbm4b:s21+s3] =	stream.linear.scatter [tilespmem:s30], [sflag:$0x3], $0x2800, $0x38;
	[tilespmem:$0x1DF00] =	vst v63  }
0xb6: {  	_ =	swait.ge [sflag:s28], $0x2800  }
0xb7: {  	[sflag:s28] =	ssyncset.done $0x0  }
0xb8: {  	[sflag:s28] =	ssyncadd.s32 $0xFFFFD800  }
0xb9: {  	[tilespmem:s30], [sflag:$0x3] =	stream.linear.gather [spmem:s14], $0x2800, $0x38;
	[tilespmem:$0x1DF00] =	vst v63  }
0xba: {  	_ =	swait.ge [sflag:s28], $0x2800  }
0xbb: {  	[sflag:s28] =	ssyncset.done $0x0  }
0xbc: {  	[sflag:s28] =	ssyncadd.s32 $0xFFFFD800  }
0xbd: {  	[hbm4b:s22+s3] =	stream.linear.scatter [tilespmem:s30], [sflag:$0x3], $0x2800, $0x38;
	[tilespmem:$0x1DF00] =	vst v63  }
0xbe: {  	_ =	swait.ge [sflag:s28], $0x2800  }
0xbf: {  	[sflag:s28] =	ssyncset.done $0x0  }
0xc0: {  	[sflag:s28] =	ssyncadd.s32 $0xFFFFD800  }
0xc1: {  	[tilespmem:s30], [sflag:$0x3] =	stream.linear.gather [spmem:s15], $0x2800, $0x38;
	[tilespmem:$0x1DF00] =	vst v63  }
0xc2: {  	s5 =	sadd.s32 $0x1, s5;
	_ =	swait.ge [sflag:s28], $0x2800  }
0xc3: {  	p0 =	sne.s32 s5, s24;
	[sflag:s28] =	ssyncset.done $0x0  }
.Ltmp1:
0xc4: {  	[sflag:s28] =	ssyncadd.s32 $0xFFFFD800;
	(pc) =	sbr.rel @p0 .LBB2_1-.Ltmp1, $4  }
0xc5: {  	[hbm4b:s23+s3] =	stream.linear.scatter [tilespmem:s30], [sflag:$0x3], $0x2800, $0x38;
	[tilespmem:$0x1DF00] =	vst v63  }
0xc6: {  	_ =	swait.ge [sflag:s28], $0x2800  }
0xc7: {  	[sflag:s28] =	ssyncset.done $0x0  }
0xc8: {  	[sflag:s28] =	ssyncadd.s32 $0xFFFFD800  }
0xc9: {  	_ =	sfence.sel $0x180000  }
0xca: {  	[bflag:$0x0] =	sbarrier.arrive $0xFFFF  }
0xcb: {  	_ =	strace $0x90000047  }
0xcc: {  	s0 =	stileid.u32;
	[bflag:$0x2] =	sbarrier.arrive $0xFFFF  }
0xcd: {  	p0 =	sne.s32 s0, $0x0;
	s0 =	rddreg [dreg:$0x2]  }
0xce: {  	s0 =	sadd.s32 @!p0 $0x100000, s0  }
0xcf: {  	[sflag:s0] =	ssyncadd.tile.s32 @!p0 $0x1;
	_ =	shalt  }
.Lfunc_end2:
_tile_overlayer_lowered:
.L_overlay_start_2:
0xd0: {  	(tag) =	ssettag $0x2  }
0xd1: {  	s0 =	rddreg [dreg:$0x0];
	s2 =	stileid.u32  }
0xd2: {  	s1 =	rddreg [dreg:$0x1];
	p0 =	sne.s32 s2, $0x0  }
0xd3: {  	s3 =	rddreg [dreg:$0x2];
	[bflag:$0x3] =	sbarrier.arrive $0xFFFF;
	s2 =	simm.s32 @!p0 $0x1C03  }
0xd4: {  	[timem:s3], [sflag:s2] =	dma.local @!p0 [hbm:s0], s1  }
0xd5: {  	s0 =	simm.s32 @!p0 $0x3  }
0xd6: {  	_ =	swait.ge @!p0 [sflag:s0], s1  }
0xd7: {  	s1 =	ssub.s32 @!p0 $0x0, s1;
	[sflag:s0] =	ssyncset.done @!p0 $0x0  }
0xd8: {  	[sflag:s0] =	ssyncadd.s32 @!p0 s1  }
0xd9: {  	[bflag:$0x3] =	sbarrier.arrive $0xFFFF  }
0xda: {  	_ =	shalt  }

// kernel: kernel.15.cloned.1.call-start
scs
__scs_entry_jumppad:
0x0: {  	(pc) =	sbr.rel $0x88, $3  }
0x1: {  	(tag) =	ssettag $0x0;
	lr =	simm.s32 $0x1  }
0x2: {  	[smem:$0x3F90] =	sst lr;
	_ =	strace $0xD0000000  }
0x3: {  	_ = 	snop  }
0x4: {  	_ = 	snop  }
0x5: {  	_ = 	snop  }
0x6: {  	_ = 	snop  }
0x7: {  	_ = 	snop  }
__scs_overlays_trampoline_lowered:
0x8: {  	[smem:$0x3F9F] =	sst s0  }
0x9: {  	[smem:$0x3FA0] =	sst s1  }
0xa: {  	[smem:$0x3FA1] =	sst s2  }
0xb: {  	[smem:$0x3FA2] =	sst s3  }
0xc: {  	[smem:$0x3FA3] =	sst s4  }
0xd: {  	[smem:$0x3FA4] =	sst s5  }
0xe: {  	[smem:$0x3FA5] =	sst s6  }
0xf: {  	[smem:$0x3FA6] =	sst s7  }
0x10: {  	[smem:$0x3FA7] =	sst s8  }
0x11: {  	[smem:$0x3FA8] =	sst s9;
	s0 =	simm.s32 @!p0 $0x0  }
0x12: {  	s1 =	sld [smem:$0x3F8E];
	s0 =	simm.s32 @p0 $0x1  }
0x13: {  	[smem:$0x3FA9] =	sst s0;
	s0 =	simm.s32 @!p1 $0x0  }
0x14: {  	s2 =	sld [smem:$0x3F8D];
	s0 =	simm.s32 @p1 $0x1  }
0x15: {  	[smem:$0x3FAA] =	sst s0;
	s0 =	simm.s32 @!p2 $0x0  }
0x16: {  	s3 =	sld [smem:$0x3FDB];
	s0 =	simm.s32 @p2 $0x1  }
0x17: {  	s4 =	simm.s32 $0x1BF5;
	[smem:$0x3FAC] =	sst s0  }
0x18: {  	s0 =	sld [smem:$0x3F8F];
	_ =	swait.ge [sflag:s4], $0x0  }
0x19: {  	s7 =	sld [smem:$0x3F90]  }
0x1a: {  	s8 =	sadd.s32 $0xFFFFE003, lr  }
0x1b: {  	s9 =	sadd.s32 $0xFFFFFEF7, lr;
	s5 =	simm.s32 $0xFFFFFFFF;
	p2 =	slt.u32 s8, $0xFFFFF086  }
0x1c: {  	p1 =	slt.u32 s9, $0xF7A;
	s5 =	simm.s32 @!p2 $0x0  }
0x1d: {  	s5 =	simm.s32 @p1 $0x1;
	p0 =	seq.s32 s7, s2  }
0x1e: {  	s7 =	smul.u32 @!p0 $0xF7A, s2;
	p2 =	seq.s32 @!p0 s5, $0x0  }
0x1f: {  	s9 =	smul.u32 $0xF7A, s1;
	s8 =	simm.s32 @!p0 $0x1BF5;
	p2 =	por !p2, p0  }
0x20: {  	[sflag:s8] =	ssyncset.s32 @!p0 $0xFFFFF086;
	s6 =	sadd.s32 @!p0 s3, s7;
	s7 =	simm.s32 @!p0 $0x108  }
0x21: {  	s3 =	sadd.s32 s3, s9;
	s6 =	sadd.s32 @!p0 $0x88, s6;
	s7 =	simm.s32 @p2 $0x1082  }
0x22: {  	[simem:s7], [sflag:s8] =	dma.local @!p0 [hbm:s6], $0xF7A  }
0x23: {  	s9 =	sor.u32 $0xD0000000, s2;
	s6 =	simm.s32 $0x108;
	_ =	swait.ge @!p0 [sflag:s8], $0x0  }
0x24: {  	s3 =	sadd.s32 $0x88, s3;
	s6 =	simm.s32 @!p1 $0x1082;
	[sflag:s4] =	ssyncset.s32 $0xFFFFF086  }
0x25: {  	[simem:s6], [sflag:s4] =	dma.local [hbm:s3], $0xF7A  }
0x26: {  	[smem:$0x3F90] =	sst s1;
	(tag) =	ssettag s2;
	_ =	strace s9  }
0x27: {  	s1 =	sld [smem:$0x3FA0]  }
0x28: {  	s2 =	sld [smem:$0x3FA1]  }
0x29: {  	s4 =	sld [smem:$0x3FA3]  }
0x2a: {  	p0 =	seq.s32 s5, $0x0;
	s5 =	sld [smem:$0x3FA4]  }
0x2b: {  	s6 =	sld [smem:$0x3FA5]  }
0x2c: {  	s7 =	sld [smem:$0x3FA6]  }
0x2d: {  	s3 =	simm.s32 $0x108;
	s8 =	sld [smem:$0x3FA7]  }
0x2e: {  	s3 =	simm.s32 @!p0 $0x1082;
	s9 =	sld [smem:$0x3FA8]  }
0x2f: {  	lr =	sadd.s32 s0, s3;
	s0 =	sld [smem:$0x3F9F]  }
0x30: {  	s3 =	sld [smem:$0x3FA2]  }
0x31: {  	[smem:$0x3FAB] =	sst s10  }
0x32: {  	s10 =	sld [smem:$0x3FA9];
	_ =	sdelay $0x3  }
0x33: {  	p0 =	seq.s32 s10, $0x1;
	s10 =	sld [smem:$0x3FAB];
	_ =	sdelay $0x3  }
0x34: {  	[smem:$0x3FAB] =	sst s10  }
0x35: {  	s10 =	sld [smem:$0x3FAA];
	_ =	sdelay $0x3  }
0x36: {  	p1 =	seq.s32 s10, $0x1;
	s10 =	sld [smem:$0x3FAB];
	_ =	sdelay $0x3  }
0x37: {  	[smem:$0x3FAB] =	sst s10  }
0x38: {  	s10 =	sld [smem:$0x3FAC]  }
0x39: {  	_ = 	snop;
	(pc) =	sbr.ind lr, $3  }
0x3a: {  	_ = 	snop  }
0x3b: {  	_ = 	snop  }
0x3c: {  	p2 =	seq.s32 s10, $0x1;
	s10 =	sld [smem:$0x3FAB]  }
0x3d: {  	_ =	shalt  }
0x3e: {  	_ =	shalt  }
0x3f: {  	_ =	shalt  }
0x40: {  	_ =	shalt  }
0x41: {  	_ =	shalt  }
0x42: {  	_ =	shalt  }
0x43: {  	_ =	shalt  }
0x44: {  	_ =	shalt  }
0x45: {  	_ =	shalt  }
0x46: {  	_ =	shalt  }
0x47: {  	_ =	shalt  }
0x48: {  	_ =	shalt  }
0x49: {  	_ =	shalt  }
0x4a: {  	_ =	shalt  }
0x4b: {  	_ =	shalt  }
0x4c: {  	_ =	shalt  }
0x4d: {  	_ =	shalt  }
0x4e: {  	_ =	shalt  }
0x4f: {  	_ =	shalt  }
0x50: {  	_ =	shalt  }
0x51: {  	_ =	shalt  }
0x52: {  	_ =	shalt  }
0x53: {  	_ =	shalt  }
0x54: {  	_ =	shalt  }
0x55: {  	_ =	shalt  }
0x56: {  	_ =	shalt  }
0x57: {  	_ =	shalt  }
0x58: {  	_ =	shalt  }
0x59: {  	_ =	shalt  }
0x5a: {  	_ =	shalt  }
0x5b: {  	_ =	shalt  }
0x5c: {  	_ =	shalt  }
0x5d: {  	_ =	shalt  }
0x5e: {  	_ =	shalt  }
0x5f: {  	_ =	shalt  }
0x60: {  	_ =	shalt  }
0x61: {  	_ =	shalt  }
0x62: {  	_ =	shalt  }
0x63: {  	_ =	shalt  }
0x64: {  	_ =	shalt  }
0x65: {  	_ =	shalt  }
0x66: {  	_ =	shalt  }
0x67: {  	_ =	shalt  }
0x68: {  	_ =	shalt  }
0x69: {  	_ =	shalt  }
0x6a: {  	_ =	shalt  }
0x6b: {  	_ =	shalt  }
0x6c: {  	_ =	shalt  }
0x6d: {  	_ =	shalt  }
0x6e: {  	_ =	shalt  }
0x6f: {  	_ =	shalt  }
0x70: {  	_ =	shalt  }
0x71: {  	_ =	shalt  }
0x72: {  	_ =	shalt  }
0x73: {  	_ =	shalt  }
0x74: {  	_ =	shalt  }
0x75: {  	_ =	shalt  }
0x76: {  	_ =	shalt  }
0x77: {  	_ =	shalt  }
0x78: {  	_ =	shalt  }
0x79: {  	_ =	shalt  }
0x7a: {  	_ =	shalt  }
0x7b: {  	_ =	shalt  }
0x7c: {  	_ =	shalt  }
0x7d: {  	_ =	shalt  }
0x7e: {  	_ =	shalt  }
0x7f: {  	_ =	shalt  }
0x80: {  	_ =	shalt  }
0x81: {  	_ =	shalt  }
0x82: {  	_ =	shalt  }
0x83: {  	_ =	shalt  }
0x84: {  	_ =	shalt  }
0x85: {  	_ =	shalt  }
0x86: {  	_ =	shalt  }
0x87: {  	_ =	shalt  }
.Lfunc_end0:
.L_simem_size_0:
called_computation.2_lowered:
.L_overlay_start_0:
0x88: {  	s2 =	sld [smem:$0x3FD9]  }
0x89: {  	s3 =	sld [smem:$0x3FFE];
	_ =	sdelay $0x1  }
0x8a: {  	s1 =	srdreg.scid  }
0x8b: {  	s0 =	sand.u32 $0x1, s1  }
0x8c: {  	s16 =	sshll.u32 s0, $0xA;
	s2 =	sadd.s32 s3, s2  }
0x8d: {  	s2 =	sadd.s32 s2, s16  }
0x8e: {  	[smem:$0x3FB7] =	sst s2  }
0x8f: {  	_ = 	snop  }
0x90: {  	(tm) =	ssettm $0x1  }
0x91: {  	s17 =	sld [smem:$0x3FFB];
	_ =	sdelay $0x3  }
0x92: {  	_ =	strace s17  }
0x93: {  	s2 =	sld [smem:$0x3FFC];
	_ =	sdelay $0x3  }
0x94: {  	_ =	strace s2  }
0x95: {  	s2 =	sld [smem:$0x3FFD];
	_ =	sdelay $0x3  }
0x96: {  	_ =	strace s2  }
0x97: {  	_ =	strace $0x8FFFFFFF  }
0x98: {  	s18 =	sld [smem:$0x3FDB];
	_ =	sdelay $0x1  }
0x99: {  	s19 =	simm.s32 $_scs_section_size  }
0x9a: {  	s4 =	simm.s32 $_size__tile_overlayer_lowered;
	s5 =	simm.s32 $_tile_overlayer_lowered  }
0x9b: {  	s22 =	simm.s32 $0x1BFF;
	s21 =	sshll.u32 s5, $0x1;
	s2 =	sadd.s32 s19, s18  }
0x9c: {  	s6 =	simm.s32 $0x0;
	s20 =	sshll.u32 s4, $0x1;
	s4 =	sadd.s32 s21, s2  }
0x9d: {  	[timem:s6], [sflag:s22] =	dma.local [hbm:s4], s20  }
0x9e: {  	_ =	swait.ge [sflag:s22], s20  }
0x9f: {  	s3 =	ssub.s32 $0x0, s20;
	[sflag:s22] =	ssyncset.done $0x0  }
0xa0: {  	[sflag:s22] =	ssyncadd.s32 s3;
	_ =	sdelay $0x1  }
0xa1: {  	s23 =	simm.s32 $0x1B8B  }
0xa2: {  	_ =	swait.ge [sflag:s23], $0x1  }
0xa3: {  	[sflag:s23] =	ssyncset.done $0x0  }
0xa4: {  	s25 =	simm.s32 $0x1B8E;
	s24 =	sld [smem:$0x3FFE];
	[sflag:s23] =	ssyncadd.s32 $0xFFFFFFFF  }
0xa5: {  	s26 =	simm.s32 $execute0_lowered;
	[smem:$0x3FD2] =	sst s25  }
0xa6: {  	s4 =	sshll.u32 s26, $0x1;
	_ =	strace $0x8000004C;
	[dreg:$0x1] =	wrdreg $0xFFFFFFFF  }
0xa7: {  	s28 =	simm.s32 $_size_execute0_lowered;
	s2 =	sadd.s32 s2, s4;
	[dreg:$0x0] =	wrdreg $0x0  }
0xa8: {  	s4 =	sshll.u32 s28, $0x1;
	[dreg:$0x2] =	wrdreg s2  }
0xa9: {  	[dreg:$0x3] =	wrdreg s4  }
0xaa: {  	[dreg:$0x4] =	wrdreg $0xC0  }
0xab: {  	_ =	task [dreg:s6], $0x5FFFF  }
0xac: {  	[dreg:$0x1] =	wrdreg $0xFFFFFFFF  }
0xad: {  	[dreg:$0x0] =	wrdreg $0x60  }
0xae: {  	[dreg:$0x2] =	wrdreg s24  }
0xaf: {  	[dreg:$0x3] =	wrdreg $0x9F000  }
0xb0: {  	[dreg:$0x4] =	wrdreg $0x9  }
0xb1: {  	_ =	task.clear_ibuf [dreg:s6], $0x5FFFF;
	_ =	strace $0x9000004C  }
0xb2: {  	s29 =	simm.s32 $0x9;
	_ =	strace $0x8000004E  }
0xb3: {  	_ =	swait.ge [sflag:s29], $0x1  }
0xb4: {  	[sflag:s29] =	ssyncadd.s32 $0xFFFFFFFF  }
0xb5: {  	_ =	strace $0x9000004E  }
0xb6: {  	_ =	sfence  }
0xb7: {  	s30 =	sld [smem:$0x0];
	_ =	sdelay $0x2  }
0xb8: {  	s31 =	sshll.u32 s1, $0xD;
	s1 =	sshrl.u32 s1, $0x2  }
0xb9: {  	s3 =	sand.u32 $0x4000, s31;
	s1 =	sadd.s32 s1, s30  }
0xba: {  	s0 =	sor.u32 s3, s0;
	s1 =	sshll.u32 s1, $0x11  }
0xbb: {  	s0 =	sor.u32 s1, s0  }
0xbc: {  	s0 =	sadd.s32 $0x8F2B, s0  }
0xbd: {  	[sflag:s0] =	ssyncadd.remote.s32 $0x1  }
0xbe: {  	_ =	sfence.sel $0xFFFF  }
0xbf: {  	[dreg:$0x0] =	wrdreg $0xFFFFFFFF;
	(pc) =	sbr.abs _section_cstart, $3  }
0xc0: {  	[dreg:$0x1] =	wrdreg $0xFFFFFFFF  }
0xc1: {  	_ =	task.clear_ibuf [dreg:s6], $0x2FFFF;
	_ =	strace $0x9FFFFFFF  }
0xc2: {  	(tm) =	ssettm $0x7FFFFFFF  }
0xc3: {  	_ =	shalt  }
tec
execute0_lowered:
.L_overlay_start_1:
0x0: {  	(tag) =	ssettag $0x1  }
0x1: {  	s0 =	rddreg [dreg:$0x0]  }
0x2: {  	s1 =	srdreg.scid;
	s9 =	stileid.u32;
	s28 =	simm.s32 $0x3  }
0x3: {  	s30 =	simm.s32 $0x4F00;
	s31 =	simm.s32 $0x50;
	s29 =	simm.s32 $0x2  }
0x4: {  	s1 =	sand.u32 $0x1, s1;
	s2 =	sshrl.u32 s9, $0x2;
	s7 =	smul.u32 $0x50000, s9  }
0x5: {  	s3 =	sshll.u32 s9, $0x8;
	s6 =	sadd.s32 $0x3E600, s0;
	s15 =	smul.u32 $0x280, s9  }
0x6: {  	s4 =	smul.u32 $0x13C00, s2;
	s5 =	sshll.u32 s1, $0x7;
	s3 =	sand.u32 $0x300, s3  }
0x7: {  	s2 =	rddreg [dreg:$0x1];
	s21 =	ssub.s32 $0x2, s1;
	s1 =	smul.u32 $0x2800, s1  }
0x8: {  	s5 =	sor.u32 s5, s3;
	s3 =	simm.s32 $0x0;
	s8 =	sshrl.u32 s21, $0x1  }
0x9: {  	s7 =	sshrl.u32 s7, $0x2;
	s23 =	sor.u32 $0x50, s15;
	s16 =	sadd.s32 $0xA0, s15  }
0xa: {  	s17 =	sadd.s32 $0xF0, s15;
	s26 =	sadd.s32 $0x140, s15;
	s18 =	sadd.s32 $0x190, s15  }
0xb: {  	s19 =	sadd.s32 $0x1E0, s15;
	s20 =	sadd.s32 $0x230, s15;
	s4 =	sor.u32 s4, s5  }
0xc: {  	[smem:$0x7FF] =	sst s3;
	s24 =	sshll.u32 s23, $0x7;
	s25 =	sshll.u32 s16, $0x7  }
0xd: {  	s11 =	sshll.u32 s17, $0x7;
	s12 =	sshll.u32 s26, $0x7;
	s13 =	sshll.u32 s18, $0x7  }
0xe: {  	s14 =	sshll.u32 s19, $0x7;
	s15 =	sadd.s32 s15, s1;
	s5 =	sshrl.u32 s4, $0x3  }
0xf: {  	_ =	strace $0x8000004D;
	s4 =	sadd.s32 $0x17400, s0;
	[dreg:$0x3] =	wrdreg s6  }
0x10: {  	s6 =	ssub.s32 s21, s8;
	s8 =	sadd.s32 s7, s2;
	s9 =	sadd.s32 s24, s2  }
0x11: {  	s10 =	sadd.s32 s25, s2;
	s11 =	sadd.s32 s11, s2;
	s12 =	sadd.s32 s12, s2  }
0x12: {  	s13 =	sadd.s32 s13, s2;
	s14 =	sadd.s32 s14, s2;
	s21 =	sadd.s32 s1, s16  }
0x13: {  	s7 =	sadd.s32 s1, s26;
	s24 =	sadd.s32 s1, s19;
	s19 =	sshll.u32 s15, $0x4  }
0x14: {  	s5 =	sadd.s32 s5, s0;
	s0 =	sadd.s32 $0x3EC00, s0;
	s21 =	sshll.u32 s21, $0x4  }
0x15: {  	s7 =	sshll.u32 s7, $0x4;
	s26 =	sshll.u32 s24, $0x4;
	s22 =	sadd.s32 $0xD600, s5  }
0x16: {  	s24 =	smax.u32 s6, $0x1;
	s5 =	sadd.s32 $0x3800, s5;
	[dreg:$0x4] =	wrdreg s22  }
0x17: {  	[dreg:$0x5] =	wrdreg s5;
	s5 =	sadd.s32 s1, s23;
	s22 =	sadd.s32 s1, s17  }
0x18: {  	s23 =	sadd.s32 s1, s18;
	s1 =	sadd.s32 s1, s20;
	s18 =	sshll.u32 s20, $0x7  }
0x19: {  	s20 =	sadd.s32 s0, s19;
	s5 =	sshll.u32 s5, $0x4;
	s15 =	sadd.s32 s18, s2  }
0x1a: {  	[dreg:$0x6] =	wrdreg s20;
	s22 =	sshll.u32 s22, $0x4;
	s20 =	sadd.s32 s0, s7  }
0x1b: {  	s25 =	sshll.u32 s23, $0x4;
	s1 =	sshll.u32 s1, $0x4;
	s5 =	sadd.s32 s0, s5  }
0x1c: {  	s19 =	sadd.s32 s0, s22;
	s22 =	sadd.s32 s0, s26;
	s23 =	sadd.s32 s0, s1  }
0x1d: {  	s26 =	simm.s32 $0x400;
	s1 =	simm.s32 $0x7700;
	[dreg:$0x7] =	wrdreg s5  }
0x1e: {  	s5 =	sadd.s32 s0, s21;
	s21 =	sadd.s32 s0, s25;
	s25 =	simm.s32 $0x80  }
0x1f: {  	s0 =	simm.s32 $0x1;
	[dreg:$0x8] =	wrdreg s5;
	s5 =	simm.s32 $0x0  }
.LBB2_1:
0x20: {  	s6 =	rddreg [dreg:$0x4]  }
0x21: {  	[tilespmem:s3], [sflag:$0x3] =	stream.strided.gather [hbm4b:s6+s25], $0x2780, s26, s25, $0x38;
	[tilespmem:$0x1DF00] =	vst v63  }
0x22: {  	_ =	swait.ge [sflag:s28], $0x2780  }
0x23: {  	[sflag:s28] =	ssyncset.done $0x0  }
0x24: {  	s7 =	simm.s32 $0x2780;
	s17 =	rddreg [dreg:$0x5];
	[sflag:s28] =	ssyncadd.s32 $0xFFFFD880  }
0x25: {  	[tilespmem:s7], [sflag:$0x3] =	stream.strided.gather [hbm4b:s17+s25], $0x2780, s26, s25, $0x38;
	[tilespmem:$0x1DF00] =	vst v63  }
0x26: {  	_ =	swait.ge [sflag:s28], $0x2780  }
0x27: {  	[sflag:s28] =	ssyncset.done $0x0  }
0x28: {  	s18 =	rddreg [dreg:$0x3];
	[sflag:s28] =	ssyncadd.s32 $0xFFFFD880  }
0x29: {  	[tilespmem:s30], [sflag:$0x3] =	stream.linear.gather [hbm4b:s18+s3], $0x2800, $0x38;
	[tilespmem:$0x1DF00] =	vst v63  }
0x2a: {  	_ =	swait.ge [sflag:s28], $0x2800  }
0x2b: {  	[sflag:s28] =	ssyncset.done $0x0  }
0x2c: {  	[sflag:s28] =	ssyncadd.s32 $0xFFFFD800  }
0x2d: {  	[spmem:s8] =	stream.linear.scatter [tilespmem:s30], [sflag:$0x3], $0x2800, $0x38;
	[tilespmem:$0x1DF00] =	vst v63  }
0x2e: {  	_ =	swait.ge [sflag:s28], $0x2800  }
0x2f: {  	[sflag:s28] =	ssyncset.done $0x0  }
0x30: {  	[sflag:s28] =	ssyncadd.s32 $0xFFFFD800  }
0x31: {  	[spmem:s9] =	stream.linear.scatter [tilespmem:s30], [sflag:$0x3], $0x2800, $0x38;
	[tilespmem:$0x1DF00] =	vst v63  }
0x32: {  	_ =	swait.ge [sflag:s28], $0x2800  }
0x33: {  	[sflag:s28] =	ssyncset.done $0x0  }
0x34: {  	[sflag:s28] =	ssyncadd.s32 $0xFFFFD800  }
0x35: {  	[spmem:s10] =	stream.linear.scatter [tilespmem:s30], [sflag:$0x3], $0x2800, $0x38;
	[tilespmem:$0x1DF00] =	vst v63  }
0x36: {  	_ =	swait.ge [sflag:s28], $0x2800  }
0x37: {  	[sflag:s28] =	ssyncset.done $0x0  }
0x38: {  	[sflag:s28] =	ssyncadd.s32 $0xFFFFD800  }
0x39: {  	[spmem:s11] =	stream.linear.scatter [tilespmem:s30], [sflag:$0x3], $0x2800, $0x38;
	[tilespmem:$0x1DF00] =	vst v63  }
0x3a: {  	_ =	swait.ge [sflag:s28], $0x2800  }
0x3b: {  	[sflag:s28] =	ssyncset.done $0x0  }
0x3c: {  	[sflag:s28] =	ssyncadd.s32 $0xFFFFD800  }
0x3d: {  	[spmem:s12] =	stream.linear.scatter [tilespmem:s30], [sflag:$0x3], $0x2800, $0x38;
	[tilespmem:$0x1DF00] =	vst v63  }
0x3e: {  	_ =	swait.ge [sflag:s28], $0x2800  }
0x3f: {  	[sflag:s28] =	ssyncset.done $0x0  }
0x40: {  	[sflag:s28] =	ssyncadd.s32 $0xFFFFD800  }
0x41: {  	[spmem:s13] =	stream.linear.scatter [tilespmem:s30], [sflag:$0x3], $0x2800, $0x38;
	[tilespmem:$0x1DF00] =	vst v63  }
0x42: {  	_ =	swait.ge [sflag:s28], $0x2800  }
0x43: {  	[sflag:s28] =	ssyncset.done $0x0  }
0x44: {  	[sflag:s28] =	ssyncadd.s32 $0xFFFFD800  }
0x45: {  	[spmem:s14] =	stream.linear.scatter [tilespmem:s30], [sflag:$0x3], $0x2800, $0x38;
	[tilespmem:$0x1DF00] =	vst v63  }
0x46: {  	_ =	swait.ge [sflag:s28], $0x2800  }
0x47: {  	[sflag:s28] =	ssyncset.done $0x0  }
0x48: {  	[sflag:s28] =	ssyncadd.s32 $0xFFFFD800  }
0x49: {  	[spmem:s15] =	stream.linear.scatter [tilespmem:s30], [sflag:$0x3], $0x2800, $0x38;
	[tilespmem:$0x1DF00] =	vst v63  }
0x4a: {  	_ =	swait.ge [sflag:s28], $0x2800  }
0x4b: {  	[sflag:s28] =	ssyncset.done $0x0  }
0x4c: {  	[sflag:s28] =	ssyncadd.s32 $0xFFFFD800  }
0x4d: {  	[bflag:$0x0] =	sbarrier.arrive $0xFFFF  }
0x4e: {  	[tilespmem:s30], [sflag:$0x1] =	stream.indirect.gather [hbm4b:s4+s31], $0x80, s3, s31, $0xb8;
	[tilespmem:$0x1DF00] =	vst v63  }
0x4f: {  	s7 =	simm.s32 $0x50  }
0x50: {  	[tilespmem:s1], [sflag:$0x2] =	stream.indirect.gather [hbm4b:s4+s31], $0x80, s7, s31, $0xb8;
	[tilespmem:$0x1DF00] =	vst v63  }
0x51: {  	_ =	swait.ge [sflag:s0], $0x2800  }
0x52: {  	[sflag:s0] =	ssyncset.done $0x0  }
0x53: {  	s16 =	simm.s32 $0x2780;
	[sflag:s0] =	ssyncadd.s32 $0xFFFFD800  }
0x54: {  	[spmem:s2] =	stream.indirect.scatter.add.f32 [tilespmem:s30], [sflag:$0x3], $0x80, s16, s31, $0xb8;
	[tilespmem:$0x1DF00] =	vst v63  }
0x55: {  	_ =	swait.ge [sflag:s28], $0x2800  }
0x56: {  	[sflag:s28] =	ssyncset.done $0x0  }
0x57: {  	s17 =	simm.s32 $0xA0;
	[sflag:s28] =	ssyncadd.s32 $0xFFFFD800  }
0x58: {  	[tilespmem:s30], [sflag:$0x1] =	stream.indirect.gather [hbm4b:s4+s31], $0x80, s17, s31, $0xb8;
	[tilespmem:$0x1DF00] =	vst v63  }
0x59: {  	_ =	swait.ge [sflag:s29], $0x2800  }
0x5a: {  	[sflag:s29] =	ssyncset.done $0x0  }
0x5b: {  	s18 =	simm.s32 $0x27D0;
	[sflag:s29] =	ssyncadd.s32 $0xFFFFD800  }
0x5c: {  	[spmem:s2] =	stream.indirect.scatter.add.f32 [tilespmem:s1], [sflag:$0x3], $0x80, s18, s31, $0xb8;
	[tilespmem:$0x1DF00] =	vst v63  }
0x5d: {  	_ =	swait.ge [sflag:s28], $0x2800  }
0x5e: {  	s6 =	simm.s32 $0xA0;
	s7 =	simm.s32 $0x500;
	[sflag:s28] =	ssyncset.done $0x0  }
.LBB2_2:
0x5f: {  	s16 =	sadd.s32 $0x50, s6  }
0x60: {  	[sflag:s28] =	ssyncadd.s32 $0xFFFFD800;
	s17 =	smov.u32 s7;
	s18 =	sadd.s32 $0x280, s7  }
0x61: {  	[tilespmem:s1], [sflag:$0x2] =	stream.indirect.gather [hbm4b:s4+s31], $0x80, s16, s31, $0xb8;
	[tilespmem:$0x1DF00] =	vst v63  }
0x62: {  	p0 =	sne.s32 s7, $0x9880;
	_ =	swait.ge [sflag:s0], $0x2800  }
0x63: {  	[sflag:s0] =	ssyncset.done $0x0  }
0x64: {  	s7 =	sadd.s32 $0x2780, s6;
	[sflag:s0] =	ssyncadd.s32 $0xFFFFD800  }
0x65: {  	[spmem:s2] =	stream.indirect.scatter.add.f32 [tilespmem:s30], [sflag:$0x3], $0x80, s7, s31, $0xb8;
	[tilespmem:$0x1DF00] =	vst v63  }
0x66: {  	_ =	swait.ge [sflag:s28], $0x2800  }
0x67: {  	[sflag:s28] =	ssyncset.done $0x0  }
0x68: {  	s7 =	sadd.s32 $0xA0, s6;
	[sflag:s28] =	ssyncadd.s32 $0xFFFFD800  }
0x69: {  	[tilespmem:s30], [sflag:$0x1] =	stream.indirect.gather [hbm4b:s4+s31], $0x80, s7, s31, $0xb8;
	[tilespmem:$0x1DF00] =	vst v63  }
0x6a: {  	_ =	swait.ge [sflag:s29], $0x2800  }
.Ltmp0:
0x6b: {  	[sflag:s29] =	ssyncset.done $0x0;
	(pc) =	sbr.rel @p0 .LBB2_2-.Ltmp0, $4  }
0x6c: {  	s6 =	sadd.s32 $0x27D0, s6;
	[sflag:s29] =	ssyncadd.s32 $0xFFFFD800  }
0x6d: {  	[spmem:s2] =	stream.indirect.scatter.add.f32 [tilespmem:s1], [sflag:$0x3], $0x80, s6, s31, $0xb8;
	[tilespmem:$0x1DF00] =	vst v63  }
0x6e: {  	_ =	swait.ge [sflag:s28], $0x2800  }
0x6f: {  	s7 =	smov.u32 s18;
	s6 =	sshra.s32 s17, $0x2;
	[sflag:s28] =	ssyncset.done $0x0  }
0x70: {  	s7 =	sadd.s32 $0x50, s6;
	[sflag:s28] =	ssyncadd.s32 $0xFFFFD800  }
0x71: {  	[tilespmem:s1], [sflag:$0x2] =	stream.indirect.gather [hbm4b:s4+s31], $0x80, s7, s31, $0xb8;
	[tilespmem:$0x1DF00] =	vst v63  }
0x72: {  	_ =	swait.ge [sflag:s0], $0x2800  }
0x73: {  	[sflag:s0] =	ssyncset.done $0x0  }
0x74: {  	s16 =	sadd.s32 $0x2780, s6;
	[sflag:s0] =	ssyncadd.s32 $0xFFFFD800  }
0x75: {  	[spmem:s2] =	stream.indirect.scatter.add.f32 [tilespmem:s30], [sflag:$0x3], $0x80, s16, s31, $0xb8;
	[tilespmem:$0x1DF00] =	vst v63  }
0x76: {  	_ =	swait.ge [sflag:s28], $0x2800  }
0x77: {  	[sflag:s28] =	ssyncset.done $0x0  }
0x78: {  	s17 =	sadd.s32 $0xA0, s6;
	[sflag:s28] =	ssyncadd.s32 $0xFFFFD800  }
0x79: {  	[tilespmem:s30], [sflag:$0x1] =	stream.indirect.gather [hbm4b:s4+s31], $0x80, s17, s31, $0xb8;
	[tilespmem:$0x1DF00] =	vst v63  }
0x7a: {  	_ =	swait.ge [sflag:s29], $0x2800  }
0x7b: {  	[sflag:s29] =	ssyncset.done $0x0  }
0x7c: {  	s18 =	sadd.s32 $0x27D0, s6;
	[sflag:s29] =	ssyncadd.s32 $0xFFFFD800  }
0x7d: {  	[spmem:s2] =	stream.indirect.scatter.add.f32 [tilespmem:s1], [sflag:$0x3], $0x80, s18, s31, $0xb8;
	[tilespmem:$0x1DF00] =	vst v63  }
0x7e: {  	_ =	swait.ge [sflag:s28], $0x2800  }
0x7f: {  	[sflag:s28] =	ssyncset.done $0x0  }
0x80: {  	[sflag:s28] =	ssyncadd.s32 $0xFFFFD800  }
0x81: {  	_ =	swait.ge [sflag:s0], $0x2800  }
0x82: {  	[sflag:s0] =	ssyncset.done $0x0  }
0x83: {  	s7 =	simm.s32 $0x4E40;
	[sflag:s0] =	ssyncadd.s32 $0xFFFFD800  }
0x84: {  	[spmem:s2] =	stream.indirect.scatter.add.f32 [tilespmem:s30], [sflag:$0x3], $0x80, s7, s31, $0xb8;
	[tilespmem:$0x1DF00] =	vst v63  }
0x85: {  	_ =	swait.ge [sflag:s28], $0x2800  }
0x86: {  	[sflag:s28] =	ssyncset.done $0x0  }
0x87: {  	[sflag:s28] =	ssyncadd.s32 $0xFFFFD800  }
0x88: {  	[bflag:$0x0] =	sbarrier.arrive $0xFFFF  }
0x89: {  	[tilespmem:s30], [sflag:$0x3] =	stream.linear.gather [spmem:s8], $0x2800, $0x38;
	[tilespmem:$0x1DF00] =	vst v63  }
0x8a: {  	_ =	swait.ge [sflag:s28], $0x2800  }
0x8b: {  	[sflag:s28] =	ssyncset.done $0x0  }
0x8c: {  	s16 =	rddreg [dreg:$0x6];
	[sflag:s28] =	ssyncadd.s32 $0xFFFFD800  }
0x8d: {  	[hbm4b:s16+s3] =	stream.linear.scatter [tilespmem:s30], [sflag:$0x3], $0x2800, $0x38;
	[tilespmem:$0x1DF00] =	vst v63  }
0x8e: {  	_ =	swait.ge [sflag:s28], $0x2800  }
0x8f: {  	[sflag:s28] =	ssyncset.done $0x0  }
0x90: {  	[sflag:s28] =	ssyncadd.s32 $0xFFFFD800  }
0x91: {  	[tilespmem:s30], [sflag:$0x3] =	stream.linear.gather [spmem:s9], $0x2800, $0x38;
	[tilespmem:$0x1DF00] =	vst v63  }
0x92: {  	_ =	swait.ge [sflag:s28], $0x2800  }
0x93: {  	[sflag:s28] =	ssyncset.done $0x0  }
0x94: {  	s17 =	rddreg [dreg:$0x7];
	[sflag:s28] =	ssyncadd.s32 $0xFFFFD800  }
0x95: {  	[hbm4b:s17+s3] =	stream.linear.scatter [tilespmem:s30], [sflag:$0x3], $0x2800, $0x38;
	[tilespmem:$0x1DF00] =	vst v63  }
0x96: {  	_ =	swait.ge [sflag:s28], $0x2800  }
0x97: {  	[sflag:s28] =	ssyncset.done $0x0  }
0x98: {  	[sflag:s28] =	ssyncadd.s32 $0xFFFFD800  }
0x99: {  	[tilespmem:s30], [sflag:$0x3] =	stream.linear.gather [spmem:s10], $0x2800, $0x38;
	[tilespmem:$0x1DF00] =	vst v63  }
0x9a: {  	_ =	swait.ge [sflag:s28], $0x2800  }
0x9b: {  	[sflag:s28] =	ssyncset.done $0x0  }
0x9c: {  	s18 =	rddreg [dreg:$0x8];
	[sflag:s28] =	ssyncadd.s32 $0xFFFFD800  }
0x9d: {  	[hbm4b:s18+s3] =	stream.linear.scatter [tilespmem:s30], [sflag:$0x3], $0x2800, $0x38;
	[tilespmem:$0x1DF00] =	vst v63  }
0x9e: {  	_ =	swait.ge [sflag:s28], $0x2800  }
0x9f: {  	[sflag:s28] =	ssyncset.done $0x0  }
0xa0: {  	[sflag:s28] =	ssyncadd.s32 $0xFFFFD800  }
0xa1: {  	[tilespmem:s30], [sflag:$0x3] =	stream.linear.gather [spmem:s11], $0x2800, $0x38;
	[tilespmem:$0x1DF00] =	vst v63  }
0xa2: {  	_ =	swait.ge [sflag:s28], $0x2800  }
0xa3: {  	[sflag:s28] =	ssyncset.done $0x0  }
0xa4: {  	[sflag:s28] =	ssyncadd.s32 $0xFFFFD800  }
0xa5: {  	[hbm4b:s19+s3] =	stream.linear.scatter [tilespmem:s30], [sflag:$0x3], $0x2800, $0x38;
	[tilespmem:$0x1DF00] =	vst v63  }
0xa6: {  	_ =	swait.ge [sflag:s28], $0x2800  }
0xa7: {  	[sflag:s28] =	ssyncset.done $0x0  }
0xa8: {  	[sflag:s28] =	ssyncadd.s32 $0xFFFFD800  }
0xa9: {  	[tilespmem:s30], [sflag:$0x3] =	stream.linear.gather [spmem:s12], $0x2800, $0x38;
	[tilespmem:$0x1DF00] =	vst v63  }
0xaa: {  	_ =	swait.ge [sflag:s28], $0x2800  }
0xab: {  	[sflag:s28] =	ssyncset.done $0x0  }
0xac: {  	[sflag:s28] =	ssyncadd.s32 $0xFFFFD800  }
0xad: {  	[hbm4b:s20+s3] =	stream.linear.scatter [tilespmem:s30], [sflag:$0x3], $0x2800, $0x38;
	[tilespmem:$0x1DF00] =	vst v63  }
0xae: {  	_ =	swait.ge [sflag:s28], $0x2800  }
0xaf: {  	[sflag:s28] =	ssyncset.done $0x0  }
0xb0: {  	[sflag:s28] =	ssyncadd.s32 $0xFFFFD800  }
0xb1: {  	[tilespmem:s30], [sflag:$0x3] =	stream.linear.gather [spmem:s13], $0x2800, $0x38;
	[tilespmem:$0x1DF00] =	vst v63  }
0xb2: {  	_ =	swait.ge [sflag:s28], $0x2800  }
0xb3: {  	[sflag:s28] =	ssyncset.done $0x0  }
0xb4: {  	[sflag:s28] =	ssyncadd.s32 $0xFFFFD800  }
0xb5: {  	[hbm4b:s21+s3] =	stream.linear.scatter [tilespmem:s30], [sflag:$0x3], $0x2800, $0x38;
	[tilespmem:$0x1DF00] =	vst v63  }
0xb6: {  	_ =	swait.ge [sflag:s28], $0x2800  }
0xb7: {  	[sflag:s28] =	ssyncset.done $0x0  }
0xb8: {  	[sflag:s28] =	ssyncadd.s32 $0xFFFFD800  }
0xb9: {  	[tilespmem:s30], [sflag:$0x3] =	stream.linear.gather [spmem:s14], $0x2800, $0x38;
	[tilespmem:$0x1DF00] =	vst v63  }
0xba: {  	_ =	swait.ge [sflag:s28], $0x2800  }
0xbb: {  	[sflag:s28] =	ssyncset.done $0x0  }
0xbc: {  	[sflag:s28] =	ssyncadd.s32 $0xFFFFD800  }
0xbd: {  	[hbm4b:s22+s3] =	stream.linear.scatter [tilespmem:s30], [sflag:$0x3], $0x2800, $0x38;
	[tilespmem:$0x1DF00] =	vst v63  }
0xbe: {  	_ =	swait.ge [sflag:s28], $0x2800  }
0xbf: {  	[sflag:s28] =	ssyncset.done $0x0  }
0xc0: {  	[sflag:s28] =	ssyncadd.s32 $0xFFFFD800  }
0xc1: {  	[tilespmem:s30], [sflag:$0x3] =	stream.linear.gather [spmem:s15], $0x2800, $0x38;
	[tilespmem:$0x1DF00] =	vst v63  }
0xc2: {  	s5 =	sadd.s32 $0x1, s5;
	_ =	swait.ge [sflag:s28], $0x2800  }
0xc3: {  	p0 =	sne.s32 s5, s24;
	[sflag:s28] =	ssyncset.done $0x0  }
.Ltmp1:
0xc4: {  	[sflag:s28] =	ssyncadd.s32 $0xFFFFD800;
	(pc) =	sbr.rel @p0 .LBB2_1-.Ltmp1, $4  }
0xc5: {  	[hbm4b:s23+s3] =	stream.linear.scatter [tilespmem:s30], [sflag:$0x3], $0x2800, $0x38;
	[tilespmem:$0x1DF00] =	vst v63  }
0xc6: {  	_ =	swait.ge [sflag:s28], $0x2800  }
0xc7: {  	[sflag:s28] =	ssyncset.done $0x0  }
0xc8: {  	[sflag:s28] =	ssyncadd.s32 $0xFFFFD800  }
0xc9: {  	_ =	sfence.sel $0x180000  }
0xca: {  	[bflag:$0x0] =	sbarrier.arrive $0xFFFF  }
0xcb: {  	_ =	strace $0x9000004D  }
0xcc: {  	s0 =	stileid.u32;
	[bflag:$0x2] =	sbarrier.arrive $0xFFFF  }
0xcd: {  	p0 =	sne.s32 s0, $0x0;
	s0 =	rddreg [dreg:$0x2]  }
0xce: {  	s0 =	sadd.s32 @!p0 $0x100000, s0  }
0xcf: {  	[sflag:s0] =	ssyncadd.tile.s32 @!p0 $0x1;
	_ =	shalt  }
.Lfunc_end2:
_tile_overlayer_lowered:
.L_overlay_start_2:
0xd0: {  	(tag) =	ssettag $0x2  }
0xd1: {  	s0 =	rddreg [dreg:$0x0];
	s2 =	stileid.u32  }
0xd2: {  	s1 =	rddreg [dreg:$0x1];
	p0 =	sne.s32 s2, $0x0  }
0xd3: {  	s3 =	rddreg [dreg:$0x2];
	[bflag:$0x3] =	sbarrier.arrive $0xFFFF;
	s2 =	simm.s32 @!p0 $0x1C03  }
0xd4: {  	[timem:s3], [sflag:s2] =	dma.local @!p0 [hbm:s0], s1  }
0xd5: {  	s0 =	simm.s32 @!p0 $0x3  }
0xd6: {  	_ =	swait.ge @!p0 [sflag:s0], s1  }
0xd7: {  	s1 =	ssub.s32 @!p0 $0x0, s1;
	[sflag:s0] =	ssyncset.done @!p0 $0x0  }
0xd8: {  	[sflag:s0] =	ssyncadd.s32 @!p0 s1  }
0xd9: {  	[bflag:$0x3] =	sbarrier.arrive $0xFFFF  }
0xda: {  	_ =	shalt  }

// kernel: kernel.9.cloned.1.call-start
scs
__scs_entry_jumppad:
0x0: {  	(pc) =	sbr.rel $0x88, $3  }
0x1: {  	(tag) =	ssettag $0x0;
	lr =	simm.s32 $0x1  }
0x2: {  	[smem:$0x3F90] =	sst lr;
	_ =	strace $0xD0000000  }
0x3: {  	_ = 	snop  }
0x4: {  	_ = 	snop  }
0x5: {  	_ = 	snop  }
0x6: {  	_ = 	snop  }
0x7: {  	_ = 	snop  }
__scs_overlays_trampoline_lowered:
0x8: {  	[smem:$0x3F9F] =	sst s0  }
0x9: {  	[smem:$0x3FA0] =	sst s1  }
0xa: {  	[smem:$0x3FA1] =	sst s2  }
0xb: {  	[smem:$0x3FA2] =	sst s3  }
0xc: {  	[smem:$0x3FA3] =	sst s4  }
0xd: {  	[smem:$0x3FA4] =	sst s5  }
0xe: {  	[smem:$0x3FA5] =	sst s6  }
0xf: {  	[smem:$0x3FA6] =	sst s7  }
0x10: {  	[smem:$0x3FA7] =	sst s8  }
0x11: {  	[smem:$0x3FA8] =	sst s9;
	s0 =	simm.s32 @!p0 $0x0  }
0x12: {  	s1 =	sld [smem:$0x3F8E];
	s0 =	simm.s32 @p0 $0x1  }
0x13: {  	[smem:$0x3FA9] =	sst s0;
	s0 =	simm.s32 @!p1 $0x0  }
0x14: {  	s2 =	sld [smem:$0x3F8D];
	s0 =	simm.s32 @p1 $0x1  }
0x15: {  	[smem:$0x3FAA] =	sst s0;
	s0 =	simm.s32 @!p2 $0x0  }
0x16: {  	s3 =	sld [smem:$0x3FDB];
	s0 =	simm.s32 @p2 $0x1  }
0x17: {  	s4 =	simm.s32 $0x1BF5;
	[smem:$0x3FAC] =	sst s0  }
0x18: {  	s0 =	sld [smem:$0x3F8F];
	_ =	swait.ge [sflag:s4], $0x0  }
0x19: {  	s7 =	sld [smem:$0x3F90]  }
0x1a: {  	s8 =	sadd.s32 $0xFFFFE003, lr  }
0x1b: {  	s9 =	sadd.s32 $0xFFFFFEF7, lr;
	s5 =	simm.s32 $0xFFFFFFFF;
	p2 =	slt.u32 s8, $0xFFFFF086  }
0x1c: {  	p1 =	slt.u32 s9, $0xF7A;
	s5 =	simm.s32 @!p2 $0x0  }
0x1d: {  	s5 =	simm.s32 @p1 $0x1;
	p0 =	seq.s32 s7, s2  }
0x1e: {  	s7 =	smul.u32 @!p0 $0xF7A, s2;
	p2 =	seq.s32 @!p0 s5, $0x0  }
0x1f: {  	s9 =	smul.u32 $0xF7A, s1;
	s8 =	simm.s32 @!p0 $0x1BF5;
	p2 =	por !p2, p0  }
0x20: {  	[sflag:s8] =	ssyncset.s32 @!p0 $0xFFFFF086;
	s6 =	sadd.s32 @!p0 s3, s7;
	s7 =	simm.s32 @!p0 $0x108  }
0x21: {  	s3 =	sadd.s32 s3, s9;
	s6 =	sadd.s32 @!p0 $0x88, s6;
	s7 =	simm.s32 @p2 $0x1082  }
0x22: {  	[simem:s7], [sflag:s8] =	dma.local @!p0 [hbm:s6], $0xF7A  }
0x23: {  	s9 =	sor.u32 $0xD0000000, s2;
	s6 =	simm.s32 $0x108;
	_ =	swait.ge @!p0 [sflag:s8], $0x0  }
0x24: {  	s3 =	sadd.s32 $0x88, s3;
	s6 =	simm.s32 @!p1 $0x1082;
	[sflag:s4] =	ssyncset.s32 $0xFFFFF086  }
0x25: {  	[simem:s6], [sflag:s4] =	dma.local [hbm:s3], $0xF7A  }
0x26: {  	[smem:$0x3F90] =	sst s1;
	(tag) =	ssettag s2;
	_ =	strace s9  }
0x27: {  	s1 =	sld [smem:$0x3FA0]  }
0x28: {  	s2 =	sld [smem:$0x3FA1]  }
0x29: {  	s4 =	sld [smem:$0x3FA3]  }
0x2a: {  	p0 =	seq.s32 s5, $0x0;
	s5 =	sld [smem:$0x3FA4]  }
0x2b: {  	s6 =	sld [smem:$0x3FA5]  }
0x2c: {  	s7 =	sld [smem:$0x3FA6]  }
0x2d: {  	s3 =	simm.s32 $0x108;
	s8 =	sld [smem:$0x3FA7]  }
0x2e: {  	s3 =	simm.s32 @!p0 $0x1082;
	s9 =	sld [smem:$0x3FA8]  }
0x2f: {  	lr =	sadd.s32 s0, s3;
	s0 =	sld [smem:$0x3F9F]  }
0x30: {  	s3 =	sld [smem:$0x3FA2]  }
0x31: {  	[smem:$0x3FAB] =	sst s10  }
0x32: {  	s10 =	sld [smem:$0x3FA9];
	_ =	sdelay $0x3  }
0x33: {  	p0 =	seq.s32 s10, $0x1;
	s10 =	sld [smem:$0x3FAB];
	_ =	sdelay $0x3  }
0x34: {  	[smem:$0x3FAB] =	sst s10  }
0x35: {  	s10 =	sld [smem:$0x3FAA];
	_ =	sdelay $0x3  }
0x36: {  	p1 =	seq.s32 s10, $0x1;
	s10 =	sld [smem:$0x3FAB];
	_ =	sdelay $0x3  }
0x37: {  	[smem:$0x3FAB] =	sst s10  }
0x38: {  	s10 =	sld [smem:$0x3FAC]  }
0x39: {  	_ = 	snop;
	(pc) =	sbr.ind lr, $3  }
0x3a: {  	_ = 	snop  }
0x3b: {  	_ = 	snop  }
0x3c: {  	p2 =	seq.s32 s10, $0x1;
	s10 =	sld [smem:$0x3FAB]  }
0x3d: {  	_ =	shalt  }
0x3e: {  	_ =	shalt  }
0x3f: {  	_ =	shalt  }
0x40: {  	_ =	shalt  }
0x41: {  	_ =	shalt  }
0x42: {  	_ =	shalt  }
0x43: {  	_ =	shalt  }
0x44: {  	_ =	shalt  }
0x45: {  	_ =	shalt  }
0x46: {  	_ =	shalt  }
0x47: {  	_ =	shalt  }
0x48: {  	_ =	shalt  }
0x49: {  	_ =	shalt  }
0x4a: {  	_ =	shalt  }
0x4b: {  	_ =	shalt  }
0x4c: {  	_ =	shalt  }
0x4d: {  	_ =	shalt  }
0x4e: {  	_ =	shalt  }
0x4f: {  	_ =	shalt  }
0x50: {  	_ =	shalt  }
0x51: {  	_ =	shalt  }
0x52: {  	_ =	shalt  }
0x53: {  	_ =	shalt  }
0x54: {  	_ =	shalt  }
0x55: {  	_ =	shalt  }
0x56: {  	_ =	shalt  }
0x57: {  	_ =	shalt  }
0x58: {  	_ =	shalt  }
0x59: {  	_ =	shalt  }
0x5a: {  	_ =	shalt  }
0x5b: {  	_ =	shalt  }
0x5c: {  	_ =	shalt  }
0x5d: {  	_ =	shalt  }
0x5e: {  	_ =	shalt  }
0x5f: {  	_ =	shalt  }
0x60: {  	_ =	shalt  }
0x61: {  	_ =	shalt  }
0x62: {  	_ =	shalt  }
0x63: {  	_ =	shalt  }
0x64: {  	_ =	shalt  }
0x65: {  	_ =	shalt  }
0x66: {  	_ =	shalt  }
0x67: {  	_ =	shalt  }
0x68: {  	_ =	shalt  }
0x69: {  	_ =	shalt  }
0x6a: {  	_ =	shalt  }
0x6b: {  	_ =	shalt  }
0x6c: {  	_ =	shalt  }
0x6d: {  	_ =	shalt  }
0x6e: {  	_ =	shalt  }
0x6f: {  	_ =	shalt  }
0x70: {  	_ =	shalt  }
0x71: {  	_ =	shalt  }
0x72: {  	_ =	shalt  }
0x73: {  	_ =	shalt  }
0x74: {  	_ =	shalt  }
0x75: {  	_ =	shalt  }
0x76: {  	_ =	shalt  }
0x77: {  	_ =	shalt  }
0x78: {  	_ =	shalt  }
0x79: {  	_ =	shalt  }
0x7a: {  	_ =	shalt  }
0x7b: {  	_ =	shalt  }
0x7c: {  	_ =	shalt  }
0x7d: {  	_ =	shalt  }
0x7e: {  	_ =	shalt  }
0x7f: {  	_ =	shalt  }
0x80: {  	_ =	shalt  }
0x81: {  	_ =	shalt  }
0x82: {  	_ =	shalt  }
0x83: {  	_ =	shalt  }
0x84: {  	_ =	shalt  }
0x85: {  	_ =	shalt  }
0x86: {  	_ =	shalt  }
0x87: {  	_ =	shalt  }
.Lfunc_end0:
.L_simem_size_0:
called_computation_lowered:
.L_overlay_start_0:
0x88: {  	s2 =	sld [smem:$0x3FD9]  }
0x89: {  	s3 =	sld [smem:$0x3FFE];
	_ =	sdelay $0x1  }
0x8a: {  	s1 =	srdreg.scid  }
0x8b: {  	s0 =	sand.u32 $0x1, s1  }
0x8c: {  	s17 =	sshll.u32 s0, $0xA;
	s2 =	sadd.s32 s3, s2  }
0x8d: {  	s2 =	sadd.s32 s2, s17  }
0x8e: {  	[smem:$0x3FB7] =	sst s2  }
0x8f: {  	_ = 	snop  }
0x90: {  	(tm) =	ssettm $0x1  }
0x91: {  	s18 =	sld [smem:$0x3FFB];
	_ =	sdelay $0x3  }
0x92: {  	_ =	strace s18  }
0x93: {  	s2 =	sld [smem:$0x3FFC];
	_ =	sdelay $0x3  }
0x94: {  	_ =	strace s2  }
0x95: {  	s2 =	sld [smem:$0x3FFD];
	_ =	sdelay $0x3  }
0x96: {  	_ =	strace s2  }
0x97: {  	_ =	strace $0x8FFFFFFF  }
0x98: {  	s19 =	sld [smem:$0x3FDB];
	_ =	sdelay $0x1  }
0x99: {  	s20 =	simm.s32 $_scs_section_size  }
0x9a: {  	s4 =	simm.s32 $_size__tile_overlayer_lowered;
	s5 =	simm.s32 $_tile_overlayer_lowered  }
0x9b: {  	s6 =	simm.s32 $0x1BFF;
	s21 =	sshll.u32 s5, $0x1;
	s3 =	sadd.s32 s20, s19  }
0x9c: {  	s22 =	simm.s32 $0x0;
	s4 =	sshll.u32 s4, $0x1;
	s5 =	sadd.s32 s21, s3  }
0x9d: {  	[timem:s22], [sflag:s6] =	dma.local [hbm:s5], s4  }
0x9e: {  	_ =	swait.ge [sflag:s6], s4  }
0x9f: {  	s4 =	ssub.s32 $0x0, s4;
	[sflag:s6] =	ssyncset.done $0x0  }
0xa0: {  	[sflag:s6] =	ssyncadd.s32 s4;
	_ =	sdelay $0x1  }
0xa1: {  	s23 =	simm.s32 $0x1B8B  }
0xa2: {  	_ =	swait.ge [sflag:s23], $0x1  }
0xa3: {  	[sflag:s23] =	ssyncset.done $0x0  }
0xa4: {  	[sflag:s23] =	ssyncadd.s32 $0xFFFFFFFF  }
0xa5: {  	s4 =	sld [smem:$0x0]  }
0xa6: {  	s5 =	sand.u32 $0xFFFFFFFE, s1  }
0xa7: {  	p0 =	sne.s32 s1, s5  }
0xa8: {  	s5 =	sshll.u32 @p0 s5, $0xE  }
0xa9: {  	s5 =	sadd.s32 @p0 $0x11B8D, s5;
	s6 =	sshll.u32 @p0 s4, $0x11  }
0xaa: {  	s5 =	sor.u32 @p0 s6, s5  }
0xab: {  	[sflag:s5] =	ssyncadd.remote.s32 @p0 $0x1;
	_ =	sdelay $0x1  }
0xac: {  	s5 =	simm.s32 @p0 $0x1B8D  }
0xad: {  	_ =	swait.eq @p0 [sflag:s5], $0x1  }
0xae: {  	[sflag:s5] =	ssyncadd.s32 @p0 $0xFFFFFFFF  }
0xaf: {  	s6 =	sshll.u32 @!p0 s1, $0xE  }
0xb0: {  	s6 =	sor.u32 @!p0 $0x4000, s6;
	s5 =	simm.s32 @!p0 $0x1B8D  }
0xb1: {  	s4 =	sshll.u32 @!p0 s4, $0x11;
	s6 =	sadd.s32 @!p0 $0x11B8D, s6;
	_ =	swait.eq @!p0 [sflag:s5], $0x1  }
0xb2: {  	s4 =	sor.u32 @!p0 s4, s6;
	[sflag:s5] =	ssyncadd.s32 @!p0 $0xFFFFFFFF  }
0xb3: {  	s25 =	simm.s32 $0x1B8E;
	s24 =	sld [smem:$0x3FFE];
	[sflag:s4] =	ssyncadd.remote.s32 @!p0 $0x1  }
0xb4: {  	s26 =	simm.s32 $execute0_lowered;
	[smem:$0x3FD2] =	sst s25  }
0xb5: {  	s5 =	sshll.u32 s26, $0x1;
	_ =	strace $0x80000049;
	[dreg:$0x1] =	wrdreg $0xFFFFFFFF  }
0xb6: {  	s28 =	simm.s32 $_size_execute0_lowered;
	s3 =	sadd.s32 s3, s5;
	[dreg:$0x0] =	wrdreg $0x0  }
0xb7: {  	s5 =	sshll.u32 s28, $0x1;
	[dreg:$0x2] =	wrdreg s3  }
0xb8: {  	[dreg:$0x3] =	wrdreg s5  }
0xb9: {  	[dreg:$0x4] =	wrdreg $0xC0  }
0xba: {  	_ =	task [dreg:s22], $0x5FFFF  }
0xbb: {  	[dreg:$0x1] =	wrdreg $0xFFFFFFFF  }
0xbc: {  	[dreg:$0x0] =	wrdreg $0x60  }
0xbd: {  	[dreg:$0x2] =	wrdreg s24  }
0xbe: {  	[dreg:$0x3] =	wrdreg $0x77800  }
0xbf: {  	[dreg:$0x4] =	wrdreg $0x9  }
0xc0: {  	_ =	task.clear_ibuf [dreg:s22], $0x5FFFF;
	_ =	strace $0x90000049  }
0xc1: {  	s29 =	simm.s32 $0x9;
	_ =	strace $0x8000004B  }
0xc2: {  	_ =	swait.ge [sflag:s29], $0x1  }
0xc3: {  	[sflag:s29] =	ssyncadd.s32 $0xFFFFFFFF  }
0xc4: {  	_ =	strace $0x9000004B  }
0xc5: {  	_ =	sfence  }
0xc6: {  	s30 =	sld [smem:$0x0];
	_ =	sdelay $0x2  }
0xc7: {  	s31 =	sshll.u32 s1, $0xD;
	s1 =	sshrl.u32 s1, $0x2  }
0xc8: {  	s4 =	sand.u32 $0x4000, s31;
	s1 =	sadd.s32 s1, s30  }
0xc9: {  	s0 =	sor.u32 s4, s0;
	s1 =	sshll.u32 s1, $0x11  }
0xca: {  	s0 =	sor.u32 s1, s0  }
0xcb: {  	s0 =	sadd.s32 $0x8F2B, s0  }
0xcc: {  	[sflag:s0] =	ssyncadd.remote.s32 $0x1  }
0xcd: {  	_ =	sfence.sel $0xFFFF  }
0xce: {  	[dreg:$0x0] =	wrdreg $0xFFFFFFFF;
	(pc) =	sbr.abs _section_cstart, $3  }
0xcf: {  	[dreg:$0x1] =	wrdreg $0xFFFFFFFF  }
0xd0: {  	_ =	task.clear_ibuf [dreg:s22], $0x2FFFF;
	_ =	strace $0x9FFFFFFF  }
0xd1: {  	(tm) =	ssettm $0x7FFFFFFF  }
tec
execute0_lowered:
.L_overlay_start_1:
0x0: {  	(tag) =	ssettag $0x1  }
0x1: {  	s2 =	rddreg [dreg:$0x0]  }
0x2: {  	s1 =	rddreg [dreg:$0x1]  }
0x3: {  	s3 =	srdreg.scid;
	s0 =	stileid.u32  }
0x4: {  	s28 =	simm.s32 $0x4F80;
	s29 =	simm.s32 $0x2780;
	s30 =	simm.s32 $0x50  }
0x5: {  	s31 =	simm.s32 $0x0;
	s11 =	sand.u32 $0x1, s3;
	s14 =	smul.u32 $0x280, s0  }
0x6: {  	s19 =	sshrl.u32 s0, $0x2;
	s4 =	sshll.u32 s0, $0x8;
	s9 =	smul.u32 $0x50000, s0  }
0x7: {  	s3 =	simm.s32 $0x0;
	s5 =	smul.u32 $0x13C00, s19;
	s6 =	sshll.u32 s11, $0x7  }
0x8: {  	s4 =	sand.u32 $0x300, s4;
	[smem:$0x7FF] =	sst s3;
	s7 =	ssub.s32 $0x2, s11  }
0x9: {  	s4 =	sor.u32 s6, s4;
	_ =	strace $0x8000004A;
	s8 =	sshrl.u32 s7, $0x1  }
0xa: {  	s21 =	sshrl.u32 s9, $0x2;
	s15 =	sor.u32 $0x50, s14;
	s17 =	sadd.s32 $0xA0, s14  }
0xb: {  	s18 =	sadd.s32 $0xF0, s14;
	s19 =	sadd.s32 $0x140, s14;
	s4 =	sor.u32 s5, s4  }
0xc: {  	s5 =	sadd.s32 $0x8EC00, s2;
	s23 =	ssub.s32 s7, s8;
	s7 =	sadd.s32 s21, s1  }
0xd: {  	s22 =	sshll.u32 s15, $0x7;
	s24 =	sshll.u32 s17, $0x7;
	s10 =	sshll.u32 s18, $0x7  }
0xe: {  	s12 =	sshll.u32 s19, $0x7;
	s21 =	sadd.s32 $0x1E0, s14;
	s4 =	sshrl.u32 s4, $0x3  }
0xf: {  	s8 =	sadd.s32 s22, s1;
	s9 =	sadd.s32 s24, s1;
	s10 =	sadd.s32 s10, s1  }
0x10: {  	s22 =	smul.u32 $0x2800, s11;
	s11 =	sadd.s32 s12, s1;
	s25 =	sshll.u32 s21, $0x7  }
0x11: {  	s24 =	sadd.s32 $0x230, s14;
	s23 =	smax.u32 s23, $0x1;
	s20 =	sadd.s32 s4, s2  }
0x12: {  	s4 =	sadd.s32 $0x3E600, s2;
	s2 =	sadd.s32 $0x8F200, s2;
	s16 =	sshll.u32 s24, $0x7  }
0x13: {  	s6 =	sadd.s32 $0x3800, s20;
	s20 =	sadd.s32 $0x190, s14;
	s14 =	sadd.s32 s14, s22  }
0x14: {  	s26 =	sadd.s32 s22, s15;
	s17 =	sadd.s32 s22, s17;
	s18 =	sadd.s32 s22, s18  }
0x15: {  	s19 =	sadd.s32 s22, s19;
	s21 =	sadd.s32 s22, s21;
	s13 =	sshll.u32 s20, $0x7  }
0x16: {  	s26 =	sshll.u32 s26, $0x4;
	s17 =	sshll.u32 s17, $0x4;
	s18 =	sshll.u32 s18, $0x4  }
0x17: {  	s19 =	sshll.u32 s19, $0x4;
	s20 =	sadd.s32 s22, s20;
	s21 =	sshll.u32 s21, $0x4  }
0x18: {  	s22 =	sadd.s32 s22, s24;
	s24 =	simm.s32 $0x80;
	s12 =	sadd.s32 s13, s1  }
0x19: {  	s13 =	sadd.s32 s25, s1;
	s25 =	sshll.u32 s14, $0x4;
	s14 =	sadd.s32 s16, s1  }
0x1a: {  	s16 =	sadd.s32 s2, s26;
	s17 =	sadd.s32 s2, s17;
	s18 =	sadd.s32 s2, s18  }
0x1b: {  	s19 =	sadd.s32 s2, s19;
	s20 =	sshll.u32 s20, $0x4;
	s21 =	sadd.s32 s2, s21  }
0x1c: {  	s22 =	sshll.u32 s22, $0x4;
	s26 =	simm.s32 $0x1;
	s15 =	sadd.s32 s2, s25  }
0x1d: {  	s20 =	sadd.s32 s2, s20;
	s22 =	sadd.s32 s2, s22;
	s25 =	simm.s32 $0x400  }
.LBB2_1:
0x1e: {  	[tilespmem:s3], [sflag:$0x1] =	stream.strided.gather [hbm4b:s6+s24], $0x2780, s25, s24, $0x38;
	[tilespmem:$0x1B780] =	vst v63  }
0x1f: {  	_ =	swait.ge [sflag:s26], $0x2780  }
0x20: {  	[sflag:s26] =	ssyncset.done $0x0  }
0x21: {  	[sflag:s26] =	ssyncadd.s32 $0xFFFFD880  }
0x22: {  	[tilespmem:s28], [sflag:$0x1] =	stream.linear.gather [hbm4b:s4+s3], $0x2800, $0x38;
	[tilespmem:$0x1B780] =	vst v63  }
0x23: {  	_ =	swait.ge [sflag:s26], $0x2800  }
0x24: {  	[sflag:s26] =	ssyncset.done $0x0  }
0x25: {  	[sflag:s26] =	ssyncadd.s32 $0xFFFFD800  }
0x26: {  	[tilespmem:s29], [sflag:$0x1] =	stream.linear.gather [hbm4b:s5+s3], $0x2800, $0x38;
	[tilespmem:$0x1B780] =	vst v63  }
0x27: {  	_ =	swait.ge [sflag:s26], $0x2800  }
0x28: {  	[sflag:s26] =	ssyncset.done $0x0  }
0x29: {  	[sflag:s26] =	ssyncadd.s32 $0xFFFFD800  }
0x2a: {  	[spmem:s7] =	stream.linear.scatter [tilespmem:s28], [sflag:$0x1], $0x2800, $0x38;
	[tilespmem:$0x1B780] =	vst v63  }
0x2b: {  	_ =	swait.ge [sflag:s26], $0x2800  }
0x2c: {  	[sflag:s26] =	ssyncset.done $0x0  }
0x2d: {  	[sflag:s26] =	ssyncadd.s32 $0xFFFFD800  }
0x2e: {  	[spmem:s8] =	stream.linear.scatter [tilespmem:s28], [sflag:$0x1], $0x2800, $0x38;
	[tilespmem:$0x1B780] =	vst v63  }
0x2f: {  	_ =	swait.ge [sflag:s26], $0x2800  }
0x30: {  	[sflag:s26] =	ssyncset.done $0x0  }
0x31: {  	[sflag:s26] =	ssyncadd.s32 $0xFFFFD800  }
0x32: {  	[spmem:s9] =	stream.linear.scatter [tilespmem:s28], [sflag:$0x1], $0x2800, $0x38;
	[tilespmem:$0x1B780] =	vst v63  }
0x33: {  	_ =	swait.ge [sflag:s26], $0x2800  }
0x34: {  	[sflag:s26] =	ssyncset.done $0x0  }
0x35: {  	[sflag:s26] =	ssyncadd.s32 $0xFFFFD800  }
0x36: {  	[spmem:s10] =	stream.linear.scatter [tilespmem:s28], [sflag:$0x1], $0x2800, $0x38;
	[tilespmem:$0x1B780] =	vst v63  }
0x37: {  	_ =	swait.ge [sflag:s26], $0x2800  }
0x38: {  	[sflag:s26] =	ssyncset.done $0x0  }
0x39: {  	[sflag:s26] =	ssyncadd.s32 $0xFFFFD800  }
0x3a: {  	[spmem:s11] =	stream.linear.scatter [tilespmem:s28], [sflag:$0x1], $0x2800, $0x38;
	[tilespmem:$0x1B780] =	vst v63  }
0x3b: {  	_ =	swait.ge [sflag:s26], $0x2800  }
0x3c: {  	[sflag:s26] =	ssyncset.done $0x0  }
0x3d: {  	[sflag:s26] =	ssyncadd.s32 $0xFFFFD800  }
0x3e: {  	[spmem:s12] =	stream.linear.scatter [tilespmem:s28], [sflag:$0x1], $0x2800, $0x38;
	[tilespmem:$0x1B780] =	vst v63  }
0x3f: {  	_ =	swait.ge [sflag:s26], $0x2800  }
0x40: {  	[sflag:s26] =	ssyncset.done $0x0  }
0x41: {  	[sflag:s26] =	ssyncadd.s32 $0xFFFFD800  }
0x42: {  	[spmem:s13] =	stream.linear.scatter [tilespmem:s28], [sflag:$0x1], $0x2800, $0x38;
	[tilespmem:$0x1B780] =	vst v63  }
0x43: {  	_ =	swait.ge [sflag:s26], $0x2800  }
0x44: {  	[sflag:s26] =	ssyncset.done $0x0  }
0x45: {  	[sflag:s26] =	ssyncadd.s32 $0xFFFFD800  }
0x46: {  	[spmem:s14] =	stream.linear.scatter [tilespmem:s28], [sflag:$0x1], $0x2800, $0x38;
	[tilespmem:$0x1B780] =	vst v63  }
0x47: {  	_ =	swait.ge [sflag:s26], $0x2800  }
0x48: {  	[sflag:s26] =	ssyncset.done $0x0  }
0x49: {  	[sflag:s26] =	ssyncadd.s32 $0xFFFFD800  }
0x4a: {  	s2 =	simm.s32 $0x0;
	[bflag:$0x0] =	sbarrier.arrive $0xFFFF  }
0x4b: {  	[spmem:s1] =	stream.indirect.scatter.add.f32 [tilespmem:s29], [sflag:$0x1], $0x80, s2, s30, $0xb8;
	[tilespmem:$0x1B780] =	vst v63  }
0x4c: {  	_ =	swait.ge [sflag:s26], $0x2800  }
0x4d: {  	s2 =	simm.s32 $0x140;
	[sflag:s26] =	ssyncset.done $0x0  }
.LBB2_2:
0x4e: {  	s0 =	sshra.s32 s2, $0x2;
	[sflag:s26] =	ssyncadd.s32 $0xFFFFD800;
	p0 =	sne.s32 s2, $0x9B00  }
0x4f: {  	[spmem:s1] =	stream.indirect.scatter.add.f32 [tilespmem:s29], [sflag:$0x1], $0x80, s0, s30, $0xb8;
	[tilespmem:$0x1B780] =	vst v63  }
.Ltmp0:
0x50: {  	_ = 	snop;
	(pc) =	sbr.rel @p0 .LBB2_2-.Ltmp0, $4  }
0x51: {  	_ = 	snop  }
0x52: {  	s2 =	sadd.s32 $0x140, s2  }
0x53: {  	_ =	swait.ge [sflag:s26], $0x2800  }
0x54: {  	[sflag:s26] =	ssyncset.done $0x0  }
0x55: {  	[sflag:s26] =	ssyncadd.s32 $0xFFFFD800  }
0x56: {  	[bflag:$0x0] =	sbarrier.arrive $0xFFFF  }
0x57: {  	[tilespmem:s28], [sflag:$0x1] =	stream.linear.gather [spmem:s7], $0x2800, $0x38;
	[tilespmem:$0x1B780] =	vst v63  }
0x58: {  	_ =	swait.ge [sflag:s26], $0x2800  }
0x59: {  	[sflag:s26] =	ssyncset.done $0x0  }
0x5a: {  	[sflag:s26] =	ssyncadd.s32 $0xFFFFD800  }
0x5b: {  	[hbm4b:s15+s3] =	stream.linear.scatter [tilespmem:s28], [sflag:$0x1], $0x2800, $0x38;
	[tilespmem:$0x1B780] =	vst v63  }
0x5c: {  	_ =	swait.ge [sflag:s26], $0x2800  }
0x5d: {  	[sflag:s26] =	ssyncset.done $0x0  }
0x5e: {  	[sflag:s26] =	ssyncadd.s32 $0xFFFFD800  }
0x5f: {  	[tilespmem:s28], [sflag:$0x1] =	stream.linear.gather [spmem:s8], $0x2800, $0x38;
	[tilespmem:$0x1B780] =	vst v63  }
0x60: {  	_ =	swait.ge [sflag:s26], $0x2800  }
0x61: {  	[sflag:s26] =	ssyncset.done $0x0  }
0x62: {  	[sflag:s26] =	ssyncadd.s32 $0xFFFFD800  }
0x63: {  	[hbm4b:s16+s3] =	stream.linear.scatter [tilespmem:s28], [sflag:$0x1], $0x2800, $0x38;
	[tilespmem:$0x1B780] =	vst v63  }
0x64: {  	_ =	swait.ge [sflag:s26], $0x2800  }
0x65: {  	[sflag:s26] =	ssyncset.done $0x0  }
0x66: {  	[sflag:s26] =	ssyncadd.s32 $0xFFFFD800  }
0x67: {  	[tilespmem:s28], [sflag:$0x1] =	stream.linear.gather [spmem:s9], $0x2800, $0x38;
	[tilespmem:$0x1B780] =	vst v63  }
0x68: {  	_ =	swait.ge [sflag:s26], $0x2800  }
0x69: {  	[sflag:s26] =	ssyncset.done $0x0  }
0x6a: {  	[sflag:s26] =	ssyncadd.s32 $0xFFFFD800  }
0x6b: {  	[hbm4b:s17+s3] =	stream.linear.scatter [tilespmem:s28], [sflag:$0x1], $0x2800, $0x38;
	[tilespmem:$0x1B780] =	vst v63  }
0x6c: {  	_ =	swait.ge [sflag:s26], $0x2800  }
0x6d: {  	[sflag:s26] =	ssyncset.done $0x0  }
0x6e: {  	[sflag:s26] =	ssyncadd.s32 $0xFFFFD800  }
0x6f: {  	[tilespmem:s28], [sflag:$0x1] =	stream.linear.gather [spmem:s10], $0x2800, $0x38;
	[tilespmem:$0x1B780] =	vst v63  }
0x70: {  	_ =	swait.ge [sflag:s26], $0x2800  }
0x71: {  	[sflag:s26] =	ssyncset.done $0x0  }
0x72: {  	[sflag:s26] =	ssyncadd.s32 $0xFFFFD800  }
0x73: {  	[hbm4b:s18+s3] =	stream.linear.scatter [tilespmem:s28], [sflag:$0x1], $0x2800, $0x38;
	[tilespmem:$0x1B780] =	vst v63  }
0x74: {  	_ =	swait.ge [sflag:s26], $0x2800  }
0x75: {  	[sflag:s26] =	ssyncset.done $0x0  }
0x76: {  	[sflag:s26] =	ssyncadd.s32 $0xFFFFD800  }
0x77: {  	[tilespmem:s28], [sflag:$0x1] =	stream.linear.gather [spmem:s11], $0x2800, $0x38;
	[tilespmem:$0x1B780] =	vst v63  }
0x78: {  	_ =	swait.ge [sflag:s26], $0x2800  }
0x79: {  	[sflag:s26] =	ssyncset.done $0x0  }
0x7a: {  	[sflag:s26] =	ssyncadd.s32 $0xFFFFD800  }
0x7b: {  	[hbm4b:s19+s3] =	stream.linear.scatter [tilespmem:s28], [sflag:$0x1], $0x2800, $0x38;
	[tilespmem:$0x1B780] =	vst v63  }
0x7c: {  	_ =	swait.ge [sflag:s26], $0x2800  }
0x7d: {  	[sflag:s26] =	ssyncset.done $0x0  }
0x7e: {  	[sflag:s26] =	ssyncadd.s32 $0xFFFFD800  }
0x7f: {  	[tilespmem:s28], [sflag:$0x1] =	stream.linear.gather [spmem:s12], $0x2800, $0x38;
	[tilespmem:$0x1B780] =	vst v63  }
0x80: {  	_ =	swait.ge [sflag:s26], $0x2800  }
0x81: {  	[sflag:s26] =	ssyncset.done $0x0  }
0x82: {  	[sflag:s26] =	ssyncadd.s32 $0xFFFFD800  }
0x83: {  	[hbm4b:s20+s3] =	stream.linear.scatter [tilespmem:s28], [sflag:$0x1], $0x2800, $0x38;
	[tilespmem:$0x1B780] =	vst v63  }
0x84: {  	_ =	swait.ge [sflag:s26], $0x2800  }
0x85: {  	[sflag:s26] =	ssyncset.done $0x0  }
0x86: {  	[sflag:s26] =	ssyncadd.s32 $0xFFFFD800  }
0x87: {  	[tilespmem:s28], [sflag:$0x1] =	stream.linear.gather [spmem:s13], $0x2800, $0x38;
	[tilespmem:$0x1B780] =	vst v63  }
0x88: {  	_ =	swait.ge [sflag:s26], $0x2800  }
0x89: {  	[sflag:s26] =	ssyncset.done $0x0  }
0x8a: {  	[sflag:s26] =	ssyncadd.s32 $0xFFFFD800  }
0x8b: {  	[hbm4b:s21+s3] =	stream.linear.scatter [tilespmem:s28], [sflag:$0x1], $0x2800, $0x38;
	[tilespmem:$0x1B780] =	vst v63  }
0x8c: {  	_ =	swait.ge [sflag:s26], $0x2800  }
0x8d: {  	[sflag:s26] =	ssyncset.done $0x0  }
0x8e: {  	[sflag:s26] =	ssyncadd.s32 $0xFFFFD800  }
0x8f: {  	[tilespmem:s28], [sflag:$0x1] =	stream.linear.gather [spmem:s14], $0x2800, $0x38;
	[tilespmem:$0x1B780] =	vst v63  }
0x90: {  	s31 =	sadd.s32 $0x1, s31;
	_ =	swait.ge [sflag:s26], $0x2800  }
0x91: {  	p0 =	sne.s32 s31, s23;
	[sflag:s26] =	ssyncset.done $0x0  }
.Ltmp1:
0x92: {  	[sflag:s26] =	ssyncadd.s32 $0xFFFFD800;
	(pc) =	sbr.rel @p0 .LBB2_1-.Ltmp1, $4  }
0x93: {  	[hbm4b:s22+s3] =	stream.linear.scatter [tilespmem:s28], [sflag:$0x1], $0x2800, $0x38;
	[tilespmem:$0x1B780] =	vst v63  }
0x94: {  	_ =	swait.ge [sflag:s26], $0x2800  }
0x95: {  	[sflag:s26] =	ssyncset.done $0x0  }
0x96: {  	[sflag:s26] =	ssyncadd.s32 $0xFFFFD800  }
0x97: {  	_ =	sfence.sel $0x180000  }
0x98: {  	[bflag:$0x0] =	sbarrier.arrive $0xFFFF  }
0x99: {  	_ =	strace $0x9000004A  }
0x9a: {  	s0 =	stileid.u32;
	[bflag:$0x2] =	sbarrier.arrive $0xFFFF  }
0x9b: {  	p0 =	sne.s32 s0, $0x0;
	s0 =	rddreg [dreg:$0x2]  }
0x9c: {  	s0 =	sadd.s32 @!p0 $0x100000, s0  }
0x9d: {  	[sflag:s0] =	ssyncadd.tile.s32 @!p0 $0x1;
	_ =	shalt  }
.Lfunc_end2:
_tile_overlayer_lowered:
.L_overlay_start_2:
0x9e: {  	(tag) =	ssettag $0x2  }
0x9f: {  	s0 =	rddreg [dreg:$0x0];
	s2 =	stileid.u32  }
0xa0: {  	s1 =	rddreg [dreg:$0x1];
	p0 =	sne.s32 s2, $0x0  }
0xa1: {  	s3 =	rddreg [dreg:$0x2];
	[bflag:$0x3] =	sbarrier.arrive $0xFFFF;
	s2 =	simm.s32 @!p0 $0x1C01  }
0xa2: {  	[timem:s3], [sflag:s2] =	dma.local @!p0 [hbm:s0], s1  }
0xa3: {  	s0 =	simm.s32 @!p0 $0x1  }
0xa4: {  	_ =	swait.ge @!p0 [sflag:s0], s1  }
0xa5: {  	s1 =	ssub.s32 @!p0 $0x0, s1;
	[sflag:s0] =	ssyncset.done @!p0 $0x0  }
0xa6: {  	[sflag:s0] =	ssyncadd.s32 @!p0 s1  }
0xa7: {  	[bflag:$0x3] =	sbarrier.arrive $0xFFFF  }
0xa8: {  	_ =	shalt  }

</sc_bundles>
